<compile_context>
chip_gen: v7x
topology: tpu7x:2x2x1
jax: 0.10.2.dev20260603
libtpu: 0.0.44.dev20260713+nightly
codegen_flags: <defaults>
</compile_context>

<pallas_src>
import functools

import jax
import jax.numpy as jnp
from jax import lax
from jax.experimental import pallas as pl
from jax.experimental.pallas import tpu as pltpu
from jax.experimental.pallas import tpu_sc as plsc

N = 10000
E = 320000
D = 128
OUT = 64

NP = 10240
NC = 2
NS = 16
NW = NC * NS
EPW = E // NW
K = 80
NCHUNK = EPW // K
RPT = NP // NS
ZR = 80
OH = EPW // 2

_SC_MESH = plsc.VectorSubcoreMesh(core_axis_name="c", subcore_axis_name="s")

_SC_SCRATCH = [
    pltpu.VMEM((EPW,), jnp.int32),
    pltpu.VMEM((EPW,), jnp.int32),
    pltpu.VMEM((K, D), jnp.float32),
    pltpu.VMEM((K, D), jnp.float32),
    pltpu.VMEM((RPT,), jnp.float32),
    pltpu.VMEM((OH,), jnp.float32),
    pltpu.VMEM_SHARED((NP, D), jnp.float32),
    pltpu.VMEM_SHARED((NP,), jnp.float32),
    pltpu.SemaphoreType.DMA,
    pltpu.SemaphoreType.DMA,
    pltpu.SemaphoreType.DMA,
]


def _sc_agg_body(with_deg, x_hbm, src_hbm, dst_hbm, agg_out, deg_out,
                 src_all, dst_all, rowsA, rowsB,
                 stage1_v, ones_v, acc_sh, deg_sh, semA, semB, semD):
    c = lax.axis_index("c")
    s = lax.axis_index("s")
    wid = c * NS + s
    zero16 = jnp.zeros((16,), jnp.float32)
    one16 = jnp.ones((16,), jnp.float32)

    tb = s * RPT
    ebase = pl.multiple_of(wid * EPW, 8)
    pltpu.async_copy(src_hbm.at[pl.ds(ebase, EPW)], src_all, semA)
    pltpu.async_copy(dst_hbm.at[pl.ds(ebase, EPW)], dst_all, semB)

    def _zero_rows(i, carry):
        rowsA[i // 8, pl.ds((i % 8) * 16, 16)] = zero16
        return carry

    lax.fori_loop(0, ZR * (D // 16), _zero_rows, 0)

    if with_deg:
        def _zero_s1(i, carry):
            stage1_v[pl.ds(i * 16, 16)] = zero16
            return carry

        lax.fori_loop(0, RPT // 16, _zero_s1, 0)

        def _fill_ones(i, carry):
            ones_v[pl.ds(i * 16, 16)] = one16
            return carry

        lax.fori_loop(0, OH // 16, _fill_ones, 0)
        ones_v[pl.ds(OH - 16, 16)] = one16

    for j in range(RPT // ZR):
        pltpu.sync_copy(rowsA.at[pl.ds(0, ZR)],
                        acc_sh.at[pl.ds(tb + j * ZR, ZR)])
    if with_deg:
        pltpu.sync_copy(stage1_v, deg_sh.at[pl.ds(tb, RPT)])
    pltpu.make_async_copy(src_hbm.at[pl.ds(ebase, EPW)], src_all, semA).wait()
    pltpu.make_async_copy(dst_hbm.at[pl.ds(ebase, EPW)], dst_all, semB).wait()
    plsc.subcore_barrier()

    def _scatter(rows, lo):
        pltpu.sync_copy(rows, acc_sh.at[dst_all.at[pl.ds(lo, K)]], add=True)

    def _gather(lo, rows, sem):
        pltpu.async_copy(x_hbm.at[src_all.at[pl.ds(lo, K)]], rows, sem)

    def _gwait(lo, rows, sem):
        pltpu.make_async_copy(x_hbm.at[src_all.at[pl.ds(lo, K)]], rows,
                              sem).wait()

    _gather(0, rowsA, semA)
    if with_deg:
        pltpu.async_copy(ones_v, deg_sh.at[dst_all.at[pl.ds(0, OH)]], semD,
                         add=True)
        pltpu.async_copy(ones_v, deg_sh.at[dst_all.at[pl.ds(OH, OH)]], semD,
                         add=True)

    def _pair(j, carry):
        lo0 = 2 * j * K
        _gwait(lo0, rowsA, semA)
        _gather(lo0 + K, rowsB, semB)
        _scatter(rowsA, lo0)
        _gwait(lo0 + K, rowsB, semB)
        _gather(lo0 + 2 * K, rowsA, semA)
        _scatter(rowsB, lo0 + K)
        return carry

    lax.fori_loop(0, (NCHUNK - 1) // 2, _pair, 0)
    _gwait((NCHUNK - 1) * K, rowsA, semA)
    _scatter(rowsA, (NCHUNK - 1) * K)
    if with_deg:
        pltpu.make_async_copy(ones_v, deg_sh.at[dst_all.at[pl.ds(0, OH)]],
                              semD).wait()
        pltpu.make_async_copy(ones_v, deg_sh.at[dst_all.at[pl.ds(OH, OH)]],
                              semD).wait()
    plsc.subcore_barrier()

    CO = 80
    for j in range(RPT // CO):
        r0 = tb + j * CO
        pltpu.sync_copy(acc_sh.at[pl.ds(r0, CO)], rowsA.at[pl.ds(0, CO)])
        pltpu.sync_copy(rowsA.at[pl.ds(0, CO)], agg_out.at[c, pl.ds(r0, CO)])
    if with_deg:
        pltpu.sync_copy(deg_sh.at[pl.ds(tb, RPT)], stage1_v)
        pltpu.sync_copy(stage1_v, deg_out.at[c, pl.ds(tb, RPT)])


@functools.partial(
    pl.kernel,
    out_type=[
        jax.ShapeDtypeStruct((NC, NP, D), jnp.float32),
        jax.ShapeDtypeStruct((NC, NP), jnp.float32),
    ],
    mesh=_SC_MESH,
    scratch_types=_SC_SCRATCH,
)
def _sc_agg(x_hbm, src_hbm, dst_hbm, agg_out, deg_out, *scratch):
    _sc_agg_body(True, x_hbm, src_hbm, dst_hbm, agg_out, deg_out, *scratch)


@functools.partial(
    pl.kernel,
    out_type=jax.ShapeDtypeStruct((NC, NP, D), jnp.float32),
    mesh=_SC_MESH,
    scratch_types=_SC_SCRATCH,
)
def _sc_agg_nodeg(x_hbm, src_hbm, dst_hbm, agg_out, *scratch):
    _sc_agg_body(False, x_hbm, src_hbm, dst_hbm, agg_out, None, *scratch)


_BLK = 2000


def _self_body(x_ref, w_ref, b_ref, out_ref):
    out_ref[...] = (jnp.dot(x_ref[...], w_ref[...],
                            preferred_element_type=jnp.float32)
                    + b_ref[...])


_tc_self = pl.pallas_call(
    _self_body,
    grid=(N // _BLK,),
    in_specs=[
        pl.BlockSpec((_BLK, D), lambda i: (i, 0)),
        pl.BlockSpec((D, D), lambda i: (0, 0)),
        pl.BlockSpec((1, D), lambda i: (0, 0)),
    ],
    out_specs=pl.BlockSpec((_BLK, D), lambda i: (i, 0)),
    out_shape=jax.ShapeDtypeStruct((N, D), jnp.float32),
)


def _layer1_body(xs_ref, agg_ref, deg_ref, wn_ref, out_ref, scale_ref):
    deg = deg_ref[0] + deg_ref[1]
    scale = 1.0 / jnp.maximum(deg, 1.0)
    scale_ref[...] = scale
    aggs = agg_ref[0] + agg_ref[1]
    hn = aggs * scale
    h = xs_ref[...] + jnp.dot(hn, wn_ref[...],
                              preferred_element_type=jnp.float32)
    out_ref[...] = jnp.maximum(h, 0.0)


_tc_layer1 = pl.pallas_call(
    _layer1_body,
    grid=(N // _BLK,),
    in_specs=[
        pl.BlockSpec((_BLK, D), lambda i: (i, 0)),
        pl.BlockSpec((NC, _BLK, D), lambda i: (0, i, 0)),
        pl.BlockSpec((NC, _BLK, 1), lambda i: (0, i, 0)),
        pl.BlockSpec((D, D), lambda i: (0, 0)),
    ],
    out_specs=[
        pl.BlockSpec((_BLK, D), lambda i: (i, 0)),
        pl.BlockSpec((_BLK, 1), lambda i: (i, 0)),
    ],
    out_shape=[
        jax.ShapeDtypeStruct((N, D), jnp.float32),
        jax.ShapeDtypeStruct((N, 1), jnp.float32),
    ],
)


def _layer2_body(hs_ref, agg_ref, scale_ref, wn_ref, wc_ref,
                 bc_ref, h2_ref, out_ref):
    aggs = agg_ref[0] + agg_ref[1]
    hn = aggs * scale_ref[...]
    h = hs_ref[...] + jnp.dot(hn, wn_ref[...],
                              preferred_element_type=jnp.float32)
    h2 = jnp.maximum(h, 0.0)
    h2_ref[...] = h2
    out_ref[...] = (jnp.dot(h2, wc_ref[...], preferred_element_type=jnp.float32)
                    + bc_ref[...])


_tc_layer2 = pl.pallas_call(
    _layer2_body,
    grid=(N // _BLK,),
    in_specs=[
        pl.BlockSpec((_BLK, D), lambda i: (i, 0)),
        pl.BlockSpec((NC, _BLK, D), lambda i: (0, i, 0)),
        pl.BlockSpec((_BLK, 1), lambda i: (i, 0)),
        pl.BlockSpec((D, D), lambda i: (0, 0)),
        pl.BlockSpec((D, OUT), lambda i: (0, 0)),
        pl.BlockSpec((1, OUT), lambda i: (0, 0)),
    ],
    out_specs=[
        pl.BlockSpec((_BLK, D), lambda i: (i, 0)),
        pl.BlockSpec((_BLK, OUT), lambda i: (i, 0)),
    ],
    out_shape=[
        jax.ShapeDtypeStruct((N, D), jnp.float32),
        jax.ShapeDtypeStruct((N, OUT), jnp.float32),
    ],
)


def kernel(x, edge_index, W_self1, W_neigh1, b1, W_self2, W_neigh2, b2,
           W_cls, b_cls):
    src = edge_index[0]
    dst = edge_index[1]
    agg1, deg = _sc_agg(x, src, dst)
    xs1 = _tc_self(x, W_self1, b1.reshape(1, D))
    h1, scale = _tc_layer1(xs1, agg1, deg.reshape(NC, NP, 1), W_neigh1)
    agg2 = _sc_agg_nodeg(h1, src, dst)
    hs2 = _tc_self(h1, W_self2, b2.reshape(1, D))
    h2, logits = _tc_layer2(hs2, agg2, scale, W_neigh2,
                            W_cls, b_cls.reshape(1, OUT))
    return (logits, h2)

# --- scband reference (transcript-rebuilt; emitter-appended) ---
"""Pipeline reference for scband-sage-11897059410187 (READ-ONLY COPY).

The authoritative reference and input builder live on the scoring server;
editing this copy changes nothing except your own understanding.
"""

import jax, jax.numpy as jnp
import numpy as np

N = 10000
E = 320000
IN_DIM = 128
HID = 128
OUT = 64


def setup_inputs(seed: int = 0) -> dict:
    key = jax.random.key(seed)
    ks = jax.random.split(key, 12)
    x = jax.random.normal(ks[0], (N, IN_DIM), dtype=jnp.float32)
    edge_index = jax.random.randint(ks[1], (2, E), 0, N, dtype=jnp.int32)
    s_in = 1.0 / np.sqrt(IN_DIM)
    s_h = 1.0 / np.sqrt(HID)
    W_self1 = jax.random.normal(ks[2], (IN_DIM, HID), dtype=jnp.float32) * s_in
    W_neigh1 = jax.random.normal(ks[3], (IN_DIM, HID), dtype=jnp.float32) * s_in
    b1 = jnp.zeros((HID,), dtype=jnp.float32)
    W_self2 = jax.random.normal(ks[4], (HID, HID), dtype=jnp.float32) * s_h
    W_neigh2 = jax.random.normal(ks[5], (HID, HID), dtype=jnp.float32) * s_h
    b2 = jnp.zeros((HID,), dtype=jnp.float32)
    W_cls = jax.random.normal(ks[6], (HID, OUT), dtype=jnp.float32) * s_h
    b_cls = jnp.zeros((OUT,), dtype=jnp.float32)
    return {
        "x": x,
        "edge_index": edge_index,
        "W_self1": W_self1,
        "W_neigh1": W_neigh1,
        "b1": b1,
        "W_self2": W_self2,
        "W_neigh2": W_neigh2,
        "b2": b2,
        "W_cls": W_cls,
        "b_cls": b_cls,
    }


def _sage_conv_mean(h, src, dst, W_self, W_neigh, b):
    # DGL SAGEConv(aggregator_type='mean'):
    # h_neigh[v] = mean_{(u->v) in E} h[u];  out = h @ W_self + h_neigh @ W_neigh + b
    ones = jnp.ones((src.shape[0],), dtype=h.dtype)
    deg = jax.ops.segment_sum(ones, dst, num_segments=N)
    agg = jax.ops.segment_sum(h[src], dst, num_segments=N)
    h_neigh = agg / jnp.maximum(deg, 1.0)[:, None]
    return h @ W_self + h_neigh @ W_neigh + b


def reference(x, edge_index, W_self1, W_neigh1, b1, W_self2, W_neigh2, b2, W_cls, b_cls):
    src = edge_index[0]
    dst = edge_index[1]
    # layer 1: SAGEConv -> (bn=Identity) -> ReLU -> (dropout p=0 == Identity)
    h = _sage_conv_mean(x, src, dst, W_self1, W_neigh1, b1)
    h = jax.nn.relu(h)
    # layer 2
    h = _sage_conv_mean(h, src, dst, W_self2, W_neigh2, b2)
    h = jax.nn.relu(h)
    logits = h @ W_cls + b_cls
    return (logits, h)

if __name__ == "__main__":
    import jax
    _d = setup_inputs()
    print(jax.jit(kernel)(*tuple(_d.values())))

</pallas_src>

<mosaic_0001>
#map = affine_map<(d0, d1) -> (0, 0)>
#map1 = affine_map<(d0, d1) -> (0)>
#map2 = affine_map<(d0, d1) -> (0, 0, 0)>
module attributes {stable_mosaic.version = 14 : i64} {
  func.func @_sc_agg(%arg0: i32, %arg1: i32, %arg2: memref<10000x128xf32, #tpu.memory_space<hbm>>, %arg3: memref<320000xi32, #tpu.memory_space<hbm>>, %arg4: memref<320000xi32, #tpu.memory_space<hbm>>, %arg5: memref<2x10240x128xf32, #tpu.memory_space<hbm>>, %arg6: memref<2x10240xf32, #tpu.memory_space<hbm>>, %arg7: memref<10000xi32, #tpu.memory_space<vmem>>, %arg8: memref<10000xi32, #tpu.memory_space<vmem>>, %arg9: memref<80x128xf32, #tpu.memory_space<vmem>>, %arg10: memref<80x128xf32, #tpu.memory_space<vmem>>, %arg11: memref<640xf32, #tpu.memory_space<vmem>>, %arg12: memref<5000xf32, #tpu.memory_space<vmem>>, %arg13: memref<10240x128xf32, #tpu.memory_space<vmem_shared>>, %arg14: memref<10240xf32, #tpu.memory_space<vmem_shared>>, %arg15: memref<!tpu.dma_semaphore, #tpu.memory_space<semaphore_mem>>, %arg16: memref<!tpu.dma_semaphore, #tpu.memory_space<semaphore_mem>>, %arg17: memref<!tpu.dma_semaphore, #tpu.memory_space<semaphore_mem>>) attributes {dimension_semantics = [#tpu.dimension_semantics<core_parallel>, #tpu.dimension_semantics<subcore_parallel>], iteration_bounds = array<i64: 2, 16>, scalar_prefetch = 0 : i64, scratch_operands = 11 : i64, tpu.core_type = #tpu.core_type<sc_vector_subcore>, window_params = [{transform_indices = #map}, {transform_indices = #map1}, {transform_indices = #map1}, {transform_indices = #map2}, {transform_indices = #map}]} {
    %mul3A = arith.constant 16 : i32
    %mul3A_0 = arith.muli %arg0, %mul3A : i32
    %add3A = arith.addi %mul3A_0, %arg1 : i32
    %broadcast_in_dim3A = arith.constant 0.000000e+00 : f32
    %broadcast_in_dim3A_1 = vector.broadcast %broadcast_in_dim3A : f32 to vector<16xf32>
    %broadcast_in_dim3A_2 = arith.constant 1.000000e+00 : f32
    %broadcast_in_dim3A_3 = vector.broadcast %broadcast_in_dim3A_2 : f32 to vector<16xf32>
    %mul3A_4 = arith.constant 640 : i32
    %mul3A_5 = arith.muli %arg1, %mul3A_4 : i32
    %mul3A_6 = arith.constant 10000 : i32
    %mul3A_7 = arith.muli %add3A, %mul3A_6 : i32
    %multiple_of3A = tpu.assume_multiple %mul3A_7, 8 : i32
    %dma_start3A = tpu.memref_slice %arg3[%multiple_of3A] : memref<320000xi32, #tpu.memory_space<hbm>> -> memref<10000xi32, #tpu.memory_space<hbm>>
    %dma_start3A_8 = tpu.memref_slice %arg3[%multiple_of3A] : memref<320000xi32, #tpu.memory_space<hbm>> -> memref<10000xi32, #tpu.memory_space<hbm>>
    tpu.enqueue_dma source(%dma_start3A_8 : memref<10000xi32, #tpu.memory_space<hbm>>) target(%arg7 : memref<10000xi32, #tpu.memory_space<vmem>>) target_semaphore(%arg15 : memref<!tpu.dma_semaphore, #tpu.memory_space<semaphore_mem>>)
    %dma_start3A_9 = tpu.memref_slice %arg4[%multiple_of3A] : memref<320000xi32, #tpu.memory_space<hbm>> -> memref<10000xi32, #tpu.memory_space<hbm>>
    %dma_start3A_10 = tpu.memref_slice %arg4[%multiple_of3A] : memref<320000xi32, #tpu.memory_space<hbm>> -> memref<10000xi32, #tpu.memory_space<hbm>>
    tpu.enqueue_dma source(%dma_start3A_10 : memref<10000xi32, #tpu.memory_space<hbm>>) target(%arg8 : memref<10000xi32, #tpu.memory_space<vmem>>) target_semaphore(%arg16 : memref<!tpu.dma_semaphore, #tpu.memory_space<semaphore_mem>>)
    %scan3A = arith.constant 0 : i32
    %scan3A_11 = arith.constant 0 : i32
    %scan3A_12 = arith.constant 640 : i32
    %scan3A_13 = arith.addi %scan3A_11, %scan3A_12 : i32
    %scan3A_14 = arith.constant 1 : i32
    scf.for %scan3A_99 = %scan3A_11 to %scan3A_13 step %scan3A_14  : i32 {
      %jit3A = arith.constant 8 : i32
      %div3A = arith.divsi %scan3A_99, %jit3A : i32
      %sign3A = arith.constant 0 : i32
      %sign3A_100 = arith.cmpi sgt, %scan3A_99, %sign3A : i32
      %sign3A_101 = arith.extui %sign3A_100 : i1 to i32
      %sign3A_102 = arith.constant 0 : i32
      %sign3A_103 = arith.cmpi slt, %scan3A_99, %sign3A_102 : i32
      %sign3A_104 = arith.extui %sign3A_103 : i1 to i32
      %sign3A_105 = arith.subi %sign3A_101, %sign3A_104 : i32
      %sign3A_106 = arith.constant 0 : i32
      %sign3A_107 = arith.cmpi sgt, %jit3A, %sign3A_106 : i32
      %sign3A_108 = arith.extui %sign3A_107 : i1 to i32
      %sign3A_109 = arith.constant 0 : i32
      %sign3A_110 = arith.cmpi slt, %jit3A, %sign3A_109 : i32
      %sign3A_111 = arith.extui %sign3A_110 : i1 to i32
      %sign3A_112 = arith.subi %sign3A_108, %sign3A_111 : i32
      %ne3A = arith.cmpi ne, %sign3A_105, %sign3A_112 : i32
      %rem3A = arith.remsi %scan3A_99, %jit3A : i32
      %ne3A_113 = arith.constant 0 : i32
      %ne3A_114 = arith.cmpi ne, %rem3A, %ne3A_113 : i32
      %and3A = arith.andi %ne3A, %ne3A_114 : i1
      %sub3A = arith.constant 1 : i32
      %sub3A_115 = arith.subi %div3A, %sub3A : i32
      %select_n3A = arith.select %and3A, %sub3A_115, %div3A : i32
      %jit3A_116 = arith.constant 8 : i32
      %eq3A = arith.constant 0 : i32
      %eq3A_117 = arith.cmpi eq, %jit3A_116, %eq3A : i32
      %jit3A_118 = arith.constant 1 : i32
      %select_n3A_119 = arith.select %eq3A_117, %jit3A_118, %jit3A_116 : i32
      %rem3A_120 = arith.remsi %scan3A_99, %select_n3A_119 : i32
      %ne3A_121 = arith.constant 0 : i32
      %ne3A_122 = arith.cmpi ne, %rem3A_120, %ne3A_121 : i32
      %lt3A = arith.constant 0 : i32
      %lt3A_123 = arith.cmpi slt, %rem3A_120, %lt3A : i32
      %lt3A_124 = arith.constant 0 : i32
      %lt3A_125 = arith.cmpi slt, %select_n3A_119, %lt3A_124 : i32
      %ne3A_126 = arith.xori %lt3A_123, %lt3A_125 : i1
      %and3A_127 = arith.andi %ne3A_126, %ne3A_122 : i1
      %add3A_128 = arith.addi %rem3A_120, %select_n3A_119 : i32
      %select_n3A_129 = arith.select %and3A_127, %add3A_128, %rem3A_120 : i32
      %mul3A_130 = arith.constant 16 : i32
      %mul3A_131 = arith.muli %select_n3A_129, %mul3A_130 : i32
      %swap3A_132 = arith.index_cast %select_n3A : i32 to index
      %swap3A_133 = arith.index_cast %mul3A_131 : i32 to index
      %swap3A_134 = tpu.vector_load %arg9[%swap3A_132, %swap3A_133] {strides = array<i32>} : memref<80x128xf32, #tpu.memory_space<vmem>>, vector<1x16xf32>,
      %swap3A_135 = vector.shape_cast %swap3A_134 : vector<1x16xf32> to vector<16xf32>
      %swap3A_136 = vector.shape_cast %broadcast_in_dim3A_1 : vector<16xf32> to vector<1x16xf32>
      tpu.vector_store %arg9[%swap3A_132, %swap3A_133], %swap3A_136 {strides = array<i32>} : memref<80x128xf32, #tpu.memory_space<vmem>>, vector<1x16xf32>,
    }
    %scan3A_15 = arith.constant 640 : i32
    %scan3A_16 = arith.constant 0 : i32
    %scan3A_17 = arith.constant 0 : i32
    %scan3A_18 = arith.constant 40 : i32
    %scan3A_19 = arith.addi %scan3A_17, %scan3A_18 : i32
    %scan3A_20 = arith.constant 1 : i32
    scf.for %scan3A_99 = %scan3A_17 to %scan3A_19 step %scan3A_20  : i32 {
      %mul3A_100 = arith.constant 16 : i32
      %mul3A_101 = arith.muli %scan3A_99, %mul3A_100 : i32
      %swap3A_102 = arith.index_cast %mul3A_101 : i32 to index
      %swap3A_103 = tpu.vector_load %arg11[%swap3A_102] {strides = array<i32>} : memref<640xf32, #tpu.memory_space<vmem>>, vector<16xf32>,
      %swap3A_104 = vector.shape_cast %swap3A_103 : vector<16xf32> to vector<16xf32>
      %swap3A_105 = vector.shape_cast %broadcast_in_dim3A_1 : vector<16xf32> to vector<16xf32>
      tpu.vector_store %arg11[%swap3A_102], %swap3A_105 {strides = array<i32>} : memref<640xf32, #tpu.memory_space<vmem>>, vector<16xf32>,
    }
    %scan3A_21 = arith.constant 40 : i32
    %scan3A_22 = arith.constant 0 : i32
    %scan3A_23 = arith.constant 0 : i32
    %scan3A_24 = arith.constant 312 : i32
    %scan3A_25 = arith.addi %scan3A_23, %scan3A_24 : i32
    %scan3A_26 = arith.constant 1 : i32
    scf.for %scan3A_99 = %scan3A_23 to %scan3A_25 step %scan3A_26  : i32 {
      %mul3A_100 = arith.constant 16 : i32
      %mul3A_101 = arith.muli %scan3A_99, %mul3A_100 : i32
      %swap3A_102 = arith.index_cast %mul3A_101 : i32 to index
      %swap3A_103 = tpu.vector_load %arg12[%swap3A_102] {strides = array<i32>} : memref<5000xf32, #tpu.memory_space<vmem>>, vector<16xf32>,
      %swap3A_104 = vector.shape_cast %swap3A_103 : vector<16xf32> to vector<16xf32>
      %swap3A_105 = vector.shape_cast %broadcast_in_dim3A_3 : vector<16xf32> to vector<16xf32>
      tpu.vector_store %arg12[%swap3A_102], %swap3A_105 {strides = array<i32>} : memref<5000xf32, #tpu.memory_space<vmem>>, vector<16xf32>,
    }
    %scan3A_27 = arith.constant 312 : i32
    %swap3A = arith.constant 4984 : index
    %swap3A_28 = tpu.vector_load %arg12[%swap3A] {strides = array<i32>} : memref<5000xf32, #tpu.memory_space<vmem>>, vector<16xf32>,
    %swap3A_29 = vector.shape_cast %swap3A_28 : vector<16xf32> to vector<16xf32>
    %swap3A_30 = vector.shape_cast %broadcast_in_dim3A_3 : vector<16xf32> to vector<16xf32>
    tpu.vector_store %arg12[%swap3A], %swap3A_30 {strides = array<i32>} : memref<5000xf32, #tpu.memory_space<vmem>>, vector<16xf32>,
    %add3A_31 = arith.constant 0 : i32
    %add3A_32 = arith.addi %mul3A_5, %add3A_31 : i32
    "tpu.region"() ({
      %run_scoped3A = tpu.sem_alloc : memref<!tpu.dma_semaphore, #tpu.memory_space<semaphore_mem>>
      %dma_start3A_99 = arith.constant 0 : i32
      %dma_start3A_100 = arith.constant 0 : i32
      %dma_start3A_101 = tpu.memref_slice %arg9[%dma_start3A_99, %dma_start3A_100] : memref<80x128xf32, #tpu.memory_space<vmem>> -> memref<80x128xf32, #tpu.memory_space<vmem>>
      %dma_start3A_102 = arith.constant 0 : i32
      %dma_start3A_103 = tpu.memref_slice %arg13[%add3A_32, %dma_start3A_102] : memref<10240x128xf32, #tpu.memory_space<vmem_shared>> -> memref<80x128xf32, #tpu.memory_space<vmem_shared>>
      %dma_start3A_104 = arith.constant 0 : i32
      %dma_start3A_105 = tpu.memref_slice %arg13[%add3A_32, %dma_start3A_104] : memref<10240x128xf32, #tpu.memory_space<vmem_shared>> -> memref<80x128xf32, #tpu.memory_space<vmem_shared>>
      %dma_start3A_106 = arith.constant 0 : i32
      %dma_start3A_107 = arith.constant 0 : i32
      %dma_start3A_108 = tpu.memref_slice %arg9[%dma_start3A_106, %dma_start3A_107] : memref<80x128xf32, #tpu.memory_space<vmem>> -> memref<80x128xf32, #tpu.memory_space<vmem>>
      tpu.enqueue_dma source(%dma_start3A_108 : memref<80x128xf32, #tpu.memory_space<vmem>>) target(%dma_start3A_105 : memref<80x128xf32, #tpu.memory_space<vmem_shared>>) target_semaphore(%run_scoped3A : memref<!tpu.dma_semaphore, #tpu.memory_space<semaphore_mem>>)
      %dma_wait3A_109 = arith.constant 0 : i32
      %dma_wait3A_110 = arith.constant 0 : i32
      %dma_wait3A_111 = tpu.memref_slice %arg9[%dma_wait3A_109, %dma_wait3A_110] : memref<80x128xf32, #tpu.memory_space<vmem>> -> memref<80x128xf32, #tpu.memory_space<vmem>>
      %dma_wait3A_112 = arith.constant 0 : i32
      %dma_wait3A_113 = tpu.memref_slice %arg13[%add3A_32, %dma_wait3A_112] : memref<10240x128xf32, #tpu.memory_space<vmem_shared>> -> memref<80x128xf32, #tpu.memory_space<vmem_shared>>
      %dma_wait3A_114 = arith.constant 0 : i32
      %dma_wait3A_115 = tpu.memref_slice %arg13[%add3A_32, %dma_wait3A_114] : memref<10240x128xf32, #tpu.memory_space<vmem_shared>> -> memref<80x128xf32, #tpu.memory_space<vmem_shared>>
      %dma_wait3A_116 = arith.constant 0 : i32
      %dma_wait3A_117 = arith.constant 0 : i32
      %dma_wait3A_118 = tpu.memref_slice %arg9[%dma_wait3A_116, %dma_wait3A_117] : memref<80x128xf32, #tpu.memory_space<vmem>> -> memref<80x128xf32, #tpu.memory_space<vmem>>
      tpu.wait_dma2 semaphore(%run_scoped3A : memref<!tpu.dma_semaphore, #tpu.memory_space<semaphore_mem>>) src(%dma_wait3A_118 : memref<80x128xf32, #tpu.memory_space<vmem>>) dst(%dma_wait3A_115 : memref<80x128xf32, #tpu.memory_space<vmem_shared>>)
      tpu.yield
    }) : () -> ()
    %add3A_33 = arith.constant 80 : i32
    %add3A_34 = arith.addi %mul3A_5, %add3A_33 : i32
    "tpu.region"() ({
      %run_scoped3A = tpu.sem_alloc : memref<!tpu.dma_semaphore, #tpu.memory_space<semaphore_mem>>
      %dma_start3A_99 = arith.constant 0 : i32
      %dma_start3A_100 = arith.constant 0 : i32
      %dma_start3A_101 = tpu.memref_slice %arg9[%dma_start3A_99, %dma_start3A_100] : memref<80x128xf32, #tpu.memory_space<vmem>> -> memref<80x128xf32, #tpu.memory_space<vmem>>
      %dma_start3A_102 = arith.constant 0 : i32
      %dma_start3A_103 = tpu.memref_slice %arg13[%add3A_34, %dma_start3A_102] : memref<10240x128xf32, #tpu.memory_space<vmem_shared>> -> memref<80x128xf32, #tpu.memory_space<vmem_shared>>
      %dma_start3A_104 = arith.constant 0 : i32
      %dma_start3A_105 = tpu.memref_slice %arg13[%add3A_34, %dma_start3A_104] : memref<10240x128xf32, #tpu.memory_space<vmem_shared>> -> memref<80x128xf32, #tpu.memory_space<vmem_shared>>
      %dma_start3A_106 = arith.constant 0 : i32
      %dma_start3A_107 = arith.constant 0 : i32
      %dma_start3A_108 = tpu.memref_slice %arg9[%dma_start3A_106, %dma_start3A_107] : memref<80x128xf32, #tpu.memory_space<vmem>> -> memref<80x128xf32, #tpu.memory_space<vmem>>
      tpu.enqueue_dma source(%dma_start3A_108 : memref<80x128xf32, #tpu.memory_space<vmem>>) target(%dma_start3A_105 : memref<80x128xf32, #tpu.memory_space<vmem_shared>>) target_semaphore(%run_scoped3A : memref<!tpu.dma_semaphore, #tpu.memory_space<semaphore_mem>>)
      %dma_wait3A_109 = arith.constant 0 : i32
      %dma_wait3A_110 = arith.constant 0 : i32
      %dma_wait3A_111 = tpu.memref_slice %arg9[%dma_wait3A_109, %dma_wait3A_110] : memref<80x128xf32, #tpu.memory_space<vmem>> -> memref<80x128xf32, #tpu.memory_space<vmem>>
      %dma_wait3A_112 = arith.constant 0 : i32
      %dma_wait3A_113 = tpu.memref_slice %arg13[%add3A_34, %dma_wait3A_112] : memref<10240x128xf32, #tpu.memory_space<vmem_shared>> -> memref<80x128xf32, #tpu.memory_space<vmem_shared>>
      %dma_wait3A_114 = arith.constant 0 : i32
      %dma_wait3A_115 = tpu.memref_slice %arg13[%add3A_34, %dma_wait3A_114] : memref<10240x128xf32, #tpu.memory_space<vmem_shared>> -> memref<80x128xf32, #tpu.memory_space<vmem_shared>>
      %dma_wait3A_116 = arith.constant 0 : i32
      %dma_wait3A_117 = arith.constant 0 : i32
      %dma_wait3A_118 = tpu.memref_slice %arg9[%dma_wait3A_116, %dma_wait3A_117] : memref<80x128xf32, #tpu.memory_space<vmem>> -> memref<80x128xf32, #tpu.memory_space<vmem>>
      tpu.wait_dma2 semaphore(%run_scoped3A : memref<!tpu.dma_semaphore, #tpu.memory_space<semaphore_mem>>) src(%dma_wait3A_118 : memref<80x128xf32, #tpu.memory_space<vmem>>) dst(%dma_wait3A_115 : memref<80x128xf32, #tpu.memory_space<vmem_shared>>)
      tpu.yield
    }) : () -> ()
    %add3A_35 = arith.constant 160 : i32
    %add3A_36 = arith.addi %mul3A_5, %add3A_35 : i32
    "tpu.region"() ({
      %run_scoped3A = tpu.sem_alloc : memref<!tpu.dma_semaphore, #tpu.memory_space<semaphore_mem>>
      %dma_start3A_99 = arith.constant 0 : i32
      %dma_start3A_100 = arith.constant 0 : i32
      %dma_start3A_101 = tpu.memref_slice %arg9[%dma_start3A_99, %dma_start3A_100] : memref<80x128xf32, #tpu.memory_space<vmem>> -> memref<80x128xf32, #tpu.memory_space<vmem>>
      %dma_start3A_102 = arith.constant 0 : i32
      %dma_start3A_103 = tpu.memref_slice %arg13[%add3A_36, %dma_start3A_102] : memref<10240x128xf32, #tpu.memory_space<vmem_shared>> -> memref<80x128xf32, #tpu.memory_space<vmem_shared>>
      %dma_start3A_104 = arith.constant 0 : i32
      %dma_start3A_105 = tpu.memref_slice %arg13[%add3A_36, %dma_start3A_104] : memref<10240x128xf32, #tpu.memory_space<vmem_shared>> -> memref<80x128xf32, #tpu.memory_space<vmem_shared>>
      %dma_start3A_106 = arith.constant 0 : i32
      %dma_start3A_107 = arith.constant 0 : i32
      %dma_start3A_108 = tpu.memref_slice %arg9[%dma_start3A_106, %dma_start3A_107] : memref<80x128xf32, #tpu.memory_space<vmem>> -> memref<80x128xf32, #tpu.memory_space<vmem>>
      tpu.enqueue_dma source(%dma_start3A_108 : memref<80x128xf32, #tpu.memory_space<vmem>>) target(%dma_start3A_105 : memref<80x128xf32, #tpu.memory_space<vmem_shared>>) target_semaphore(%run_scoped3A : memref<!tpu.dma_semaphore, #tpu.memory_space<semaphore_mem>>)
      %dma_wait3A_109 = arith.constant 0 : i32
      %dma_wait3A_110 = arith.constant 0 : i32
      %dma_wait3A_111 = tpu.memref_slice %arg9[%dma_wait3A_109, %dma_wait3A_110] : memref<80x128xf32, #tpu.memory_space<vmem>> -> memref<80x128xf32, #tpu.memory_space<vmem>>
      %dma_wait3A_112 = arith.constant 0 : i32
      %dma_wait3A_113 = tpu.memref_slice %arg13[%add3A_36, %dma_wait3A_112] : memref<10240x128xf32, #tpu.memory_space<vmem_shared>> -> memref<80x128xf32, #tpu.memory_space<vmem_shared>>
      %dma_wait3A_114 = arith.constant 0 : i32
      %dma_wait3A_115 = tpu.memref_slice %arg13[%add3A_36, %dma_wait3A_114] : memref<10240x128xf32, #tpu.memory_space<vmem_shared>> -> memref<80x128xf32, #tpu.memory_space<vmem_shared>>
      %dma_wait3A_116 = arith.constant 0 : i32
      %dma_wait3A_117 = arith.constant 0 : i32
      %dma_wait3A_118 = tpu.memref_slice %arg9[%dma_wait3A_116, %dma_wait3A_117] : memref<80x128xf32, #tpu.memory_space<vmem>> -> memref<80x128xf32, #tpu.memory_space<vmem>>
      tpu.wait_dma2 semaphore(%run_scoped3A : memref<!tpu.dma_semaphore, #tpu.memory_space<semaphore_mem>>) src(%dma_wait3A_118 : memref<80x128xf32, #tpu.memory_space<vmem>>) dst(%dma_wait3A_115 : memref<80x128xf32, #tpu.memory_space<vmem_shared>>)
      tpu.yield
    }) : () -> ()
    %add3A_37 = arith.constant 240 : i32
    %add3A_38 = arith.addi %mul3A_5, %add3A_37 : i32
    "tpu.region"() ({
      %run_scoped3A = tpu.sem_alloc : memref<!tpu.dma_semaphore, #tpu.memory_space<semaphore_mem>>
      %dma_start3A_99 = arith.constant 0 : i32
      %dma_start3A_100 = arith.constant 0 : i32
      %dma_start3A_101 = tpu.memref_slice %arg9[%dma_start3A_99, %dma_start3A_100] : memref<80x128xf32, #tpu.memory_space<vmem>> -> memref<80x128xf32, #tpu.memory_space<vmem>>
      %dma_start3A_102 = arith.constant 0 : i32
      %dma_start3A_103 = tpu.memref_slice %arg13[%add3A_38, %dma_start3A_102] : memref<10240x128xf32, #tpu.memory_space<vmem_shared>> -> memref<80x128xf32, #tpu.memory_space<vmem_shared>>
      %dma_start3A_104 = arith.constant 0 : i32
      %dma_start3A_105 = tpu.memref_slice %arg13[%add3A_38, %dma_start3A_104] : memref<10240x128xf32, #tpu.memory_space<vmem_shared>> -> memref<80x128xf32, #tpu.memory_space<vmem_shared>>
      %dma_start3A_106 = arith.constant 0 : i32
      %dma_start3A_107 = arith.constant 0 : i32
      %dma_start3A_108 = tpu.memref_slice %arg9[%dma_start3A_106, %dma_start3A_107] : memref<80x128xf32, #tpu.memory_space<vmem>> -> memref<80x128xf32, #tpu.memory_space<vmem>>
      tpu.enqueue_dma source(%dma_start3A_108 : memref<80x128xf32, #tpu.memory_space<vmem>>) target(%dma_start3A_105 : memref<80x128xf32, #tpu.memory_space<vmem_shared>>) target_semaphore(%run_scoped3A : memref<!tpu.dma_semaphore, #tpu.memory_space<semaphore_mem>>)
      %dma_wait3A_109 = arith.constant 0 : i32
      %dma_wait3A_110 = arith.constant 0 : i32
      %dma_wait3A_111 = tpu.memref_slice %arg9[%dma_wait3A_109, %dma_wait3A_110] : memref<80x128xf32, #tpu.memory_space<vmem>> -> memref<80x128xf32, #tpu.memory_space<vmem>>
      %dma_wait3A_112 = arith.constant 0 : i32
      %dma_wait3A_113 = tpu.memref_slice %arg13[%add3A_38, %dma_wait3A_112] : memref<10240x128xf32, #tpu.memory_space<vmem_shared>> -> memref<80x128xf32, #tpu.memory_space<vmem_shared>>
      %dma_wait3A_114 = arith.constant 0 : i32
      %dma_wait3A_115 = tpu.memref_slice %arg13[%add3A_38, %dma_wait3A_114] : memref<10240x128xf32, #tpu.memory_space<vmem_shared>> -> memref<80x128xf32, #tpu.memory_space<vmem_shared>>
      %dma_wait3A_116 = arith.constant 0 : i32
      %dma_wait3A_117 = arith.constant 0 : i32
      %dma_wait3A_118 = tpu.memref_slice %arg9[%dma_wait3A_116, %dma_wait3A_117] : memref<80x128xf32, #tpu.memory_space<vmem>> -> memref<80x128xf32, #tpu.memory_space<vmem>>
      tpu.wait_dma2 semaphore(%run_scoped3A : memref<!tpu.dma_semaphore, #tpu.memory_space<semaphore_mem>>) src(%dma_wait3A_118 : memref<80x128xf32, #tpu.memory_space<vmem>>) dst(%dma_wait3A_115 : memref<80x128xf32, #tpu.memory_space<vmem_shared>>)
      tpu.yield
    }) : () -> ()
    %add3A_39 = arith.constant 320 : i32
    %add3A_40 = arith.addi %mul3A_5, %add3A_39 : i32
    "tpu.region"() ({
      %run_scoped3A = tpu.sem_alloc : memref<!tpu.dma_semaphore, #tpu.memory_space<semaphore_mem>>
      %dma_start3A_99 = arith.constant 0 : i32
      %dma_start3A_100 = arith.constant 0 : i32
      %dma_start3A_101 = tpu.memref_slice %arg9[%dma_start3A_99, %dma_start3A_100] : memref<80x128xf32, #tpu.memory_space<vmem>> -> memref<80x128xf32, #tpu.memory_space<vmem>>
      %dma_start3A_102 = arith.constant 0 : i32
      %dma_start3A_103 = tpu.memref_slice %arg13[%add3A_40, %dma_start3A_102] : memref<10240x128xf32, #tpu.memory_space<vmem_shared>> -> memref<80x128xf32, #tpu.memory_space<vmem_shared>>
      %dma_start3A_104 = arith.constant 0 : i32
      %dma_start3A_105 = tpu.memref_slice %arg13[%add3A_40, %dma_start3A_104] : memref<10240x128xf32, #tpu.memory_space<vmem_shared>> -> memref<80x128xf32, #tpu.memory_space<vmem_shared>>
      %dma_start3A_106 = arith.constant 0 : i32
      %dma_start3A_107 = arith.constant 0 : i32
      %dma_start3A_108 = tpu.memref_slice %arg9[%dma_start3A_106, %dma_start3A_107] : memref<80x128xf32, #tpu.memory_space<vmem>> -> memref<80x128xf32, #tpu.memory_space<vmem>>
      tpu.enqueue_dma source(%dma_start3A_108 : memref<80x128xf32, #tpu.memory_space<vmem>>) target(%dma_start3A_105 : memref<80x128xf32, #tpu.memory_space<vmem_shared>>) target_semaphore(%run_scoped3A : memref<!tpu.dma_semaphore, #tpu.memory_space<semaphore_mem>>)
      %dma_wait3A_109 = arith.constant 0 : i32
      %dma_wait3A_110 = arith.constant 0 : i32
      %dma_wait3A_111 = tpu.memref_slice %arg9[%dma_wait3A_109, %dma_wait3A_110] : memref<80x128xf32, #tpu.memory_space<vmem>> -> memref<80x128xf32, #tpu.memory_space<vmem>>
      %dma_wait3A_112 = arith.constant 0 : i32
      %dma_wait3A_113 = tpu.memref_slice %arg13[%add3A_40, %dma_wait3A_112] : memref<10240x128xf32, #tpu.memory_space<vmem_shared>> -> memref<80x128xf32, #tpu.memory_space<vmem_shared>>
      %dma_wait3A_114 = arith.constant 0 : i32
      %dma_wait3A_115 = tpu.memref_slice %arg13[%add3A_40, %dma_wait3A_114] : memref<10240x128xf32, #tpu.memory_space<vmem_shared>> -> memref<80x128xf32, #tpu.memory_space<vmem_shared>>
      %dma_wait3A_116 = arith.constant 0 : i32
      %dma_wait3A_117 = arith.constant 0 : i32
      %dma_wait3A_118 = tpu.memref_slice %arg9[%dma_wait3A_116, %dma_wait3A_117] : memref<80x128xf32, #tpu.memory_space<vmem>> -> memref<80x128xf32, #tpu.memory_space<vmem>>
      tpu.wait_dma2 semaphore(%run_scoped3A : memref<!tpu.dma_semaphore, #tpu.memory_space<semaphore_mem>>) src(%dma_wait3A_118 : memref<80x128xf32, #tpu.memory_space<vmem>>) dst(%dma_wait3A_115 : memref<80x128xf32, #tpu.memory_space<vmem_shared>>)
      tpu.yield
    }) : () -> ()
    %add3A_41 = arith.constant 400 : i32
    %add3A_42 = arith.addi %mul3A_5, %add3A_41 : i32
    "tpu.region"() ({
      %run_scoped3A = tpu.sem_alloc : memref<!tpu.dma_semaphore, #tpu.memory_space<semaphore_mem>>
      %dma_start3A_99 = arith.constant 0 : i32
      %dma_start3A_100 = arith.constant 0 : i32
      %dma_start3A_101 = tpu.memref_slice %arg9[%dma_start3A_99, %dma_start3A_100] : memref<80x128xf32, #tpu.memory_space<vmem>> -> memref<80x128xf32, #tpu.memory_space<vmem>>
      %dma_start3A_102 = arith.constant 0 : i32
      %dma_start3A_103 = tpu.memref_slice %arg13[%add3A_42, %dma_start3A_102] : memref<10240x128xf32, #tpu.memory_space<vmem_shared>> -> memref<80x128xf32, #tpu.memory_space<vmem_shared>>
      %dma_start3A_104 = arith.constant 0 : i32
      %dma_start3A_105 = tpu.memref_slice %arg13[%add3A_42, %dma_start3A_104] : memref<10240x128xf32, #tpu.memory_space<vmem_shared>> -> memref<80x128xf32, #tpu.memory_space<vmem_shared>>
      %dma_start3A_106 = arith.constant 0 : i32
      %dma_start3A_107 = arith.constant 0 : i32
      %dma_start3A_108 = tpu.memref_slice %arg9[%dma_start3A_106, %dma_start3A_107] : memref<80x128xf32, #tpu.memory_space<vmem>> -> memref<80x128xf32, #tpu.memory_space<vmem>>
      tpu.enqueue_dma source(%dma_start3A_108 : memref<80x128xf32, #tpu.memory_space<vmem>>) target(%dma_start3A_105 : memref<80x128xf32, #tpu.memory_space<vmem_shared>>) target_semaphore(%run_scoped3A : memref<!tpu.dma_semaphore, #tpu.memory_space<semaphore_mem>>)
      %dma_wait3A_109 = arith.constant 0 : i32
      %dma_wait3A_110 = arith.constant 0 : i32
      %dma_wait3A_111 = tpu.memref_slice %arg9[%dma_wait3A_109, %dma_wait3A_110] : memref<80x128xf32, #tpu.memory_space<vmem>> -> memref<80x128xf32, #tpu.memory_space<vmem>>
      %dma_wait3A_112 = arith.constant 0 : i32
      %dma_wait3A_113 = tpu.memref_slice %arg13[%add3A_42, %dma_wait3A_112] : memref<10240x128xf32, #tpu.memory_space<vmem_shared>> -> memref<80x128xf32, #tpu.memory_space<vmem_shared>>
      %dma_wait3A_114 = arith.constant 0 : i32
      %dma_wait3A_115 = tpu.memref_slice %arg13[%add3A_42, %dma_wait3A_114] : memref<10240x128xf32, #tpu.memory_space<vmem_shared>> -> memref<80x128xf32, #tpu.memory_space<vmem_shared>>
      %dma_wait3A_116 = arith.constant 0 : i32
      %dma_wait3A_117 = arith.constant 0 : i32
      %dma_wait3A_118 = tpu.memref_slice %arg9[%dma_wait3A_116, %dma_wait3A_117] : memref<80x128xf32, #tpu.memory_space<vmem>> -> memref<80x128xf32, #tpu.memory_space<vmem>>
      tpu.wait_dma2 semaphore(%run_scoped3A : memref<!tpu.dma_semaphore, #tpu.memory_space<semaphore_mem>>) src(%dma_wait3A_118 : memref<80x128xf32, #tpu.memory_space<vmem>>) dst(%dma_wait3A_115 : memref<80x128xf32, #tpu.memory_space<vmem_shared>>)
      tpu.yield
    }) : () -> ()
    %add3A_43 = arith.constant 480 : i32
    %add3A_44 = arith.addi %mul3A_5, %add3A_43 : i32
    "tpu.region"() ({
      %run_scoped3A = tpu.sem_alloc : memref<!tpu.dma_semaphore, #tpu.memory_space<semaphore_mem>>
      %dma_start3A_99 = arith.constant 0 : i32
      %dma_start3A_100 = arith.constant 0 : i32
      %dma_start3A_101 = tpu.memref_slice %arg9[%dma_start3A_99, %dma_start3A_100] : memref<80x128xf32, #tpu.memory_space<vmem>> -> memref<80x128xf32, #tpu.memory_space<vmem>>
      %dma_start3A_102 = arith.constant 0 : i32
      %dma_start3A_103 = tpu.memref_slice %arg13[%add3A_44, %dma_start3A_102] : memref<10240x128xf32, #tpu.memory_space<vmem_shared>> -> memref<80x128xf32, #tpu.memory_space<vmem_shared>>
      %dma_start3A_104 = arith.constant 0 : i32
      %dma_start3A_105 = tpu.memref_slice %arg13[%add3A_44, %dma_start3A_104] : memref<10240x128xf32, #tpu.memory_space<vmem_shared>> -> memref<80x128xf32, #tpu.memory_space<vmem_shared>>
      %dma_start3A_106 = arith.constant 0 : i32
      %dma_start3A_107 = arith.constant 0 : i32
      %dma_start3A_108 = tpu.memref_slice %arg9[%dma_start3A_106, %dma_start3A_107] : memref<80x128xf32, #tpu.memory_space<vmem>> -> memref<80x128xf32, #tpu.memory_space<vmem>>
      tpu.enqueue_dma source(%dma_start3A_108 : memref<80x128xf32, #tpu.memory_space<vmem>>) target(%dma_start3A_105 : memref<80x128xf32, #tpu.memory_space<vmem_shared>>) target_semaphore(%run_scoped3A : memref<!tpu.dma_semaphore, #tpu.memory_space<semaphore_mem>>)
      %dma_wait3A_109 = arith.constant 0 : i32
      %dma_wait3A_110 = arith.constant 0 : i32
      %dma_wait3A_111 = tpu.memref_slice %arg9[%dma_wait3A_109, %dma_wait3A_110] : memref<80x128xf32, #tpu.memory_space<vmem>> -> memref<80x128xf32, #tpu.memory_space<vmem>>
      %dma_wait3A_112 = arith.constant 0 : i32
      %dma_wait3A_113 = tpu.memref_slice %arg13[%add3A_44, %dma_wait3A_112] : memref<10240x128xf32, #tpu.memory_space<vmem_shared>> -> memref<80x128xf32, #tpu.memory_space<vmem_shared>>
      %dma_wait3A_114 = arith.constant 0 : i32
      %dma_wait3A_115 = tpu.memref_slice %arg13[%add3A_44, %dma_wait3A_114] : memref<10240x128xf32, #tpu.memory_space<vmem_shared>> -> memref<80x128xf32, #tpu.memory_space<vmem_shared>>
      %dma_wait3A_116 = arith.constant 0 : i32
      %dma_wait3A_117 = arith.constant 0 : i32
      %dma_wait3A_118 = tpu.memref_slice %arg9[%dma_wait3A_116, %dma_wait3A_117] : memref<80x128xf32, #tpu.memory_space<vmem>> -> memref<80x128xf32, #tpu.memory_space<vmem>>
      tpu.wait_dma2 semaphore(%run_scoped3A : memref<!tpu.dma_semaphore, #tpu.memory_space<semaphore_mem>>) src(%dma_wait3A_118 : memref<80x128xf32, #tpu.memory_space<vmem>>) dst(%dma_wait3A_115 : memref<80x128xf32, #tpu.memory_space<vmem_shared>>)
      tpu.yield
    }) : () -> ()
    %add3A_45 = arith.constant 560 : i32
    %add3A_46 = arith.addi %mul3A_5, %add3A_45 : i32
    "tpu.region"() ({
      %run_scoped3A = tpu.sem_alloc : memref<!tpu.dma_semaphore, #tpu.memory_space<semaphore_mem>>
      %dma_start3A_99 = arith.constant 0 : i32
      %dma_start3A_100 = arith.constant 0 : i32
      %dma_start3A_101 = tpu.memref_slice %arg9[%dma_start3A_99, %dma_start3A_100] : memref<80x128xf32, #tpu.memory_space<vmem>> -> memref<80x128xf32, #tpu.memory_space<vmem>>
      %dma_start3A_102 = arith.constant 0 : i32
      %dma_start3A_103 = tpu.memref_slice %arg13[%add3A_46, %dma_start3A_102] : memref<10240x128xf32, #tpu.memory_space<vmem_shared>> -> memref<80x128xf32, #tpu.memory_space<vmem_shared>>
      %dma_start3A_104 = arith.constant 0 : i32
      %dma_start3A_105 = tpu.memref_slice %arg13[%add3A_46, %dma_start3A_104] : memref<10240x128xf32, #tpu.memory_space<vmem_shared>> -> memref<80x128xf32, #tpu.memory_space<vmem_shared>>
      %dma_start3A_106 = arith.constant 0 : i32
      %dma_start3A_107 = arith.constant 0 : i32
      %dma_start3A_108 = tpu.memref_slice %arg9[%dma_start3A_106, %dma_start3A_107] : memref<80x128xf32, #tpu.memory_space<vmem>> -> memref<80x128xf32, #tpu.memory_space<vmem>>
      tpu.enqueue_dma source(%dma_start3A_108 : memref<80x128xf32, #tpu.memory_space<vmem>>) target(%dma_start3A_105 : memref<80x128xf32, #tpu.memory_space<vmem_shared>>) target_semaphore(%run_scoped3A : memref<!tpu.dma_semaphore, #tpu.memory_space<semaphore_mem>>)
      %dma_wait3A_109 = arith.constant 0 : i32
      %dma_wait3A_110 = arith.constant 0 : i32
      %dma_wait3A_111 = tpu.memref_slice %arg9[%dma_wait3A_109, %dma_wait3A_110] : memref<80x128xf32, #tpu.memory_space<vmem>> -> memref<80x128xf32, #tpu.memory_space<vmem>>
      %dma_wait3A_112 = arith.constant 0 : i32
      %dma_wait3A_113 = tpu.memref_slice %arg13[%add3A_46, %dma_wait3A_112] : memref<10240x128xf32, #tpu.memory_space<vmem_shared>> -> memref<80x128xf32, #tpu.memory_space<vmem_shared>>
      %dma_wait3A_114 = arith.constant 0 : i32
      %dma_wait3A_115 = tpu.memref_slice %arg13[%add3A_46, %dma_wait3A_114] : memref<10240x128xf32, #tpu.memory_space<vmem_shared>> -> memref<80x128xf32, #tpu.memory_space<vmem_shared>>
      %dma_wait3A_116 = arith.constant 0 : i32
      %dma_wait3A_117 = arith.constant 0 : i32
      %dma_wait3A_118 = tpu.memref_slice %arg9[%dma_wait3A_116, %dma_wait3A_117] : memref<80x128xf32, #tpu.memory_space<vmem>> -> memref<80x128xf32, #tpu.memory_space<vmem>>
      tpu.wait_dma2 semaphore(%run_scoped3A : memref<!tpu.dma_semaphore, #tpu.memory_space<semaphore_mem>>) src(%dma_wait3A_118 : memref<80x128xf32, #tpu.memory_space<vmem>>) dst(%dma_wait3A_115 : memref<80x128xf32, #tpu.memory_space<vmem_shared>>)
      tpu.yield
    }) : () -> ()
    "tpu.region"() ({
      %run_scoped3A = tpu.sem_alloc : memref<!tpu.dma_semaphore, #tpu.memory_space<semaphore_mem>>
      %dma_start3A_99 = tpu.memref_slice %arg14[%mul3A_5] : memref<10240xf32, #tpu.memory_space<vmem_shared>> -> memref<640xf32, #tpu.memory_space<vmem_shared>>
      %dma_start3A_100 = tpu.memref_slice %arg14[%mul3A_5] : memref<10240xf32, #tpu.memory_space<vmem_shared>> -> memref<640xf32, #tpu.memory_space<vmem_shared>>
      tpu.enqueue_dma source(%arg11 : memref<640xf32, #tpu.memory_space<vmem>>) target(%dma_start3A_100 : memref<640xf32, #tpu.memory_space<vmem_shared>>) target_semaphore(%run_scoped3A : memref<!tpu.dma_semaphore, #tpu.memory_space<semaphore_mem>>)
      %dma_wait3A_101 = tpu.memref_slice %arg14[%mul3A_5] : memref<10240xf32, #tpu.memory_space<vmem_shared>> -> memref<640xf32, #tpu.memory_space<vmem_shared>>
      %dma_wait3A_102 = tpu.memref_slice %arg14[%mul3A_5] : memref<10240xf32, #tpu.memory_space<vmem_shared>> -> memref<640xf32, #tpu.memory_space<vmem_shared>>
      tpu.wait_dma2 semaphore(%run_scoped3A : memref<!tpu.dma_semaphore, #tpu.memory_space<semaphore_mem>>) src(%arg11 : memref<640xf32, #tpu.memory_space<vmem>>) dst(%dma_wait3A_102 : memref<640xf32, #tpu.memory_space<vmem_shared>>)
      tpu.yield
    }) : () -> ()
    %dma_wait3A = tpu.memref_slice %arg3[%multiple_of3A] : memref<320000xi32, #tpu.memory_space<hbm>> -> memref<10000xi32, #tpu.memory_space<hbm>>
    %dma_wait3A_47 = tpu.memref_slice %arg3[%multiple_of3A] : memref<320000xi32, #tpu.memory_space<hbm>> -> memref<10000xi32, #tpu.memory_space<hbm>>
    tpu.wait_dma2 semaphore(%arg15 : memref<!tpu.dma_semaphore, #tpu.memory_space<semaphore_mem>>) src(%dma_wait3A_47 : memref<10000xi32, #tpu.memory_space<hbm>>) dst(%arg7 : memref<10000xi32, #tpu.memory_space<vmem>>)
    %dma_wait3A_48 = tpu.memref_slice %arg4[%multiple_of3A] : memref<320000xi32, #tpu.memory_space<hbm>> -> memref<10000xi32, #tpu.memory_space<hbm>>
    %dma_wait3A_49 = tpu.memref_slice %arg4[%multiple_of3A] : memref<320000xi32, #tpu.memory_space<hbm>> -> memref<10000xi32, #tpu.memory_space<hbm>>
    tpu.wait_dma2 semaphore(%arg16 : memref<!tpu.dma_semaphore, #tpu.memory_space<semaphore_mem>>) src(%dma_wait3A_49 : memref<10000xi32, #tpu.memory_space<hbm>>) dst(%arg8 : memref<10000xi32, #tpu.memory_space<vmem>>)
    %barrier3A = arith.constant 0 : index
    tpu.barrier barrier_id(%barrier3A)
    %dma_start3A_50 = arith.constant 0 : i32
    %dma_start3A_51 = tpu.memref_slice %arg7[%dma_start3A_50] : memref<10000xi32, #tpu.memory_space<vmem>> -> memref<80xi32, #tpu.memory_space<vmem>>
    %dma_start3A_52 = arith.constant 0 : i32
    %dma_start3A_53 = arith.constant 0 : i32
    %dma_start3A_54 = tpu.memref_slice %arg2[%dma_start3A_52, %dma_start3A_53] : memref<10000x128xf32, #tpu.memory_space<hbm>> -> memref<10000x128xf32, #tpu.memory_space<hbm>>
    tpu.enqueue_indirect_dma source(%dma_start3A_54 : memref<10000x128xf32, #tpu.memory_space<hbm>>) target(%arg9 : memref<80x128xf32, #tpu.memory_space<vmem>>) offsets(%dma_start3A_51 : memref<80xi32, #tpu.memory_space<vmem>>) semaphore(%arg15 : memref<!tpu.dma_semaphore, #tpu.memory_space<semaphore_mem>>)
    %dma_start3A_55 = arith.constant 0 : i32
    %dma_start3A_56 = tpu.memref_slice %arg8[%dma_start3A_55] : memref<10000xi32, #tpu.memory_space<vmem>> -> memref<5000xi32, #tpu.memory_space<vmem>>
    %dma_start3A_57 = arith.constant 0 : i32
    %dma_start3A_58 = tpu.memref_slice %arg14[%dma_start3A_57] : memref<10240xf32, #tpu.memory_space<vmem_shared>> -> memref<10240xf32, #tpu.memory_space<vmem_shared>>
    tpu.enqueue_indirect_dma source(%arg12 : memref<5000xf32, #tpu.memory_space<vmem>>) target(%dma_start3A_58 : memref<10240xf32, #tpu.memory_space<vmem_shared>>) offsets(%dma_start3A_56 : memref<5000xi32, #tpu.memory_space<vmem>>) semaphore(%arg17 : memref<!tpu.dma_semaphore, #tpu.memory_space<semaphore_mem>>) {add = true}
    %dma_start3A_59 = arith.constant 5000 : i32
    %dma_start3A_60 = tpu.memref_slice %arg8[%dma_start3A_59] : memref<10000xi32, #tpu.memory_space<vmem>> -> memref<5000xi32, #tpu.memory_space<vmem>>
    %dma_start3A_61 = arith.constant 0 : i32
    %dma_start3A_62 = tpu.memref_slice %arg14[%dma_start3A_61] : memref<10240xf32, #tpu.memory_space<vmem_shared>> -> memref<10240xf32, #tpu.memory_space<vmem_shared>>
    tpu.enqueue_indirect_dma source(%arg12 : memref<5000xf32, #tpu.memory_space<vmem>>) target(%dma_start3A_62 : memref<10240xf32, #tpu.memory_space<vmem_shared>>) offsets(%dma_start3A_60 : memref<5000xi32, #tpu.memory_space<vmem>>) semaphore(%arg17 : memref<!tpu.dma_semaphore, #tpu.memory_space<semaphore_mem>>) {add = true}
    %scan3A_63 = arith.constant 0 : i32
    %scan3A_64 = arith.constant 0 : i32
    %scan3A_65 = arith.constant 62 : i32
    %scan3A_66 = arith.addi %scan3A_64, %scan3A_65 : i32
    %scan3A_67 = arith.constant 1 : i32
    scf.for %scan3A_99 = %scan3A_64 to %scan3A_66 step %scan3A_67  : i32 {
      %mul3A_100 = arith.constant 2 : i32
      %mul3A_101 = arith.muli %mul3A_100, %scan3A_99 : i32
      %mul3A_102 = arith.constant 80 : i32
      %mul3A_103 = arith.muli %mul3A_101, %mul3A_102 : i32
      %dma_wait3A_104 = tpu.memref_slice %arg7[%mul3A_103] : memref<10000xi32, #tpu.memory_space<vmem>> -> memref<80xi32, #tpu.memory_space<vmem>>
      %dma_wait3A_105 = arith.constant 0 : i32
      %dma_wait3A_106 = arith.constant 0 : i32
      %dma_wait3A_107 = tpu.memref_slice %arg2[%dma_wait3A_105, %dma_wait3A_106] : memref<10000x128xf32, #tpu.memory_space<hbm>> -> memref<10000x128xf32, #tpu.memory_space<hbm>>
      tpu.wait_indirect_dma semaphore(%arg15 : memref<!tpu.dma_semaphore, #tpu.memory_space<semaphore_mem>>) src(%dma_wait3A_107 : memref<10000x128xf32, #tpu.memory_space<hbm>>) dst(%arg9 : memref<80x128xf32, #tpu.memory_space<vmem>>)
      %add3A_108 = arith.constant 80 : i32
      %add3A_109 = arith.addi %mul3A_103, %add3A_108 : i32
      %dma_start3A_110 = tpu.memref_slice %arg7[%add3A_109] : memref<10000xi32, #tpu.memory_space<vmem>> -> memref<80xi32, #tpu.memory_space<vmem>>
      %dma_start3A_111 = arith.constant 0 : i32
      %dma_start3A_112 = arith.constant 0 : i32
      %dma_start3A_113 = tpu.memref_slice %arg2[%dma_start3A_111, %dma_start3A_112] : memref<10000x128xf32, #tpu.memory_space<hbm>> -> memref<10000x128xf32, #tpu.memory_space<hbm>>
      tpu.enqueue_indirect_dma source(%dma_start3A_113 : memref<10000x128xf32, #tpu.memory_space<hbm>>) target(%arg10 : memref<80x128xf32, #tpu.memory_space<vmem>>) offsets(%dma_start3A_110 : memref<80xi32, #tpu.memory_space<vmem>>) semaphore(%arg16 : memref<!tpu.dma_semaphore, #tpu.memory_space<semaphore_mem>>)
      "tpu.region"() ({
        %run_scoped3A = tpu.sem_alloc : memref<!tpu.dma_semaphore, #tpu.memory_space<semaphore_mem>>
        %dma_start3A_128 = tpu.memref_slice %arg8[%mul3A_103] : memref<10000xi32, #tpu.memory_space<vmem>> -> memref<80xi32, #tpu.memory_space<vmem>>
        %dma_start3A_129 = arith.constant 0 : i32
        %dma_start3A_130 = arith.constant 0 : i32
        %dma_start3A_131 = tpu.memref_slice %arg13[%dma_start3A_129, %dma_start3A_130] : memref<10240x128xf32, #tpu.memory_space<vmem_shared>> -> memref<10240x128xf32, #tpu.memory_space<vmem_shared>>
        tpu.enqueue_indirect_dma source(%arg9 : memref<80x128xf32, #tpu.memory_space<vmem>>) target(%dma_start3A_131 : memref<10240x128xf32, #tpu.memory_space<vmem_shared>>) offsets(%dma_start3A_128 : memref<80xi32, #tpu.memory_space<vmem>>) semaphore(%run_scoped3A : memref<!tpu.dma_semaphore, #tpu.memory_space<semaphore_mem>>) {add = true}
        %dma_wait3A_132 = tpu.memref_slice %arg8[%mul3A_103] : memref<10000xi32, #tpu.memory_space<vmem>> -> memref<80xi32, #tpu.memory_space<vmem>>
        %dma_wait3A_133 = arith.constant 0 : i32
        %dma_wait3A_134 = arith.constant 0 : i32
        %dma_wait3A_135 = tpu.memref_slice %arg13[%dma_wait3A_133, %dma_wait3A_134] : memref<10240x128xf32, #tpu.memory_space<vmem_shared>> -> memref<10240x128xf32, #tpu.memory_space<vmem_shared>>
        tpu.wait_indirect_dma semaphore(%run_scoped3A : memref<!tpu.dma_semaphore, #tpu.memory_space<semaphore_mem>>) src(%arg9 : memref<80x128xf32, #tpu.memory_space<vmem>>) dst(%dma_wait3A_135 : memref<10240x128xf32, #tpu.memory_space<vmem_shared>>)
        tpu.yield
      }) : () -> ()
      %add3A_114 = arith.constant 80 : i32
      %add3A_115 = arith.addi %mul3A_103, %add3A_114 : i32
      %dma_wait3A_116 = tpu.memref_slice %arg7[%add3A_115] : memref<10000xi32, #tpu.memory_space<vmem>> -> memref<80xi32, #tpu.memory_space<vmem>>
      %dma_wait3A_117 = arith.constant 0 : i32
      %dma_wait3A_118 = arith.constant 0 : i32
      %dma_wait3A_119 = tpu.memref_slice %arg2[%dma_wait3A_117, %dma_wait3A_118] : memref<10000x128xf32, #tpu.memory_space<hbm>> -> memref<10000x128xf32, #tpu.memory_space<hbm>>
      tpu.wait_indirect_dma semaphore(%arg16 : memref<!tpu.dma_semaphore, #tpu.memory_space<semaphore_mem>>) src(%dma_wait3A_119 : memref<10000x128xf32, #tpu.memory_space<hbm>>) dst(%arg10 : memref<80x128xf32, #tpu.memory_space<vmem>>)
      %add3A_120 = arith.constant 160 : i32
      %add3A_121 = arith.addi %mul3A_103, %add3A_120 : i32
      %dma_start3A_122 = tpu.memref_slice %arg7[%add3A_121] : memref<10000xi32, #tpu.memory_space<vmem>> -> memref<80xi32, #tpu.memory_space<vmem>>
      %dma_start3A_123 = arith.constant 0 : i32
      %dma_start3A_124 = arith.constant 0 : i32
      %dma_start3A_125 = tpu.memref_slice %arg2[%dma_start3A_123, %dma_start3A_124] : memref<10000x128xf32, #tpu.memory_space<hbm>> -> memref<10000x128xf32, #tpu.memory_space<hbm>>
      tpu.enqueue_indirect_dma source(%dma_start3A_125 : memref<10000x128xf32, #tpu.memory_space<hbm>>) target(%arg9 : memref<80x128xf32, #tpu.memory_space<vmem>>) offsets(%dma_start3A_122 : memref<80xi32, #tpu.memory_space<vmem>>) semaphore(%arg15 : memref<!tpu.dma_semaphore, #tpu.memory_space<semaphore_mem>>)
      %add3A_126 = arith.constant 80 : i32
      %add3A_127 = arith.addi %mul3A_103, %add3A_126 : i32
      "tpu.region"() ({
        %run_scoped3A = tpu.sem_alloc : memref<!tpu.dma_semaphore, #tpu.memory_space<semaphore_mem>>
        %dma_start3A_128 = tpu.memref_slice %arg8[%add3A_127] : memref<10000xi32, #tpu.memory_space<vmem>> -> memref<80xi32, #tpu.memory_space<vmem>>
        %dma_start3A_129 = arith.constant 0 : i32
        %dma_start3A_130 = arith.constant 0 : i32
        %dma_start3A_131 = tpu.memref_slice %arg13[%dma_start3A_129, %dma_start3A_130] : memref<10240x128xf32, #tpu.memory_space<vmem_shared>> -> memref<10240x128xf32, #tpu.memory_space<vmem_shared>>
        tpu.enqueue_indirect_dma source(%arg10 : memref<80x128xf32, #tpu.memory_space<vmem>>) target(%dma_start3A_131 : memref<10240x128xf32, #tpu.memory_space<vmem_shared>>) offsets(%dma_start3A_128 : memref<80xi32, #tpu.memory_space<vmem>>) semaphore(%run_scoped3A : memref<!tpu.dma_semaphore, #tpu.memory_space<semaphore_mem>>) {add = true}
        %dma_wait3A_132 = tpu.memref_slice %arg8[%add3A_127] : memref<10000xi32, #tpu.memory_space<vmem>> -> memref<80xi32, #tpu.memory_space<vmem>>
        %dma_wait3A_133 = arith.constant 0 : i32
        %dma_wait3A_134 = arith.constant 0 : i32
        %dma_wait3A_135 = tpu.memref_slice %arg13[%dma_wait3A_133, %dma_wait3A_134] : memref<10240x128xf32, #tpu.memory_space<vmem_shared>> -> memref<10240x128xf32, #tpu.memory_space<vmem_shared>>
        tpu.wait_indirect_dma semaphore(%run_scoped3A : memref<!tpu.dma_semaphore, #tpu.memory_space<semaphore_mem>>) src(%arg10 : memref<80x128xf32, #tpu.memory_space<vmem>>) dst(%dma_wait3A_135 : memref<10240x128xf32, #tpu.memory_space<vmem_shared>>)
        tpu.yield
      }) : () -> ()
    }
    %scan3A_68 = arith.constant 62 : i32
    %dma_wait3A_69 = arith.constant 9920 : i32
    %dma_wait3A_70 = tpu.memref_slice %arg7[%dma_wait3A_69] : memref<10000xi32, #tpu.memory_space<vmem>> -> memref<80xi32, #tpu.memory_space<vmem>>
    %dma_wait3A_71 = arith.constant 0 : i32
    %dma_wait3A_72 = arith.constant 0 : i32
    %dma_wait3A_73 = tpu.memref_slice %arg2[%dma_wait3A_71, %dma_wait3A_72] : memref<10000x128xf32, #tpu.memory_space<hbm>> -> memref<10000x128xf32, #tpu.memory_space<hbm>>
    tpu.wait_indirect_dma semaphore(%arg15 : memref<!tpu.dma_semaphore, #tpu.memory_space<semaphore_mem>>) src(%dma_wait3A_73 : memref<10000x128xf32, #tpu.memory_space<hbm>>) dst(%arg9 : memref<80x128xf32, #tpu.memory_space<vmem>>)
    "tpu.region"() ({
      %run_scoped3A = tpu.sem_alloc : memref<!tpu.dma_semaphore, #tpu.memory_space<semaphore_mem>>
      %dma_start3A_99 = arith.constant 9920 : i32
      %dma_start3A_100 = tpu.memref_slice %arg8[%dma_start3A_99] : memref<10000xi32, #tpu.memory_space<vmem>> -> memref<80xi32, #tpu.memory_space<vmem>>
      %dma_start3A_101 = arith.constant 0 : i32
      %dma_start3A_102 = arith.constant 0 : i32
      %dma_start3A_103 = tpu.memref_slice %arg13[%dma_start3A_101, %dma_start3A_102] : memref<10240x128xf32, #tpu.memory_space<vmem_shared>> -> memref<10240x128xf32, #tpu.memory_space<vmem_shared>>
      tpu.enqueue_indirect_dma source(%arg9 : memref<80x128xf32, #tpu.memory_space<vmem>>) target(%dma_start3A_103 : memref<10240x128xf32, #tpu.memory_space<vmem_shared>>) offsets(%dma_start3A_100 : memref<80xi32, #tpu.memory_space<vmem>>) semaphore(%run_scoped3A : memref<!tpu.dma_semaphore, #tpu.memory_space<semaphore_mem>>) {add = true}
      %dma_wait3A_104 = arith.constant 9920 : i32
      %dma_wait3A_105 = tpu.memref_slice %arg8[%dma_wait3A_104] : memref<10000xi32, #tpu.memory_space<vmem>> -> memref<80xi32, #tpu.memory_space<vmem>>
      %dma_wait3A_106 = arith.constant 0 : i32
      %dma_wait3A_107 = arith.constant 0 : i32
      %dma_wait3A_108 = tpu.memref_slice %arg13[%dma_wait3A_106, %dma_wait3A_107] : memref<10240x128xf32, #tpu.memory_space<vmem_shared>> -> memref<10240x128xf32, #tpu.memory_space<vmem_shared>>
      tpu.wait_indirect_dma semaphore(%run_scoped3A : memref<!tpu.dma_semaphore, #tpu.memory_space<semaphore_mem>>) src(%arg9 : memref<80x128xf32, #tpu.memory_space<vmem>>) dst(%dma_wait3A_108 : memref<10240x128xf32, #tpu.memory_space<vmem_shared>>)
      tpu.yield
    }) : () -> ()
    %dma_wait3A_74 = arith.constant 0 : i32
    %dma_wait3A_75 = tpu.memref_slice %arg8[%dma_wait3A_74] : memref<10000xi32, #tpu.memory_space<vmem>> -> memref<5000xi32, #tpu.memory_space<vmem>>
    %dma_wait3A_76 = arith.constant 0 : i32
    %dma_wait3A_77 = tpu.memref_slice %arg14[%dma_wait3A_76] : memref<10240xf32, #tpu.memory_space<vmem_shared>> -> memref<10240xf32, #tpu.memory_space<vmem_shared>>
    tpu.wait_indirect_dma semaphore(%arg17 : memref<!tpu.dma_semaphore, #tpu.memory_space<semaphore_mem>>) src(%arg12 : memref<5000xf32, #tpu.memory_space<vmem>>) dst(%dma_wait3A_77 : memref<10240xf32, #tpu.memory_space<vmem_shared>>)
    %dma_wait3A_78 = arith.constant 5000 : i32
    %dma_wait3A_79 = tpu.memref_slice %arg8[%dma_wait3A_78] : memref<10000xi32, #tpu.memory_space<vmem>> -> memref<5000xi32, #tpu.memory_space<vmem>>
    %dma_wait3A_80 = arith.constant 0 : i32
    %dma_wait3A_81 = tpu.memref_slice %arg14[%dma_wait3A_80] : memref<10240xf32, #tpu.memory_space<vmem_shared>> -> memref<10240xf32, #tpu.memory_space<vmem_shared>>
    tpu.wait_indirect_dma semaphore(%arg17 : memref<!tpu.dma_semaphore, #tpu.memory_space<semaphore_mem>>) src(%arg12 : memref<5000xf32, #tpu.memory_space<vmem>>) dst(%dma_wait3A_81 : memref<10240xf32, #tpu.memory_space<vmem_shared>>)
    %barrier3A_82 = arith.constant 0 : index
    tpu.barrier barrier_id(%barrier3A_82)
    %add3A_83 = arith.constant 0 : i32
    %add3A_84 = arith.addi %mul3A_5, %add3A_83 : i32
    "tpu.region"() ({
      %run_scoped3A = tpu.sem_alloc : memref<!tpu.dma_semaphore, #tpu.memory_space<semaphore_mem>>
      %dma_start3A_99 = arith.constant 0 : i32
      %dma_start3A_100 = arith.constant 0 : i32
      %dma_start3A_101 = tpu.memref_slice %arg9[%dma_start3A_99, %dma_start3A_100] : memref<80x128xf32, #tpu.memory_space<vmem>> -> memref<80x128xf32, #tpu.memory_space<vmem>>
      %dma_start3A_102 = arith.constant 0 : i32
      %dma_start3A_103 = tpu.memref_slice %arg13[%add3A_84, %dma_start3A_102] : memref<10240x128xf32, #tpu.memory_space<vmem_shared>> -> memref<80x128xf32, #tpu.memory_space<vmem_shared>>
      %dma_start3A_104 = arith.constant 0 : i32
      %dma_start3A_105 = arith.constant 0 : i32
      %dma_start3A_106 = tpu.memref_slice %arg9[%dma_start3A_104, %dma_start3A_105] : memref<80x128xf32, #tpu.memory_space<vmem>> -> memref<80x128xf32, #tpu.memory_space<vmem>>
      %dma_start3A_107 = arith.constant 0 : i32
      %dma_start3A_108 = tpu.memref_slice %arg13[%add3A_84, %dma_start3A_107] : memref<10240x128xf32, #tpu.memory_space<vmem_shared>> -> memref<80x128xf32, #tpu.memory_space<vmem_shared>>
      tpu.enqueue_dma source(%dma_start3A_108 : memref<80x128xf32, #tpu.memory_space<vmem_shared>>) target(%dma_start3A_106 : memref<80x128xf32, #tpu.memory_space<vmem>>) target_semaphore(%run_scoped3A : memref<!tpu.dma_semaphore, #tpu.memory_space<semaphore_mem>>)
      %dma_wait3A_109 = arith.constant 0 : i32
      %dma_wait3A_110 = arith.constant 0 : i32
      %dma_wait3A_111 = tpu.memref_slice %arg9[%dma_wait3A_109, %dma_wait3A_110] : memref<80x128xf32, #tpu.memory_space<vmem>> -> memref<80x128xf32, #tpu.memory_space<vmem>>
      %dma_wait3A_112 = arith.constant 0 : i32
      %dma_wait3A_113 = tpu.memref_slice %arg13[%add3A_84, %dma_wait3A_112] : memref<10240x128xf32, #tpu.memory_space<vmem_shared>> -> memref<80x128xf32, #tpu.memory_space<vmem_shared>>
      %dma_wait3A_114 = arith.constant 0 : i32
      %dma_wait3A_115 = arith.constant 0 : i32
      %dma_wait3A_116 = tpu.memref_slice %arg9[%dma_wait3A_114, %dma_wait3A_115] : memref<80x128xf32, #tpu.memory_space<vmem>> -> memref<80x128xf32, #tpu.memory_space<vmem>>
      %dma_wait3A_117 = arith.constant 0 : i32
      %dma_wait3A_118 = tpu.memref_slice %arg13[%add3A_84, %dma_wait3A_117] : memref<10240x128xf32, #tpu.memory_space<vmem_shared>> -> memref<80x128xf32, #tpu.memory_space<vmem_shared>>
      tpu.wait_dma2 semaphore(%run_scoped3A : memref<!tpu.dma_semaphore, #tpu.memory_space<semaphore_mem>>) src(%dma_wait3A_118 : memref<80x128xf32, #tpu.memory_space<vmem_shared>>) dst(%dma_wait3A_116 : memref<80x128xf32, #tpu.memory_space<vmem>>)
      tpu.yield
    }) : () -> ()
    "tpu.region"() ({
      %run_scoped3A = tpu.sem_alloc : memref<!tpu.dma_semaphore, #tpu.memory_space<semaphore_mem>>
      %dma_start3A_99 = arith.constant 0 : i32
      %dma_start3A_100 = arith.constant 0 : i32
      %dma_start3A_101 = tpu.memref_slice %arg9[%dma_start3A_99, %dma_start3A_100] : memref<80x128xf32, #tpu.memory_space<vmem>> -> memref<80x128xf32, #tpu.memory_space<vmem>>
      %dma_start3A_102 = arith.constant 0 : i32
      %dma_start3A_103 = tpu.memref_slice %arg5[%arg0, %add3A_84, %dma_start3A_102] : memref<2x10240x128xf32, #tpu.memory_space<hbm>> -> memref<1x80x128xf32, #tpu.memory_space<hbm>>
      %dma_start3A_104 = tpu.memref_squeeze %dma_start3A_103 : memref<1x80x128xf32, #tpu.memory_space<hbm>> -> memref<80x128xf32, #tpu.memory_space<hbm>>
      %dma_start3A_105 = arith.constant 0 : i32
      %dma_start3A_106 = tpu.memref_slice %arg5[%arg0, %add3A_84, %dma_start3A_105] : memref<2x10240x128xf32, #tpu.memory_space<hbm>> -> memref<1x80x128xf32, #tpu.memory_space<hbm>>
      %dma_start3A_107 = tpu.memref_squeeze %dma_start3A_106 : memref<1x80x128xf32, #tpu.memory_space<hbm>> -> memref<80x128xf32, #tpu.memory_space<hbm>>
      %dma_start3A_108 = arith.constant 0 : i32
      %dma_start3A_109 = arith.constant 0 : i32
      %dma_start3A_110 = tpu.memref_slice %arg9[%dma_start3A_108, %dma_start3A_109] : memref<80x128xf32, #tpu.memory_space<vmem>> -> memref<80x128xf32, #tpu.memory_space<vmem>>
      tpu.enqueue_dma source(%dma_start3A_110 : memref<80x128xf32, #tpu.memory_space<vmem>>) target(%dma_start3A_107 : memref<80x128xf32, #tpu.memory_space<hbm>>) target_semaphore(%run_scoped3A : memref<!tpu.dma_semaphore, #tpu.memory_space<semaphore_mem>>)
      %dma_wait3A_111 = arith.constant 0 : i32
      %dma_wait3A_112 = arith.constant 0 : i32
      %dma_wait3A_113 = tpu.memref_slice %arg9[%dma_wait3A_111, %dma_wait3A_112] : memref<80x128xf32, #tpu.memory_space<vmem>> -> memref<80x128xf32, #tpu.memory_space<vmem>>
      %dma_wait3A_114 = arith.constant 0 : i32
      %dma_wait3A_115 = tpu.memref_slice %arg5[%arg0, %add3A_84, %dma_wait3A_114] : memref<2x10240x128xf32, #tpu.memory_space<hbm>> -> memref<1x80x128xf32, #tpu.memory_space<hbm>>
      %dma_wait3A_116 = tpu.memref_squeeze %dma_wait3A_115 : memref<1x80x128xf32, #tpu.memory_space<hbm>> -> memref<80x128xf32, #tpu.memory_space<hbm>>
      %dma_wait3A_117 = arith.constant 0 : i32
      %dma_wait3A_118 = tpu.memref_slice %arg5[%arg0, %add3A_84, %dma_wait3A_117] : memref<2x10240x128xf32, #tpu.memory_space<hbm>> -> memref<1x80x128xf32, #tpu.memory_space<hbm>>
      %dma_wait3A_119 = tpu.memref_squeeze %dma_wait3A_118 : memref<1x80x128xf32, #tpu.memory_space<hbm>> -> memref<80x128xf32, #tpu.memory_space<hbm>>
      %dma_wait3A_120 = arith.constant 0 : i32
      %dma_wait3A_121 = arith.constant 0 : i32
      %dma_wait3A_122 = tpu.memref_slice %arg9[%dma_wait3A_120, %dma_wait3A_121] : memref<80x128xf32, #tpu.memory_space<vmem>> -> memref<80x128xf32, #tpu.memory_space<vmem>>
      tpu.wait_dma2 semaphore(%run_scoped3A : memref<!tpu.dma_semaphore, #tpu.memory_space<semaphore_mem>>) src(%dma_wait3A_122 : memref<80x128xf32, #tpu.memory_space<vmem>>) dst(%dma_wait3A_119 : memref<80x128xf32, #tpu.memory_space<hbm>>)
      tpu.yield
    }) : () -> ()
    %add3A_85 = arith.constant 80 : i32
    %add3A_86 = arith.addi %mul3A_5, %add3A_85 : i32
    "tpu.region"() ({
      %run_scoped3A = tpu.sem_alloc : memref<!tpu.dma_semaphore, #tpu.memory_space<semaphore_mem>>
      %dma_start3A_99 = arith.constant 0 : i32
      %dma_start3A_100 = arith.constant 0 : i32
      %dma_start3A_101 = tpu.memref_slice %arg9[%dma_start3A_99, %dma_start3A_100] : memref<80x128xf32, #tpu.memory_space<vmem>> -> memref<80x128xf32, #tpu.memory_space<vmem>>
      %dma_start3A_102 = arith.constant 0 : i32
      %dma_start3A_103 = tpu.memref_slice %arg13[%add3A_86, %dma_start3A_102] : memref<10240x128xf32, #tpu.memory_space<vmem_shared>> -> memref<80x128xf32, #tpu.memory_space<vmem_shared>>
      %dma_start3A_104 = arith.constant 0 : i32
      %dma_start3A_105 = arith.constant 0 : i32
      %dma_start3A_106 = tpu.memref_slice %arg9[%dma_start3A_104, %dma_start3A_105] : memref<80x128xf32, #tpu.memory_space<vmem>> -> memref<80x128xf32, #tpu.memory_space<vmem>>
      %dma_start3A_107 = arith.constant 0 : i32
      %dma_start3A_108 = tpu.memref_slice %arg13[%add3A_86, %dma_start3A_107] : memref<10240x128xf32, #tpu.memory_space<vmem_shared>> -> memref<80x128xf32, #tpu.memory_space<vmem_shared>>
      tpu.enqueue_dma source(%dma_start3A_108 : memref<80x128xf32, #tpu.memory_space<vmem_shared>>) target(%dma_start3A_106 : memref<80x128xf32, #tpu.memory_space<vmem>>) target_semaphore(%run_scoped3A : memref<!tpu.dma_semaphore, #tpu.memory_space<semaphore_mem>>)
      %dma_wait3A_109 = arith.constant 0 : i32
      %dma_wait3A_110 = arith.constant 0 : i32
      %dma_wait3A_111 = tpu.memref_slice %arg9[%dma_wait3A_109, %dma_wait3A_110] : memref<80x128xf32, #tpu.memory_space<vmem>> -> memref<80x128xf32, #tpu.memory_space<vmem>>
      %dma_wait3A_112 = arith.constant 0 : i32
      %dma_wait3A_113 = tpu.memref_slice %arg13[%add3A_86, %dma_wait3A_112] : memref<10240x128xf32, #tpu.memory_space<vmem_shared>> -> memref<80x128xf32, #tpu.memory_space<vmem_shared>>
      %dma_wait3A_114 = arith.constant 0 : i32
      %dma_wait3A_115 = arith.constant 0 : i32
      %dma_wait3A_116 = tpu.memref_slice %arg9[%dma_wait3A_114, %dma_wait3A_115] : memref<80x128xf32, #tpu.memory_space<vmem>> -> memref<80x128xf32, #tpu.memory_space<vmem>>
      %dma_wait3A_117 = arith.constant 0 : i32
      %dma_wait3A_118 = tpu.memref_slice %arg13[%add3A_86, %dma_wait3A_117] : memref<10240x128xf32, #tpu.memory_space<vmem_shared>> -> memref<80x128xf32, #tpu.memory_space<vmem_shared>>
      tpu.wait_dma2 semaphore(%run_scoped3A : memref<!tpu.dma_semaphore, #tpu.memory_space<semaphore_mem>>) src(%dma_wait3A_118 : memref<80x128xf32, #tpu.memory_space<vmem_shared>>) dst(%dma_wait3A_116 : memref<80x128xf32, #tpu.memory_space<vmem>>)
      tpu.yield
    }) : () -> ()
    "tpu.region"() ({
      %run_scoped3A = tpu.sem_alloc : memref<!tpu.dma_semaphore, #tpu.memory_space<semaphore_mem>>
      %dma_start3A_99 = arith.constant 0 : i32
      %dma_start3A_100 = arith.constant 0 : i32
      %dma_start3A_101 = tpu.memref_slice %arg9[%dma_start3A_99, %dma_start3A_100] : memref<80x128xf32, #tpu.memory_space<vmem>> -> memref<80x128xf32, #tpu.memory_space<vmem>>
      %dma_start3A_102 = arith.constant 0 : i32
      %dma_start3A_103 = tpu.memref_slice %arg5[%arg0, %add3A_86, %dma_start3A_102] : memref<2x10240x128xf32, #tpu.memory_space<hbm>> -> memref<1x80x128xf32, #tpu.memory_space<hbm>>
      %dma_start3A_104 = tpu.memref_squeeze %dma_start3A_103 : memref<1x80x128xf32, #tpu.memory_space<hbm>> -> memref<80x128xf32, #tpu.memory_space<hbm>>
      %dma_start3A_105 = arith.constant 0 : i32
      %dma_start3A_106 = tpu.memref_slice %arg5[%arg0, %add3A_86, %dma_start3A_105] : memref<2x10240x128xf32, #tpu.memory_space<hbm>> -> memref<1x80x128xf32, #tpu.memory_space<hbm>>
      %dma_start3A_107 = tpu.memref_squeeze %dma_start3A_106 : memref<1x80x128xf32, #tpu.memory_space<hbm>> -> memref<80x128xf32, #tpu.memory_space<hbm>>
      %dma_start3A_108 = arith.constant 0 : i32
      %dma_start3A_109 = arith.constant 0 : i32
      %dma_start3A_110 = tpu.memref_slice %arg9[%dma_start3A_108, %dma_start3A_109] : memref<80x128xf32, #tpu.memory_space<vmem>> -> memref<80x128xf32, #tpu.memory_space<vmem>>
      tpu.enqueue_dma source(%dma_start3A_110 : memref<80x128xf32, #tpu.memory_space<vmem>>) target(%dma_start3A_107 : memref<80x128xf32, #tpu.memory_space<hbm>>) target_semaphore(%run_scoped3A : memref<!tpu.dma_semaphore, #tpu.memory_space<semaphore_mem>>)
      %dma_wait3A_111 = arith.constant 0 : i32
      %dma_wait3A_112 = arith.constant 0 : i32
      %dma_wait3A_113 = tpu.memref_slice %arg9[%dma_wait3A_111, %dma_wait3A_112] : memref<80x128xf32, #tpu.memory_space<vmem>> -> memref<80x128xf32, #tpu.memory_space<vmem>>
      %dma_wait3A_114 = arith.constant 0 : i32
      %dma_wait3A_115 = tpu.memref_slice %arg5[%arg0, %add3A_86, %dma_wait3A_114] : memref<2x10240x128xf32, #tpu.memory_space<hbm>> -> memref<1x80x128xf32, #tpu.memory_space<hbm>>
      %dma_wait3A_116 = tpu.memref_squeeze %dma_wait3A_115 : memref<1x80x128xf32, #tpu.memory_space<hbm>> -> memref<80x128xf32, #tpu.memory_space<hbm>>
      %dma_wait3A_117 = arith.constant 0 : i32
      %dma_wait3A_118 = tpu.memref_slice %arg5[%arg0, %add3A_86, %dma_wait3A_117] : memref<2x10240x128xf32, #tpu.memory_space<hbm>> -> memref<1x80x128xf32, #tpu.memory_space<hbm>>
      %dma_wait3A_119 = tpu.memref_squeeze %dma_wait3A_118 : memref<1x80x128xf32, #tpu.memory_space<hbm>> -> memref<80x128xf32, #tpu.memory_space<hbm>>
      %dma_wait3A_120 = arith.constant 0 : i32
      %dma_wait3A_121 = arith.constant 0 : i32
      %dma_wait3A_122 = tpu.memref_slice %arg9[%dma_wait3A_120, %dma_wait3A_121] : memref<80x128xf32, #tpu.memory_space<vmem>> -> memref<80x128xf32, #tpu.memory_space<vmem>>
      tpu.wait_dma2 semaphore(%run_scoped3A : memref<!tpu.dma_semaphore, #tpu.memory_space<semaphore_mem>>) src(%dma_wait3A_122 : memref<80x128xf32, #tpu.memory_space<vmem>>) dst(%dma_wait3A_119 : memref<80x128xf32, #tpu.memory_space<hbm>>)
      tpu.yield
    }) : () -> ()
    %add3A_87 = arith.constant 160 : i32
    %add3A_88 = arith.addi %mul3A_5, %add3A_87 : i32
    "tpu.region"() ({
      %run_scoped3A = tpu.sem_alloc : memref<!tpu.dma_semaphore, #tpu.memory_space<semaphore_mem>>
      %dma_start3A_99 = arith.constant 0 : i32
      %dma_start3A_100 = arith.constant 0 : i32
      %dma_start3A_101 = tpu.memref_slice %arg9[%dma_start3A_99, %dma_start3A_100] : memref<80x128xf32, #tpu.memory_space<vmem>> -> memref<80x128xf32, #tpu.memory_space<vmem>>
      %dma_start3A_102 = arith.constant 0 : i32
      %dma_start3A_103 = tpu.memref_slice %arg13[%add3A_88, %dma_start3A_102] : memref<10240x128xf32, #tpu.memory_space<vmem_shared>> -> memref<80x128xf32, #tpu.memory_space<vmem_shared>>
      %dma_start3A_104 = arith.constant 0 : i32
      %dma_start3A_105 = arith.constant 0 : i32
      %dma_start3A_106 = tpu.memref_slice %arg9[%dma_start3A_104, %dma_start3A_105] : memref<80x128xf32, #tpu.memory_space<vmem>> -> memref<80x128xf32, #tpu.memory_space<vmem>>
      %dma_start3A_107 = arith.constant 0 : i32
      %dma_start3A_108 = tpu.memref_slice %arg13[%add3A_88, %dma_start3A_107] : memref<10240x128xf32, #tpu.memory_space<vmem_shared>> -> memref<80x128xf32, #tpu.memory_space<vmem_shared>>
      tpu.enqueue_dma source(%dma_start3A_108 : memref<80x128xf32, #tpu.memory_space<vmem_shared>>) target(%dma_start3A_106 : memref<80x128xf32, #tpu.memory_space<vmem>>) target_semaphore(%run_scoped3A : memref<!tpu.dma_semaphore, #tpu.memory_space<semaphore_mem>>)
      %dma_wait3A_109 = arith.constant 0 : i32
      %dma_wait3A_110 = arith.constant 0 : i32
      %dma_wait3A_111 = tpu.memref_slice %arg9[%dma_wait3A_109, %dma_wait3A_110] : memref<80x128xf32, #tpu.memory_space<vmem>> -> memref<80x128xf32, #tpu.memory_space<vmem>>
      %dma_wait3A_112 = arith.constant 0 : i32
      %dma_wait3A_113 = tpu.memref_slice %arg13[%add3A_88, %dma_wait3A_112] : memref<10240x128xf32, #tpu.memory_space<vmem_shared>> -> memref<80x128xf32, #tpu.memory_space<vmem_shared>>
      %dma_wait3A_114 = arith.constant 0 : i32
      %dma_wait3A_115 = arith.constant 0 : i32
      %dma_wait3A_116 = tpu.memref_slice %arg9[%dma_wait3A_114, %dma_wait3A_115] : memref<80x128xf32, #tpu.memory_space<vmem>> -> memref<80x128xf32, #tpu.memory_space<vmem>>
      %dma_wait3A_117 = arith.constant 0 : i32
      %dma_wait3A_118 = tpu.memref_slice %arg13[%add3A_88, %dma_wait3A_117] : memref<10240x128xf32, #tpu.memory_space<vmem_shared>> -> memref<80x128xf32, #tpu.memory_space<vmem_shared>>
      tpu.wait_dma2 semaphore(%run_scoped3A : memref<!tpu.dma_semaphore, #tpu.memory_space<semaphore_mem>>) src(%dma_wait3A_118 : memref<80x128xf32, #tpu.memory_space<vmem_shared>>) dst(%dma_wait3A_116 : memref<80x128xf32, #tpu.memory_space<vmem>>)
      tpu.yield
    }) : () -> ()
    "tpu.region"() ({
      %run_scoped3A = tpu.sem_alloc : memref<!tpu.dma_semaphore, #tpu.memory_space<semaphore_mem>>
      %dma_start3A_99 = arith.constant 0 : i32
      %dma_start3A_100 = arith.constant 0 : i32
      %dma_start3A_101 = tpu.memref_slice %arg9[%dma_start3A_99, %dma_start3A_100] : memref<80x128xf32, #tpu.memory_space<vmem>> -> memref<80x128xf32, #tpu.memory_space<vmem>>
      %dma_start3A_102 = arith.constant 0 : i32
      %dma_start3A_103 = tpu.memref_slice %arg5[%arg0, %add3A_88, %dma_start3A_102] : memref<2x10240x128xf32, #tpu.memory_space<hbm>> -> memref<1x80x128xf32, #tpu.memory_space<hbm>>
      %dma_start3A_104 = tpu.memref_squeeze %dma_start3A_103 : memref<1x80x128xf32, #tpu.memory_space<hbm>> -> memref<80x128xf32, #tpu.memory_space<hbm>>
      %dma_start3A_105 = arith.constant 0 : i32
      %dma_start3A_106 = tpu.memref_slice %arg5[%arg0, %add3A_88, %dma_start3A_105] : memref<2x10240x128xf32, #tpu.memory_space<hbm>> -> memref<1x80x128xf32, #tpu.memory_space<hbm>>
      %dma_start3A_107 = tpu.memref_squeeze %dma_start3A_106 : memref<1x80x128xf32, #tpu.memory_space<hbm>> -> memref<80x128xf32, #tpu.memory_space<hbm>>
      %dma_start3A_108 = arith.constant 0 : i32
      %dma_start3A_109 = arith.constant 0 : i32
      %dma_start3A_110 = tpu.memref_slice %arg9[%dma_start3A_108, %dma_start3A_109] : memref<80x128xf32, #tpu.memory_space<vmem>> -> memref<80x128xf32, #tpu.memory_space<vmem>>
      tpu.enqueue_dma source(%dma_start3A_110 : memref<80x128xf32, #tpu.memory_space<vmem>>) target(%dma_start3A_107 : memref<80x128xf32, #tpu.memory_space<hbm>>) target_semaphore(%run_scoped3A : memref<!tpu.dma_semaphore, #tpu.memory_space<semaphore_mem>>)
      %dma_wait3A_111 = arith.constant 0 : i32
      %dma_wait3A_112 = arith.constant 0 : i32
      %dma_wait3A_113 = tpu.memref_slice %arg9[%dma_wait3A_111, %dma_wait3A_112] : memref<80x128xf32, #tpu.memory_space<vmem>> -> memref<80x128xf32, #tpu.memory_space<vmem>>
      %dma_wait3A_114 = arith.constant 0 : i32
      %dma_wait3A_115 = tpu.memref_slice %arg5[%arg0, %add3A_88, %dma_wait3A_114] : memref<2x10240x128xf32, #tpu.memory_space<hbm>> -> memref<1x80x128xf32, #tpu.memory_space<hbm>>
      %dma_wait3A_116 = tpu.memref_squeeze %dma_wait3A_115 : memref<1x80x128xf32, #tpu.memory_space<hbm>> -> memref<80x128xf32, #tpu.memory_space<hbm>>
      %dma_wait3A_117 = arith.constant 0 : i32
      %dma_wait3A_118 = tpu.memref_slice %arg5[%arg0, %add3A_88, %dma_wait3A_117] : memref<2x10240x128xf32, #tpu.memory_space<hbm>> -> memref<1x80x128xf32, #tpu.memory_space<hbm>>
      %dma_wait3A_119 = tpu.memref_squeeze %dma_wait3A_118 : memref<1x80x128xf32, #tpu.memory_space<hbm>> -> memref<80x128xf32, #tpu.memory_space<hbm>>
      %dma_wait3A_120 = arith.constant 0 : i32
      %dma_wait3A_121 = arith.constant 0 : i32
      %dma_wait3A_122 = tpu.memref_slice %arg9[%dma_wait3A_120, %dma_wait3A_121] : memref<80x128xf32, #tpu.memory_space<vmem>> -> memref<80x128xf32, #tpu.memory_space<vmem>>
      tpu.wait_dma2 semaphore(%run_scoped3A : memref<!tpu.dma_semaphore, #tpu.memory_space<semaphore_mem>>) src(%dma_wait3A_122 : memref<80x128xf32, #tpu.memory_space<vmem>>) dst(%dma_wait3A_119 : memref<80x128xf32, #tpu.memory_space<hbm>>)
      tpu.yield
    }) : () -> ()
    %add3A_89 = arith.constant 240 : i32
    %add3A_90 = arith.addi %mul3A_5, %add3A_89 : i32
    "tpu.region"() ({
      %run_scoped3A = tpu.sem_alloc : memref<!tpu.dma_semaphore, #tpu.memory_space<semaphore_mem>>
      %dma_start3A_99 = arith.constant 0 : i32
      %dma_start3A_100 = arith.constant 0 : i32
      %dma_start3A_101 = tpu.memref_slice %arg9[%dma_start3A_99, %dma_start3A_100] : memref<80x128xf32, #tpu.memory_space<vmem>> -> memref<80x128xf32, #tpu.memory_space<vmem>>
      %dma_start3A_102 = arith.constant 0 : i32
      %dma_start3A_103 = tpu.memref_slice %arg13[%add3A_90, %dma_start3A_102] : memref<10240x128xf32, #tpu.memory_space<vmem_shared>> -> memref<80x128xf32, #tpu.memory_space<vmem_shared>>
      %dma_start3A_104 = arith.constant 0 : i32
      %dma_start3A_105 = arith.constant 0 : i32
      %dma_start3A_106 = tpu.memref_slice %arg9[%dma_start3A_104, %dma_start3A_105] : memref<80x128xf32, #tpu.memory_space<vmem>> -> memref<80x128xf32, #tpu.memory_space<vmem>>
      %dma_start3A_107 = arith.constant 0 : i32
      %dma_start3A_108 = tpu.memref_slice %arg13[%add3A_90, %dma_start3A_107] : memref<10240x128xf32, #tpu.memory_space<vmem_shared>> -> memref<80x128xf32, #tpu.memory_space<vmem_shared>>
      tpu.enqueue_dma source(%dma_start3A_108 : memref<80x128xf32, #tpu.memory_space<vmem_shared>>) target(%dma_start3A_106 : memref<80x128xf32, #tpu.memory_space<vmem>>) target_semaphore(%run_scoped3A : memref<!tpu.dma_semaphore, #tpu.memory_space<semaphore_mem>>)
      %dma_wait3A_109 = arith.constant 0 : i32
      %dma_wait3A_110 = arith.constant 0 : i32
      %dma_wait3A_111 = tpu.memref_slice %arg9[%dma_wait3A_109, %dma_wait3A_110] : memref<80x128xf32, #tpu.memory_space<vmem>> -> memref<80x128xf32, #tpu.memory_space<vmem>>
      %dma_wait3A_112 = arith.constant 0 : i32
      %dma_wait3A_113 = tpu.memref_slice %arg13[%add3A_90, %dma_wait3A_112] : memref<10240x128xf32, #tpu.memory_space<vmem_shared>> -> memref<80x128xf32, #tpu.memory_space<vmem_shared>>
      %dma_wait3A_114 = arith.constant 0 : i32
      %dma_wait3A_115 = arith.constant 0 : i32
      %dma_wait3A_116 = tpu.memref_slice %arg9[%dma_wait3A_114, %dma_wait3A_115] : memref<80x128xf32, #tpu.memory_space<vmem>> -> memref<80x128xf32, #tpu.memory_space<vmem>>
      %dma_wait3A_117 = arith.constant 0 : i32
      %dma_wait3A_118 = tpu.memref_slice %arg13[%add3A_90, %dma_wait3A_117] : memref<10240x128xf32, #tpu.memory_space<vmem_shared>> -> memref<80x128xf32, #tpu.memory_space<vmem_shared>>
      tpu.wait_dma2 semaphore(%run_scoped3A : memref<!tpu.dma_semaphore, #tpu.memory_space<semaphore_mem>>) src(%dma_wait3A_118 : memref<80x128xf32, #tpu.memory_space<vmem_shared>>) dst(%dma_wait3A_116 : memref<80x128xf32, #tpu.memory_space<vmem>>)
      tpu.yield
    }) : () -> ()
    "tpu.region"() ({
      %run_scoped3A = tpu.sem_alloc : memref<!tpu.dma_semaphore, #tpu.memory_space<semaphore_mem>>
      %dma_start3A_99 = arith.constant 0 : i32
      %dma_start3A_100 = arith.constant 0 : i32
      %dma_start3A_101 = tpu.memref_slice %arg9[%dma_start3A_99, %dma_start3A_100] : memref<80x128xf32, #tpu.memory_space<vmem>> -> memref<80x128xf32, #tpu.memory_space<vmem>>
      %dma_start3A_102 = arith.constant 0 : i32
      %dma_start3A_103 = tpu.memref_slice %arg5[%arg0, %add3A_90, %dma_start3A_102] : memref<2x10240x128xf32, #tpu.memory_space<hbm>> -> memref<1x80x128xf32, #tpu.memory_space<hbm>>
      %dma_start3A_104 = tpu.memref_squeeze %dma_start3A_103 : memref<1x80x128xf32, #tpu.memory_space<hbm>> -> memref<80x128xf32, #tpu.memory_space<hbm>>
      %dma_start3A_105 = arith.constant 0 : i32
      %dma_start3A_106 = tpu.memref_slice %arg5[%arg0, %add3A_90, %dma_start3A_105] : memref<2x10240x128xf32, #tpu.memory_space<hbm>> -> memref<1x80x128xf32, #tpu.memory_space<hbm>>
      %dma_start3A_107 = tpu.memref_squeeze %dma_start3A_106 : memref<1x80x128xf32, #tpu.memory_space<hbm>> -> memref<80x128xf32, #tpu.memory_space<hbm>>
      %dma_start3A_108 = arith.constant 0 : i32
      %dma_start3A_109 = arith.constant 0 : i32
      %dma_start3A_110 = tpu.memref_slice %arg9[%dma_start3A_108, %dma_start3A_109] : memref<80x128xf32, #tpu.memory_space<vmem>> -> memref<80x128xf32, #tpu.memory_space<vmem>>
      tpu.enqueue_dma source(%dma_start3A_110 : memref<80x128xf32, #tpu.memory_space<vmem>>) target(%dma_start3A_107 : memref<80x128xf32, #tpu.memory_space<hbm>>) target_semaphore(%run_scoped3A : memref<!tpu.dma_semaphore, #tpu.memory_space<semaphore_mem>>)
      %dma_wait3A_111 = arith.constant 0 : i32
      %dma_wait3A_112 = arith.constant 0 : i32
      %dma_wait3A_113 = tpu.memref_slice %arg9[%dma_wait3A_111, %dma_wait3A_112] : memref<80x128xf32, #tpu.memory_space<vmem>> -> memref<80x128xf32, #tpu.memory_space<vmem>>
      %dma_wait3A_114 = arith.constant 0 : i32
      %dma_wait3A_115 = tpu.memref_slice %arg5[%arg0, %add3A_90, %dma_wait3A_114] : memref<2x10240x128xf32, #tpu.memory_space<hbm>> -> memref<1x80x128xf32, #tpu.memory_space<hbm>>
      %dma_wait3A_116 = tpu.memref_squeeze %dma_wait3A_115 : memref<1x80x128xf32, #tpu.memory_space<hbm>> -> memref<80x128xf32, #tpu.memory_space<hbm>>
      %dma_wait3A_117 = arith.constant 0 : i32
      %dma_wait3A_118 = tpu.memref_slice %arg5[%arg0, %add3A_90, %dma_wait3A_117] : memref<2x10240x128xf32, #tpu.memory_space<hbm>> -> memref<1x80x128xf32, #tpu.memory_space<hbm>>
      %dma_wait3A_119 = tpu.memref_squeeze %dma_wait3A_118 : memref<1x80x128xf32, #tpu.memory_space<hbm>> -> memref<80x128xf32, #tpu.memory_space<hbm>>
      %dma_wait3A_120 = arith.constant 0 : i32
      %dma_wait3A_121 = arith.constant 0 : i32
      %dma_wait3A_122 = tpu.memref_slice %arg9[%dma_wait3A_120, %dma_wait3A_121] : memref<80x128xf32, #tpu.memory_space<vmem>> -> memref<80x128xf32, #tpu.memory_space<vmem>>
      tpu.wait_dma2 semaphore(%run_scoped3A : memref<!tpu.dma_semaphore, #tpu.memory_space<semaphore_mem>>) src(%dma_wait3A_122 : memref<80x128xf32, #tpu.memory_space<vmem>>) dst(%dma_wait3A_119 : memref<80x128xf32, #tpu.memory_space<hbm>>)
      tpu.yield
    }) : () -> ()
    %add3A_91 = arith.constant 320 : i32
    %add3A_92 = arith.addi %mul3A_5, %add3A_91 : i32
    "tpu.region"() ({
      %run_scoped3A = tpu.sem_alloc : memref<!tpu.dma_semaphore, #tpu.memory_space<semaphore_mem>>
      %dma_start3A_99 = arith.constant 0 : i32
      %dma_start3A_100 = arith.constant 0 : i32
      %dma_start3A_101 = tpu.memref_slice %arg9[%dma_start3A_99, %dma_start3A_100] : memref<80x128xf32, #tpu.memory_space<vmem>> -> memref<80x128xf32, #tpu.memory_space<vmem>>
      %dma_start3A_102 = arith.constant 0 : i32
      %dma_start3A_103 = tpu.memref_slice %arg13[%add3A_92, %dma_start3A_102] : memref<10240x128xf32, #tpu.memory_space<vmem_shared>> -> memref<80x128xf32, #tpu.memory_space<vmem_shared>>
      %dma_start3A_104 = arith.constant 0 : i32
      %dma_start3A_105 = arith.constant 0 : i32
      %dma_start3A_106 = tpu.memref_slice %arg9[%dma_start3A_104, %dma_start3A_105] : memref<80x128xf32, #tpu.memory_space<vmem>> -> memref<80x128xf32, #tpu.memory_space<vmem>>
      %dma_start3A_107 = arith.constant 0 : i32
      %dma_start3A_108 = tpu.memref_slice %arg13[%add3A_92, %dma_start3A_107] : memref<10240x128xf32, #tpu.memory_space<vmem_shared>> -> memref<80x128xf32, #tpu.memory_space<vmem_shared>>
      tpu.enqueue_dma source(%dma_start3A_108 : memref<80x128xf32, #tpu.memory_space<vmem_shared>>) target(%dma_start3A_106 : memref<80x128xf32, #tpu.memory_space<vmem>>) target_semaphore(%run_scoped3A : memref<!tpu.dma_semaphore, #tpu.memory_space<semaphore_mem>>)
      %dma_wait3A_109 = arith.constant 0 : i32
      %dma_wait3A_110 = arith.constant 0 : i32
      %dma_wait3A_111 = tpu.memref_slice %arg9[%dma_wait3A_109, %dma_wait3A_110] : memref<80x128xf32, #tpu.memory_space<vmem>> -> memref<80x128xf32, #tpu.memory_space<vmem>>
      %dma_wait3A_112 = arith.constant 0 : i32
      %dma_wait3A_113 = tpu.memref_slice %arg13[%add3A_92, %dma_wait3A_112] : memref<10240x128xf32, #tpu.memory_space<vmem_shared>> -> memref<80x128xf32, #tpu.memory_space<vmem_shared>>
      %dma_wait3A_114 = arith.constant 0 : i32
      %dma_wait3A_115 = arith.constant 0 : i32
      %dma_wait3A_116 = tpu.memref_slice %arg9[%dma_wait3A_114, %dma_wait3A_115] : memref<80x128xf32, #tpu.memory_space<vmem>> -> memref<80x128xf32, #tpu.memory_space<vmem>>
      %dma_wait3A_117 = arith.constant 0 : i32
      %dma_wait3A_118 = tpu.memref_slice %arg13[%add3A_92, %dma_wait3A_117] : memref<10240x128xf32, #tpu.memory_space<vmem_shared>> -> memref<80x128xf32, #tpu.memory_space<vmem_shared>>
      tpu.wait_dma2 semaphore(%run_scoped3A : memref<!tpu.dma_semaphore, #tpu.memory_space<semaphore_mem>>) src(%dma_wait3A_118 : memref<80x128xf32, #tpu.memory_space<vmem_shared>>) dst(%dma_wait3A_116 : memref<80x128xf32, #tpu.memory_space<vmem>>)
      tpu.yield
    }) : () -> ()
    "tpu.region"() ({
      %run_scoped3A = tpu.sem_alloc : memref<!tpu.dma_semaphore, #tpu.memory_space<semaphore_mem>>
      %dma_start3A_99 = arith.constant 0 : i32
      %dma_start3A_100 = arith.constant 0 : i32
      %dma_start3A_101 = tpu.memref_slice %arg9[%dma_start3A_99, %dma_start3A_100] : memref<80x128xf32, #tpu.memory_space<vmem>> -> memref<80x128xf32, #tpu.memory_space<vmem>>
      %dma_start3A_102 = arith.constant 0 : i32
      %dma_start3A_103 = tpu.memref_slice %arg5[%arg0, %add3A_92, %dma_start3A_102] : memref<2x10240x128xf32, #tpu.memory_space<hbm>> -> memref<1x80x128xf32, #tpu.memory_space<hbm>>
      %dma_start3A_104 = tpu.memref_squeeze %dma_start3A_103 : memref<1x80x128xf32, #tpu.memory_space<hbm>> -> memref<80x128xf32, #tpu.memory_space<hbm>>
      %dma_start3A_105 = arith.constant 0 : i32
      %dma_start3A_106 = tpu.memref_slice %arg5[%arg0, %add3A_92, %dma_start3A_105] : memref<2x10240x128xf32, #tpu.memory_space<hbm>> -> memref<1x80x128xf32, #tpu.memory_space<hbm>>
      %dma_start3A_107 = tpu.memref_squeeze %dma_start3A_106 : memref<1x80x128xf32, #tpu.memory_space<hbm>> -> memref<80x128xf32, #tpu.memory_space<hbm>>
      %dma_start3A_108 = arith.constant 0 : i32
      %dma_start3A_109 = arith.constant 0 : i32
      %dma_start3A_110 = tpu.memref_slice %arg9[%dma_start3A_108, %dma_start3A_109] : memref<80x128xf32, #tpu.memory_space<vmem>> -> memref<80x128xf32, #tpu.memory_space<vmem>>
      tpu.enqueue_dma source(%dma_start3A_110 : memref<80x128xf32, #tpu.memory_space<vmem>>) target(%dma_start3A_107 : memref<80x128xf32, #tpu.memory_space<hbm>>) target_semaphore(%run_scoped3A : memref<!tpu.dma_semaphore, #tpu.memory_space<semaphore_mem>>)
      %dma_wait3A_111 = arith.constant 0 : i32
      %dma_wait3A_112 = arith.constant 0 : i32
      %dma_wait3A_113 = tpu.memref_slice %arg9[%dma_wait3A_111, %dma_wait3A_112] : memref<80x128xf32, #tpu.memory_space<vmem>> -> memref<80x128xf32, #tpu.memory_space<vmem>>
      %dma_wait3A_114 = arith.constant 0 : i32
      %dma_wait3A_115 = tpu.memref_slice %arg5[%arg0, %add3A_92, %dma_wait3A_114] : memref<2x10240x128xf32, #tpu.memory_space<hbm>> -> memref<1x80x128xf32, #tpu.memory_space<hbm>>
      %dma_wait3A_116 = tpu.memref_squeeze %dma_wait3A_115 : memref<1x80x128xf32, #tpu.memory_space<hbm>> -> memref<80x128xf32, #tpu.memory_space<hbm>>
      %dma_wait3A_117 = arith.constant 0 : i32
      %dma_wait3A_118 = tpu.memref_slice %arg5[%arg0, %add3A_92, %dma_wait3A_117] : memref<2x10240x128xf32, #tpu.memory_space<hbm>> -> memref<1x80x128xf32, #tpu.memory_space<hbm>>
      %dma_wait3A_119 = tpu.memref_squeeze %dma_wait3A_118 : memref<1x80x128xf32, #tpu.memory_space<hbm>> -> memref<80x128xf32, #tpu.memory_space<hbm>>
      %dma_wait3A_120 = arith.constant 0 : i32
      %dma_wait3A_121 = arith.constant 0 : i32
      %dma_wait3A_122 = tpu.memref_slice %arg9[%dma_wait3A_120, %dma_wait3A_121] : memref<80x128xf32, #tpu.memory_space<vmem>> -> memref<80x128xf32, #tpu.memory_space<vmem>>
      tpu.wait_dma2 semaphore(%run_scoped3A : memref<!tpu.dma_semaphore, #tpu.memory_space<semaphore_mem>>) src(%dma_wait3A_122 : memref<80x128xf32, #tpu.memory_space<vmem>>) dst(%dma_wait3A_119 : memref<80x128xf32, #tpu.memory_space<hbm>>)
      tpu.yield
    }) : () -> ()
    %add3A_93 = arith.constant 400 : i32
    %add3A_94 = arith.addi %mul3A_5, %add3A_93 : i32
    "tpu.region"() ({
      %run_scoped3A = tpu.sem_alloc : memref<!tpu.dma_semaphore, #tpu.memory_space<semaphore_mem>>
      %dma_start3A_99 = arith.constant 0 : i32
      %dma_start3A_100 = arith.constant 0 : i32
      %dma_start3A_101 = tpu.memref_slice %arg9[%dma_start3A_99, %dma_start3A_100] : memref<80x128xf32, #tpu.memory_space<vmem>> -> memref<80x128xf32, #tpu.memory_space<vmem>>
      %dma_start3A_102 = arith.constant 0 : i32
      %dma_start3A_103 = tpu.memref_slice %arg13[%add3A_94, %dma_start3A_102] : memref<10240x128xf32, #tpu.memory_space<vmem_shared>> -> memref<80x128xf32, #tpu.memory_space<vmem_shared>>
      %dma_start3A_104 = arith.constant 0 : i32
      %dma_start3A_105 = arith.constant 0 : i32
      %dma_start3A_106 = tpu.memref_slice %arg9[%dma_start3A_104, %dma_start3A_105] : memref<80x128xf32, #tpu.memory_space<vmem>> -> memref<80x128xf32, #tpu.memory_space<vmem>>
      %dma_start3A_107 = arith.constant 0 : i32
      %dma_start3A_108 = tpu.memref_slice %arg13[%add3A_94, %dma_start3A_107] : memref<10240x128xf32, #tpu.memory_space<vmem_shared>> -> memref<80x128xf32, #tpu.memory_space<vmem_shared>>
      tpu.enqueue_dma source(%dma_start3A_108 : memref<80x128xf32, #tpu.memory_space<vmem_shared>>) target(%dma_start3A_106 : memref<80x128xf32, #tpu.memory_space<vmem>>) target_semaphore(%run_scoped3A : memref<!tpu.dma_semaphore, #tpu.memory_space<semaphore_mem>>)
      %dma_wait3A_109 = arith.constant 0 : i32
      %dma_wait3A_110 = arith.constant 0 : i32
      %dma_wait3A_111 = tpu.memref_slice %arg9[%dma_wait3A_109, %dma_wait3A_110] : memref<80x128xf32, #tpu.memory_space<vmem>> -> memref<80x128xf32, #tpu.memory_space<vmem>>
      %dma_wait3A_112 = arith.constant 0 : i32
      %dma_wait3A_113 = tpu.memref_slice %arg13[%add3A_94, %dma_wait3A_112] : memref<10240x128xf32, #tpu.memory_space<vmem_shared>> -> memref<80x128xf32, #tpu.memory_space<vmem_shared>>
      %dma_wait3A_114 = arith.constant 0 : i32
      %dma_wait3A_115 = arith.constant 0 : i32
      %dma_wait3A_116 = tpu.memref_slice %arg9[%dma_wait3A_114, %dma_wait3A_115] : memref<80x128xf32, #tpu.memory_space<vmem>> -> memref<80x128xf32, #tpu.memory_space<vmem>>
      %dma_wait3A_117 = arith.constant 0 : i32
      %dma_wait3A_118 = tpu.memref_slice %arg13[%add3A_94, %dma_wait3A_117] : memref<10240x128xf32, #tpu.memory_space<vmem_shared>> -> memref<80x128xf32, #tpu.memory_space<vmem_shared>>
      tpu.wait_dma2 semaphore(%run_scoped3A : memref<!tpu.dma_semaphore, #tpu.memory_space<semaphore_mem>>) src(%dma_wait3A_118 : memref<80x128xf32, #tpu.memory_space<vmem_shared>>) dst(%dma_wait3A_116 : memref<80x128xf32, #tpu.memory_space<vmem>>)
      tpu.yield
    }) : () -> ()
    "tpu.region"() ({
      %run_scoped3A = tpu.sem_alloc : memref<!tpu.dma_semaphore, #tpu.memory_space<semaphore_mem>>
      %dma_start3A_99 = arith.constant 0 : i32
      %dma_start3A_100 = arith.constant 0 : i32
      %dma_start3A_101 = tpu.memref_slice %arg9[%dma_start3A_99, %dma_start3A_100] : memref<80x128xf32, #tpu.memory_space<vmem>> -> memref<80x128xf32, #tpu.memory_space<vmem>>
      %dma_start3A_102 = arith.constant 0 : i32
      %dma_start3A_103 = tpu.memref_slice %arg5[%arg0, %add3A_94, %dma_start3A_102] : memref<2x10240x128xf32, #tpu.memory_space<hbm>> -> memref<1x80x128xf32, #tpu.memory_space<hbm>>
      %dma_start3A_104 = tpu.memref_squeeze %dma_start3A_103 : memref<1x80x128xf32, #tpu.memory_space<hbm>> -> memref<80x128xf32, #tpu.memory_space<hbm>>
      %dma_start3A_105 = arith.constant 0 : i32
      %dma_start3A_106 = tpu.memref_slice %arg5[%arg0, %add3A_94, %dma_start3A_105] : memref<2x10240x128xf32, #tpu.memory_space<hbm>> -> memref<1x80x128xf32, #tpu.memory_space<hbm>>
      %dma_start3A_107 = tpu.memref_squeeze %dma_start3A_106 : memref<1x80x128xf32, #tpu.memory_space<hbm>> -> memref<80x128xf32, #tpu.memory_space<hbm>>
      %dma_start3A_108 = arith.constant 0 : i32
      %dma_start3A_109 = arith.constant 0 : i32
      %dma_start3A_110 = tpu.memref_slice %arg9[%dma_start3A_108, %dma_start3A_109] : memref<80x128xf32, #tpu.memory_space<vmem>> -> memref<80x128xf32, #tpu.memory_space<vmem>>
      tpu.enqueue_dma source(%dma_start3A_110 : memref<80x128xf32, #tpu.memory_space<vmem>>) target(%dma_start3A_107 : memref<80x128xf32, #tpu.memory_space<hbm>>) target_semaphore(%run_scoped3A : memref<!tpu.dma_semaphore, #tpu.memory_space<semaphore_mem>>)
      %dma_wait3A_111 = arith.constant 0 : i32
      %dma_wait3A_112 = arith.constant 0 : i32
      %dma_wait3A_113 = tpu.memref_slice %arg9[%dma_wait3A_111, %dma_wait3A_112] : memref<80x128xf32, #tpu.memory_space<vmem>> -> memref<80x128xf32, #tpu.memory_space<vmem>>
      %dma_wait3A_114 = arith.constant 0 : i32
      %dma_wait3A_115 = tpu.memref_slice %arg5[%arg0, %add3A_94, %dma_wait3A_114] : memref<2x10240x128xf32, #tpu.memory_space<hbm>> -> memref<1x80x128xf32, #tpu.memory_space<hbm>>
      %dma_wait3A_116 = tpu.memref_squeeze %dma_wait3A_115 : memref<1x80x128xf32, #tpu.memory_space<hbm>> -> memref<80x128xf32, #tpu.memory_space<hbm>>
      %dma_wait3A_117 = arith.constant 0 : i32
      %dma_wait3A_118 = tpu.memref_slice %arg5[%arg0, %add3A_94, %dma_wait3A_117] : memref<2x10240x128xf32, #tpu.memory_space<hbm>> -> memref<1x80x128xf32, #tpu.memory_space<hbm>>
      %dma_wait3A_119 = tpu.memref_squeeze %dma_wait3A_118 : memref<1x80x128xf32, #tpu.memory_space<hbm>> -> memref<80x128xf32, #tpu.memory_space<hbm>>
      %dma_wait3A_120 = arith.constant 0 : i32
      %dma_wait3A_121 = arith.constant 0 : i32
      %dma_wait3A_122 = tpu.memref_slice %arg9[%dma_wait3A_120, %dma_wait3A_121] : memref<80x128xf32, #tpu.memory_space<vmem>> -> memref<80x128xf32, #tpu.memory_space<vmem>>
      tpu.wait_dma2 semaphore(%run_scoped3A : memref<!tpu.dma_semaphore, #tpu.memory_space<semaphore_mem>>) src(%dma_wait3A_122 : memref<80x128xf32, #tpu.memory_space<vmem>>) dst(%dma_wait3A_119 : memref<80x128xf32, #tpu.memory_space<hbm>>)
      tpu.yield
    }) : () -> ()
    %add3A_95 = arith.constant 480 : i32
    %add3A_96 = arith.addi %mul3A_5, %add3A_95 : i32
    "tpu.region"() ({
      %run_scoped3A = tpu.sem_alloc : memref<!tpu.dma_semaphore, #tpu.memory_space<semaphore_mem>>
      %dma_start3A_99 = arith.constant 0 : i32
      %dma_start3A_100 = arith.constant 0 : i32
      %dma_start3A_101 = tpu.memref_slice %arg9[%dma_start3A_99, %dma_start3A_100] : memref<80x128xf32, #tpu.memory_space<vmem>> -> memref<80x128xf32, #tpu.memory_space<vmem>>
      %dma_start3A_102 = arith.constant 0 : i32
      %dma_start3A_103 = tpu.memref_slice %arg13[%add3A_96, %dma_start3A_102] : memref<10240x128xf32, #tpu.memory_space<vmem_shared>> -> memref<80x128xf32, #tpu.memory_space<vmem_shared>>
      %dma_start3A_104 = arith.constant 0 : i32
      %dma_start3A_105 = arith.constant 0 : i32
      %dma_start3A_106 = tpu.memref_slice %arg9[%dma_start3A_104, %dma_start3A_105] : memref<80x128xf32, #tpu.memory_space<vmem>> -> memref<80x128xf32, #tpu.memory_space<vmem>>
      %dma_start3A_107 = arith.constant 0 : i32
      %dma_start3A_108 = tpu.memref_slice %arg13[%add3A_96, %dma_start3A_107] : memref<10240x128xf32, #tpu.memory_space<vmem_shared>> -> memref<80x128xf32, #tpu.memory_space<vmem_shared>>
      tpu.enqueue_dma source(%dma_start3A_108 : memref<80x128xf32, #tpu.memory_space<vmem_shared>>) target(%dma_start3A_106 : memref<80x128xf32, #tpu.memory_space<vmem>>) target_semaphore(%run_scoped3A : memref<!tpu.dma_semaphore, #tpu.memory_space<semaphore_mem>>)
      %dma_wait3A_109 = arith.constant 0 : i32
      %dma_wait3A_110 = arith.constant 0 : i32
      %dma_wait3A_111 = tpu.memref_slice %arg9[%dma_wait3A_109, %dma_wait3A_110] : memref<80x128xf32, #tpu.memory_space<vmem>> -> memref<80x128xf32, #tpu.memory_space<vmem>>
      %dma_wait3A_112 = arith.constant 0 : i32
      %dma_wait3A_113 = tpu.memref_slice %arg13[%add3A_96, %dma_wait3A_112] : memref<10240x128xf32, #tpu.memory_space<vmem_shared>> -> memref<80x128xf32, #tpu.memory_space<vmem_shared>>
      %dma_wait3A_114 = arith.constant 0 : i32
      %dma_wait3A_115 = arith.constant 0 : i32
      %dma_wait3A_116 = tpu.memref_slice %arg9[%dma_wait3A_114, %dma_wait3A_115] : memref<80x128xf32, #tpu.memory_space<vmem>> -> memref<80x128xf32, #tpu.memory_space<vmem>>
      %dma_wait3A_117 = arith.constant 0 : i32
      %dma_wait3A_118 = tpu.memref_slice %arg13[%add3A_96, %dma_wait3A_117] : memref<10240x128xf32, #tpu.memory_space<vmem_shared>> -> memref<80x128xf32, #tpu.memory_space<vmem_shared>>
      tpu.wait_dma2 semaphore(%run_scoped3A : memref<!tpu.dma_semaphore, #tpu.memory_space<semaphore_mem>>) src(%dma_wait3A_118 : memref<80x128xf32, #tpu.memory_space<vmem_shared>>) dst(%dma_wait3A_116 : memref<80x128xf32, #tpu.memory_space<vmem>>)
      tpu.yield
    }) : () -> ()
    "tpu.region"() ({
      %run_scoped3A = tpu.sem_alloc : memref<!tpu.dma_semaphore, #tpu.memory_space<semaphore_mem>>
      %dma_start3A_99 = arith.constant 0 : i32
      %dma_start3A_100 = arith.constant 0 : i32
      %dma_start3A_101 = tpu.memref_slice %arg9[%dma_start3A_99, %dma_start3A_100] : memref<80x128xf32, #tpu.memory_space<vmem>> -> memref<80x128xf32, #tpu.memory_space<vmem>>
      %dma_start3A_102 = arith.constant 0 : i32
      %dma_start3A_103 = tpu.memref_slice %arg5[%arg0, %add3A_96, %dma_start3A_102] : memref<2x10240x128xf32, #tpu.memory_space<hbm>> -> memref<1x80x128xf32, #tpu.memory_space<hbm>>
      %dma_start3A_104 = tpu.memref_squeeze %dma_start3A_103 : memref<1x80x128xf32, #tpu.memory_space<hbm>> -> memref<80x128xf32, #tpu.memory_space<hbm>>
      %dma_start3A_105 = arith.constant 0 : i32
      %dma_start3A_106 = tpu.memref_slice %arg5[%arg0, %add3A_96, %dma_start3A_105] : memref<2x10240x128xf32, #tpu.memory_space<hbm>> -> memref<1x80x128xf32, #tpu.memory_space<hbm>>
      %dma_start3A_107 = tpu.memref_squeeze %dma_start3A_106 : memref<1x80x128xf32, #tpu.memory_space<hbm>> -> memref<80x128xf32, #tpu.memory_space<hbm>>
      %dma_start3A_108 = arith.constant 0 : i32
      %dma_start3A_109 = arith.constant 0 : i32
      %dma_start3A_110 = tpu.memref_slice %arg9[%dma_start3A_108, %dma_start3A_109] : memref<80x128xf32, #tpu.memory_space<vmem>> -> memref<80x128xf32, #tpu.memory_space<vmem>>
      tpu.enqueue_dma source(%dma_start3A_110 : memref<80x128xf32, #tpu.memory_space<vmem>>) target(%dma_start3A_107 : memref<80x128xf32, #tpu.memory_space<hbm>>) target_semaphore(%run_scoped3A : memref<!tpu.dma_semaphore, #tpu.memory_space<semaphore_mem>>)
      %dma_wait3A_111 = arith.constant 0 : i32
      %dma_wait3A_112 = arith.constant 0 : i32
      %dma_wait3A_113 = tpu.memref_slice %arg9[%dma_wait3A_111, %dma_wait3A_112] : memref<80x128xf32, #tpu.memory_space<vmem>> -> memref<80x128xf32, #tpu.memory_space<vmem>>
      %dma_wait3A_114 = arith.constant 0 : i32
      %dma_wait3A_115 = tpu.memref_slice %arg5[%arg0, %add3A_96, %dma_wait3A_114] : memref<2x10240x128xf32, #tpu.memory_space<hbm>> -> memref<1x80x128xf32, #tpu.memory_space<hbm>>
      %dma_wait3A_116 = tpu.memref_squeeze %dma_wait3A_115 : memref<1x80x128xf32, #tpu.memory_space<hbm>> -> memref<80x128xf32, #tpu.memory_space<hbm>>
      %dma_wait3A_117 = arith.constant 0 : i32
      %dma_wait3A_118 = tpu.memref_slice %arg5[%arg0, %add3A_96, %dma_wait3A_117] : memref<2x10240x128xf32, #tpu.memory_space<hbm>> -> memref<1x80x128xf32, #tpu.memory_space<hbm>>
      %dma_wait3A_119 = tpu.memref_squeeze %dma_wait3A_118 : memref<1x80x128xf32, #tpu.memory_space<hbm>> -> memref<80x128xf32, #tpu.memory_space<hbm>>
      %dma_wait3A_120 = arith.constant 0 : i32
      %dma_wait3A_121 = arith.constant 0 : i32
      %dma_wait3A_122 = tpu.memref_slice %arg9[%dma_wait3A_120, %dma_wait3A_121] : memref<80x128xf32, #tpu.memory_space<vmem>> -> memref<80x128xf32, #tpu.memory_space<vmem>>
      tpu.wait_dma2 semaphore(%run_scoped3A : memref<!tpu.dma_semaphore, #tpu.memory_space<semaphore_mem>>) src(%dma_wait3A_122 : memref<80x128xf32, #tpu.memory_space<vmem>>) dst(%dma_wait3A_119 : memref<80x128xf32, #tpu.memory_space<hbm>>)
      tpu.yield
    }) : () -> ()
    %add3A_97 = arith.constant 560 : i32
    %add3A_98 = arith.addi %mul3A_5, %add3A_97 : i32
    "tpu.region"() ({
      %run_scoped3A = tpu.sem_alloc : memref<!tpu.dma_semaphore, #tpu.memory_space<semaphore_mem>>
      %dma_start3A_99 = arith.constant 0 : i32
      %dma_start3A_100 = arith.constant 0 : i32
      %dma_start3A_101 = tpu.memref_slice %arg9[%dma_start3A_99, %dma_start3A_100] : memref<80x128xf32, #tpu.memory_space<vmem>> -> memref<80x128xf32, #tpu.memory_space<vmem>>
      %dma_start3A_102 = arith.constant 0 : i32
      %dma_start3A_103 = tpu.memref_slice %arg13[%add3A_98, %dma_start3A_102] : memref<10240x128xf32, #tpu.memory_space<vmem_shared>> -> memref<80x128xf32, #tpu.memory_space<vmem_shared>>
      %dma_start3A_104 = arith.constant 0 : i32
      %dma_start3A_105 = arith.constant 0 : i32
      %dma_start3A_106 = tpu.memref_slice %arg9[%dma_start3A_104, %dma_start3A_105] : memref<80x128xf32, #tpu.memory_space<vmem>> -> memref<80x128xf32, #tpu.memory_space<vmem>>
      %dma_start3A_107 = arith.constant 0 : i32
      %dma_start3A_108 = tpu.memref_slice %arg13[%add3A_98, %dma_start3A_107] : memref<10240x128xf32, #tpu.memory_space<vmem_shared>> -> memref<80x128xf32, #tpu.memory_space<vmem_shared>>
      tpu.enqueue_dma source(%dma_start3A_108 : memref<80x128xf32, #tpu.memory_space<vmem_shared>>) target(%dma_start3A_106 : memref<80x128xf32, #tpu.memory_space<vmem>>) target_semaphore(%run_scoped3A : memref<!tpu.dma_semaphore, #tpu.memory_space<semaphore_mem>>)
      %dma_wait3A_109 = arith.constant 0 : i32
      %dma_wait3A_110 = arith.constant 0 : i32
      %dma_wait3A_111 = tpu.memref_slice %arg9[%dma_wait3A_109, %dma_wait3A_110] : memref<80x128xf32, #tpu.memory_space<vmem>> -> memref<80x128xf32, #tpu.memory_space<vmem>>
      %dma_wait3A_112 = arith.constant 0 : i32
      %dma_wait3A_113 = tpu.memref_slice %arg13[%add3A_98, %dma_wait3A_112] : memref<10240x128xf32, #tpu.memory_space<vmem_shared>> -> memref<80x128xf32, #tpu.memory_space<vmem_shared>>
      %dma_wait3A_114 = arith.constant 0 : i32
      %dma_wait3A_115 = arith.constant 0 : i32
      %dma_wait3A_116 = tpu.memref_slice %arg9[%dma_wait3A_114, %dma_wait3A_115] : memref<80x128xf32, #tpu.memory_space<vmem>> -> memref<80x128xf32, #tpu.memory_space<vmem>>
      %dma_wait3A_117 = arith.constant 0 : i32
      %dma_wait3A_118 = tpu.memref_slice %arg13[%add3A_98, %dma_wait3A_117] : memref<10240x128xf32, #tpu.memory_space<vmem_shared>> -> memref<80x128xf32, #tpu.memory_space<vmem_shared>>
      tpu.wait_dma2 semaphore(%run_scoped3A : memref<!tpu.dma_semaphore, #tpu.memory_space<semaphore_mem>>) src(%dma_wait3A_118 : memref<80x128xf32, #tpu.memory_space<vmem_shared>>) dst(%dma_wait3A_116 : memref<80x128xf32, #tpu.memory_space<vmem>>)
      tpu.yield
    }) : () -> ()
    "tpu.region"() ({
      %run_scoped3A = tpu.sem_alloc : memref<!tpu.dma_semaphore, #tpu.memory_space<semaphore_mem>>
      %dma_start3A_99 = arith.constant 0 : i32
      %dma_start3A_100 = arith.constant 0 : i32
      %dma_start3A_101 = tpu.memref_slice %arg9[%dma_start3A_99, %dma_start3A_100] : memref<80x128xf32, #tpu.memory_space<vmem>> -> memref<80x128xf32, #tpu.memory_space<vmem>>
      %dma_start3A_102 = arith.constant 0 : i32
      %dma_start3A_103 = tpu.memref_slice %arg5[%arg0, %add3A_98, %dma_start3A_102] : memref<2x10240x128xf32, #tpu.memory_space<hbm>> -> memref<1x80x128xf32, #tpu.memory_space<hbm>>
      %dma_start3A_104 = tpu.memref_squeeze %dma_start3A_103 : memref<1x80x128xf32, #tpu.memory_space<hbm>> -> memref<80x128xf32, #tpu.memory_space<hbm>>
      %dma_start3A_105 = arith.constant 0 : i32
      %dma_start3A_106 = tpu.memref_slice %arg5[%arg0, %add3A_98, %dma_start3A_105] : memref<2x10240x128xf32, #tpu.memory_space<hbm>> -> memref<1x80x128xf32, #tpu.memory_space<hbm>>
      %dma_start3A_107 = tpu.memref_squeeze %dma_start3A_106 : memref<1x80x128xf32, #tpu.memory_space<hbm>> -> memref<80x128xf32, #tpu.memory_space<hbm>>
      %dma_start3A_108 = arith.constant 0 : i32
      %dma_start3A_109 = arith.constant 0 : i32
      %dma_start3A_110 = tpu.memref_slice %arg9[%dma_start3A_108, %dma_start3A_109] : memref<80x128xf32, #tpu.memory_space<vmem>> -> memref<80x128xf32, #tpu.memory_space<vmem>>
      tpu.enqueue_dma source(%dma_start3A_110 : memref<80x128xf32, #tpu.memory_space<vmem>>) target(%dma_start3A_107 : memref<80x128xf32, #tpu.memory_space<hbm>>) target_semaphore(%run_scoped3A : memref<!tpu.dma_semaphore, #tpu.memory_space<semaphore_mem>>)
      %dma_wait3A_111 = arith.constant 0 : i32
      %dma_wait3A_112 = arith.constant 0 : i32
      %dma_wait3A_113 = tpu.memref_slice %arg9[%dma_wait3A_111, %dma_wait3A_112] : memref<80x128xf32, #tpu.memory_space<vmem>> -> memref<80x128xf32, #tpu.memory_space<vmem>>
      %dma_wait3A_114 = arith.constant 0 : i32
      %dma_wait3A_115 = tpu.memref_slice %arg5[%arg0, %add3A_98, %dma_wait3A_114] : memref<2x10240x128xf32, #tpu.memory_space<hbm>> -> memref<1x80x128xf32, #tpu.memory_space<hbm>>
      %dma_wait3A_116 = tpu.memref_squeeze %dma_wait3A_115 : memref<1x80x128xf32, #tpu.memory_space<hbm>> -> memref<80x128xf32, #tpu.memory_space<hbm>>
      %dma_wait3A_117 = arith.constant 0 : i32
      %dma_wait3A_118 = tpu.memref_slice %arg5[%arg0, %add3A_98, %dma_wait3A_117] : memref<2x10240x128xf32, #tpu.memory_space<hbm>> -> memref<1x80x128xf32, #tpu.memory_space<hbm>>
      %dma_wait3A_119 = tpu.memref_squeeze %dma_wait3A_118 : memref<1x80x128xf32, #tpu.memory_space<hbm>> -> memref<80x128xf32, #tpu.memory_space<hbm>>
      %dma_wait3A_120 = arith.constant 0 : i32
      %dma_wait3A_121 = arith.constant 0 : i32
      %dma_wait3A_122 = tpu.memref_slice %arg9[%dma_wait3A_120, %dma_wait3A_121] : memref<80x128xf32, #tpu.memory_space<vmem>> -> memref<80x128xf32, #tpu.memory_space<vmem>>
      tpu.wait_dma2 semaphore(%run_scoped3A : memref<!tpu.dma_semaphore, #tpu.memory_space<semaphore_mem>>) src(%dma_wait3A_122 : memref<80x128xf32, #tpu.memory_space<vmem>>) dst(%dma_wait3A_119 : memref<80x128xf32, #tpu.memory_space<hbm>>)
      tpu.yield
    }) : () -> ()
    "tpu.region"() ({
      %run_scoped3A = tpu.sem_alloc : memref<!tpu.dma_semaphore, #tpu.memory_space<semaphore_mem>>
      %dma_start3A_99 = tpu.memref_slice %arg14[%mul3A_5] : memref<10240xf32, #tpu.memory_space<vmem_shared>> -> memref<640xf32, #tpu.memory_space<vmem_shared>>
      %dma_start3A_100 = tpu.memref_slice %arg14[%mul3A_5] : memref<10240xf32, #tpu.memory_space<vmem_shared>> -> memref<640xf32, #tpu.memory_space<vmem_shared>>
      tpu.enqueue_dma source(%dma_start3A_100 : memref<640xf32, #tpu.memory_space<vmem_shared>>) target(%arg11 : memref<640xf32, #tpu.memory_space<vmem>>) target_semaphore(%run_scoped3A : memref<!tpu.dma_semaphore, #tpu.memory_space<semaphore_mem>>)
      %dma_wait3A_101 = tpu.memref_slice %arg14[%mul3A_5] : memref<10240xf32, #tpu.memory_space<vmem_shared>> -> memref<640xf32, #tpu.memory_space<vmem_shared>>
      %dma_wait3A_102 = tpu.memref_slice %arg14[%mul3A_5] : memref<10240xf32, #tpu.memory_space<vmem_shared>> -> memref<640xf32, #tpu.memory_space<vmem_shared>>
      tpu.wait_dma2 semaphore(%run_scoped3A : memref<!tpu.dma_semaphore, #tpu.memory_space<semaphore_mem>>) src(%dma_wait3A_102 : memref<640xf32, #tpu.memory_space<vmem_shared>>) dst(%arg11 : memref<640xf32, #tpu.memory_space<vmem>>)
      tpu.yield
    }) : () -> ()
    "tpu.region"() ({
      %run_scoped3A = tpu.sem_alloc : memref<!tpu.dma_semaphore, #tpu.memory_space<semaphore_mem>>
      %dma_start3A_99 = tpu.memref_slice %arg6[%arg0, %mul3A_5] : memref<2x10240xf32, #tpu.memory_space<hbm>> -> memref<1x640xf32, #tpu.memory_space<hbm>>
      %dma_start3A_100 = tpu.memref_squeeze %dma_start3A_99 : memref<1x640xf32, #tpu.memory_space<hbm>> -> memref<640xf32, #tpu.memory_space<hbm>>
      %dma_start3A_101 = tpu.memref_slice %arg6[%arg0, %mul3A_5] : memref<2x10240xf32, #tpu.memory_space<hbm>> -> memref<1x640xf32, #tpu.memory_space<hbm>>
      %dma_start3A_102 = tpu.memref_squeeze %dma_start3A_101 : memref<1x640xf32, #tpu.memory_space<hbm>> -> memref<640xf32, #tpu.memory_space<hbm>>
      tpu.enqueue_dma source(%arg11 : memref<640xf32, #tpu.memory_space<vmem>>) target(%dma_start3A_102 : memref<640xf32, #tpu.memory_space<hbm>>) target_semaphore(%run_scoped3A : memref<!tpu.dma_semaphore, #tpu.memory_space<semaphore_mem>>)
      %dma_wait3A_103 = tpu.memref_slice %arg6[%arg0, %mul3A_5] : memref<2x10240xf32, #tpu.memory_space<hbm>> -> memref<1x640xf32, #tpu.memory_space<hbm>>
      %dma_wait3A_104 = tpu.memref_squeeze %dma_wait3A_103 : memref<1x640xf32, #tpu.memory_space<hbm>> -> memref<640xf32, #tpu.memory_space<hbm>>
      %dma_wait3A_105 = tpu.memref_slice %arg6[%arg0, %mul3A_5] : memref<2x10240xf32, #tpu.memory_space<hbm>> -> memref<1x640xf32, #tpu.memory_space<hbm>>
      %dma_wait3A_106 = tpu.memref_squeeze %dma_wait3A_105 : memref<1x640xf32, #tpu.memory_space<hbm>> -> memref<640xf32, #tpu.memory_space<hbm>>
      tpu.wait_dma2 semaphore(%run_scoped3A : memref<!tpu.dma_semaphore, #tpu.memory_space<semaphore_mem>>) src(%arg11 : memref<640xf32, #tpu.memory_space<vmem>>) dst(%dma_wait3A_106 : memref<640xf32, #tpu.memory_space<hbm>>)
      tpu.yield
    }) : () -> ()
    return
  }
}

#map = affine_map<(d0, d1) -> (0, 0)>
#map1 = affine_map<(d0, d1) -> (0)>
#map2 = affine_map<(d0, d1) -> (0, 0, 0)>
module attributes {stable_mosaic.version = 14 : i64} {
  func.func @_sc_agg_nodeg(%arg0: i32, %arg1: i32, %arg2: memref<10000x128xf32, #tpu.memory_space<hbm>>, %arg3: memref<320000xi32, #tpu.memory_space<hbm>>, %arg4: memref<320000xi32, #tpu.memory_space<hbm>>, %arg5: memref<2x10240x128xf32, #tpu.memory_space<hbm>>, %arg6: memref<10000xi32, #tpu.memory_space<vmem>>, %arg7: memref<10000xi32, #tpu.memory_space<vmem>>, %arg8: memref<80x128xf32, #tpu.memory_space<vmem>>, %arg9: memref<80x128xf32, #tpu.memory_space<vmem>>, %arg10: memref<640xf32, #tpu.memory_space<vmem>>, %arg11: memref<5000xf32, #tpu.memory_space<vmem>>, %arg12: memref<10240x128xf32, #tpu.memory_space<vmem_shared>>, %arg13: memref<10240xf32, #tpu.memory_space<vmem_shared>>, %arg14: memref<!tpu.dma_semaphore, #tpu.memory_space<semaphore_mem>>, %arg15: memref<!tpu.dma_semaphore, #tpu.memory_space<semaphore_mem>>, %arg16: memref<!tpu.dma_semaphore, #tpu.memory_space<semaphore_mem>>) attributes {dimension_semantics = [#tpu.dimension_semantics<core_parallel>, #tpu.dimension_semantics<subcore_parallel>], iteration_bounds = array<i64: 2, 16>, scalar_prefetch = 0 : i64, scratch_operands = 11 : i64, tpu.core_type = #tpu.core_type<sc_vector_subcore>, window_params = [{transform_indices = #map}, {transform_indices = #map1}, {transform_indices = #map1}, {transform_indices = #map2}]} {
    %mul3A = arith.constant 16 : i32
    %mul3A_0 = arith.muli %arg0, %mul3A : i32
    %add3A = arith.addi %mul3A_0, %arg1 : i32
    %broadcast_in_dim3A = arith.constant 0.000000e+00 : f32
    %broadcast_in_dim3A_1 = vector.broadcast %broadcast_in_dim3A : f32 to vector<16xf32>
    %broadcast_in_dim3A_2 = arith.constant 1.000000e+00 : f32
    %broadcast_in_dim3A_3 = vector.broadcast %broadcast_in_dim3A_2 : f32 to vector<16xf32>
    %mul3A_4 = arith.constant 640 : i32
    %mul3A_5 = arith.muli %arg1, %mul3A_4 : i32
    %mul3A_6 = arith.constant 10000 : i32
    %mul3A_7 = arith.muli %add3A, %mul3A_6 : i32
    %multiple_of3A = tpu.assume_multiple %mul3A_7, 8 : i32
    %dma_start3A = tpu.memref_slice %arg3[%multiple_of3A] : memref<320000xi32, #tpu.memory_space<hbm>> -> memref<10000xi32, #tpu.memory_space<hbm>>
    %dma_start3A_8 = tpu.memref_slice %arg3[%multiple_of3A] : memref<320000xi32, #tpu.memory_space<hbm>> -> memref<10000xi32, #tpu.memory_space<hbm>>
    tpu.enqueue_dma source(%dma_start3A_8 : memref<10000xi32, #tpu.memory_space<hbm>>) target(%arg6 : memref<10000xi32, #tpu.memory_space<vmem>>) target_semaphore(%arg14 : memref<!tpu.dma_semaphore, #tpu.memory_space<semaphore_mem>>)
    %dma_start3A_9 = tpu.memref_slice %arg4[%multiple_of3A] : memref<320000xi32, #tpu.memory_space<hbm>> -> memref<10000xi32, #tpu.memory_space<hbm>>
    %dma_start3A_10 = tpu.memref_slice %arg4[%multiple_of3A] : memref<320000xi32, #tpu.memory_space<hbm>> -> memref<10000xi32, #tpu.memory_space<hbm>>
    tpu.enqueue_dma source(%dma_start3A_10 : memref<10000xi32, #tpu.memory_space<hbm>>) target(%arg7 : memref<10000xi32, #tpu.memory_space<vmem>>) target_semaphore(%arg15 : memref<!tpu.dma_semaphore, #tpu.memory_space<semaphore_mem>>)
    %scan3A = arith.constant 0 : i32
    %scan3A_11 = arith.constant 0 : i32
    %scan3A_12 = arith.constant 640 : i32
    %scan3A_13 = arith.addi %scan3A_11, %scan3A_12 : i32
    %scan3A_14 = arith.constant 1 : i32
    scf.for %scan3A_68 = %scan3A_11 to %scan3A_13 step %scan3A_14  : i32 {
      %jit3A = arith.constant 8 : i32
      %div3A = arith.divsi %scan3A_68, %jit3A : i32
      %sign3A = arith.constant 0 : i32
      %sign3A_69 = arith.cmpi sgt, %scan3A_68, %sign3A : i32
      %sign3A_70 = arith.extui %sign3A_69 : i1 to i32
      %sign3A_71 = arith.constant 0 : i32
      %sign3A_72 = arith.cmpi slt, %scan3A_68, %sign3A_71 : i32
      %sign3A_73 = arith.extui %sign3A_72 : i1 to i32
      %sign3A_74 = arith.subi %sign3A_70, %sign3A_73 : i32
      %sign3A_75 = arith.constant 0 : i32
      %sign3A_76 = arith.cmpi sgt, %jit3A, %sign3A_75 : i32
      %sign3A_77 = arith.extui %sign3A_76 : i1 to i32
      %sign3A_78 = arith.constant 0 : i32
      %sign3A_79 = arith.cmpi slt, %jit3A, %sign3A_78 : i32
      %sign3A_80 = arith.extui %sign3A_79 : i1 to i32
      %sign3A_81 = arith.subi %sign3A_77, %sign3A_80 : i32
      %ne3A = arith.cmpi ne, %sign3A_74, %sign3A_81 : i32
      %rem3A = arith.remsi %scan3A_68, %jit3A : i32
      %ne3A_82 = arith.constant 0 : i32
      %ne3A_83 = arith.cmpi ne, %rem3A, %ne3A_82 : i32
      %and3A = arith.andi %ne3A, %ne3A_83 : i1
      %sub3A = arith.constant 1 : i32
      %sub3A_84 = arith.subi %div3A, %sub3A : i32
      %select_n3A = arith.select %and3A, %sub3A_84, %div3A : i32
      %jit3A_85 = arith.constant 8 : i32
      %eq3A = arith.constant 0 : i32
      %eq3A_86 = arith.cmpi eq, %jit3A_85, %eq3A : i32
      %jit3A_87 = arith.constant 1 : i32
      %select_n3A_88 = arith.select %eq3A_86, %jit3A_87, %jit3A_85 : i32
      %rem3A_89 = arith.remsi %scan3A_68, %select_n3A_88 : i32
      %ne3A_90 = arith.constant 0 : i32
      %ne3A_91 = arith.cmpi ne, %rem3A_89, %ne3A_90 : i32
      %lt3A = arith.constant 0 : i32
      %lt3A_92 = arith.cmpi slt, %rem3A_89, %lt3A : i32
      %lt3A_93 = arith.constant 0 : i32
      %lt3A_94 = arith.cmpi slt, %select_n3A_88, %lt3A_93 : i32
      %ne3A_95 = arith.xori %lt3A_92, %lt3A_94 : i1
      %and3A_96 = arith.andi %ne3A_95, %ne3A_91 : i1
      %add3A_97 = arith.addi %rem3A_89, %select_n3A_88 : i32
      %select_n3A_98 = arith.select %and3A_96, %add3A_97, %rem3A_89 : i32
      %mul3A_99 = arith.constant 16 : i32
      %mul3A_100 = arith.muli %select_n3A_98, %mul3A_99 : i32
      %swap3A = arith.index_cast %select_n3A : i32 to index
      %swap3A_101 = arith.index_cast %mul3A_100 : i32 to index
      %swap3A_102 = tpu.vector_load %arg8[%swap3A, %swap3A_101] {strides = array<i32>} : memref<80x128xf32, #tpu.memory_space<vmem>>, vector<1x16xf32>,
      %swap3A_103 = vector.shape_cast %swap3A_102 : vector<1x16xf32> to vector<16xf32>
      %swap3A_104 = vector.shape_cast %broadcast_in_dim3A_1 : vector<16xf32> to vector<1x16xf32>
      tpu.vector_store %arg8[%swap3A, %swap3A_101], %swap3A_104 {strides = array<i32>} : memref<80x128xf32, #tpu.memory_space<vmem>>, vector<1x16xf32>,
    }
    %scan3A_15 = arith.constant 640 : i32
    %add3A_16 = arith.constant 0 : i32
    %add3A_17 = arith.addi %mul3A_5, %add3A_16 : i32
    "tpu.region"() ({
      %run_scoped3A = tpu.sem_alloc : memref<!tpu.dma_semaphore, #tpu.memory_space<semaphore_mem>>
      %dma_start3A_68 = arith.constant 0 : i32
      %dma_start3A_69 = arith.constant 0 : i32
      %dma_start3A_70 = tpu.memref_slice %arg8[%dma_start3A_68, %dma_start3A_69] : memref<80x128xf32, #tpu.memory_space<vmem>> -> memref<80x128xf32, #tpu.memory_space<vmem>>
      %dma_start3A_71 = arith.constant 0 : i32
      %dma_start3A_72 = tpu.memref_slice %arg12[%add3A_17, %dma_start3A_71] : memref<10240x128xf32, #tpu.memory_space<vmem_shared>> -> memref<80x128xf32, #tpu.memory_space<vmem_shared>>
      %dma_start3A_73 = arith.constant 0 : i32
      %dma_start3A_74 = tpu.memref_slice %arg12[%add3A_17, %dma_start3A_73] : memref<10240x128xf32, #tpu.memory_space<vmem_shared>> -> memref<80x128xf32, #tpu.memory_space<vmem_shared>>
      %dma_start3A_75 = arith.constant 0 : i32
      %dma_start3A_76 = arith.constant 0 : i32
      %dma_start3A_77 = tpu.memref_slice %arg8[%dma_start3A_75, %dma_start3A_76] : memref<80x128xf32, #tpu.memory_space<vmem>> -> memref<80x128xf32, #tpu.memory_space<vmem>>
      tpu.enqueue_dma source(%dma_start3A_77 : memref<80x128xf32, #tpu.memory_space<vmem>>) target(%dma_start3A_74 : memref<80x128xf32, #tpu.memory_space<vmem_shared>>) target_semaphore(%run_scoped3A : memref<!tpu.dma_semaphore, #tpu.memory_space<semaphore_mem>>)
      %dma_wait3A_78 = arith.constant 0 : i32
      %dma_wait3A_79 = arith.constant 0 : i32
      %dma_wait3A_80 = tpu.memref_slice %arg8[%dma_wait3A_78, %dma_wait3A_79] : memref<80x128xf32, #tpu.memory_space<vmem>> -> memref<80x128xf32, #tpu.memory_space<vmem>>
      %dma_wait3A_81 = arith.constant 0 : i32
      %dma_wait3A_82 = tpu.memref_slice %arg12[%add3A_17, %dma_wait3A_81] : memref<10240x128xf32, #tpu.memory_space<vmem_shared>> -> memref<80x128xf32, #tpu.memory_space<vmem_shared>>
      %dma_wait3A_83 = arith.constant 0 : i32
      %dma_wait3A_84 = tpu.memref_slice %arg12[%add3A_17, %dma_wait3A_83] : memref<10240x128xf32, #tpu.memory_space<vmem_shared>> -> memref<80x128xf32, #tpu.memory_space<vmem_shared>>
      %dma_wait3A_85 = arith.constant 0 : i32
      %dma_wait3A_86 = arith.constant 0 : i32
      %dma_wait3A_87 = tpu.memref_slice %arg8[%dma_wait3A_85, %dma_wait3A_86] : memref<80x128xf32, #tpu.memory_space<vmem>> -> memref<80x128xf32, #tpu.memory_space<vmem>>
      tpu.wait_dma2 semaphore(%run_scoped3A : memref<!tpu.dma_semaphore, #tpu.memory_space<semaphore_mem>>) src(%dma_wait3A_87 : memref<80x128xf32, #tpu.memory_space<vmem>>) dst(%dma_wait3A_84 : memref<80x128xf32, #tpu.memory_space<vmem_shared>>)
      tpu.yield
    }) : () -> ()
    %add3A_18 = arith.constant 80 : i32
    %add3A_19 = arith.addi %mul3A_5, %add3A_18 : i32
    "tpu.region"() ({
      %run_scoped3A = tpu.sem_alloc : memref<!tpu.dma_semaphore, #tpu.memory_space<semaphore_mem>>
      %dma_start3A_68 = arith.constant 0 : i32
      %dma_start3A_69 = arith.constant 0 : i32
      %dma_start3A_70 = tpu.memref_slice %arg8[%dma_start3A_68, %dma_start3A_69] : memref<80x128xf32, #tpu.memory_space<vmem>> -> memref<80x128xf32, #tpu.memory_space<vmem>>
      %dma_start3A_71 = arith.constant 0 : i32
      %dma_start3A_72 = tpu.memref_slice %arg12[%add3A_19, %dma_start3A_71] : memref<10240x128xf32, #tpu.memory_space<vmem_shared>> -> memref<80x128xf32, #tpu.memory_space<vmem_shared>>
      %dma_start3A_73 = arith.constant 0 : i32
      %dma_start3A_74 = tpu.memref_slice %arg12[%add3A_19, %dma_start3A_73] : memref<10240x128xf32, #tpu.memory_space<vmem_shared>> -> memref<80x128xf32, #tpu.memory_space<vmem_shared>>
      %dma_start3A_75 = arith.constant 0 : i32
      %dma_start3A_76 = arith.constant 0 : i32
      %dma_start3A_77 = tpu.memref_slice %arg8[%dma_start3A_75, %dma_start3A_76] : memref<80x128xf32, #tpu.memory_space<vmem>> -> memref<80x128xf32, #tpu.memory_space<vmem>>
      tpu.enqueue_dma source(%dma_start3A_77 : memref<80x128xf32, #tpu.memory_space<vmem>>) target(%dma_start3A_74 : memref<80x128xf32, #tpu.memory_space<vmem_shared>>) target_semaphore(%run_scoped3A : memref<!tpu.dma_semaphore, #tpu.memory_space<semaphore_mem>>)
      %dma_wait3A_78 = arith.constant 0 : i32
      %dma_wait3A_79 = arith.constant 0 : i32
      %dma_wait3A_80 = tpu.memref_slice %arg8[%dma_wait3A_78, %dma_wait3A_79] : memref<80x128xf32, #tpu.memory_space<vmem>> -> memref<80x128xf32, #tpu.memory_space<vmem>>
      %dma_wait3A_81 = arith.constant 0 : i32
      %dma_wait3A_82 = tpu.memref_slice %arg12[%add3A_19, %dma_wait3A_81] : memref<10240x128xf32, #tpu.memory_space<vmem_shared>> -> memref<80x128xf32, #tpu.memory_space<vmem_shared>>
      %dma_wait3A_83 = arith.constant 0 : i32
      %dma_wait3A_84 = tpu.memref_slice %arg12[%add3A_19, %dma_wait3A_83] : memref<10240x128xf32, #tpu.memory_space<vmem_shared>> -> memref<80x128xf32, #tpu.memory_space<vmem_shared>>
      %dma_wait3A_85 = arith.constant 0 : i32
      %dma_wait3A_86 = arith.constant 0 : i32
      %dma_wait3A_87 = tpu.memref_slice %arg8[%dma_wait3A_85, %dma_wait3A_86] : memref<80x128xf32, #tpu.memory_space<vmem>> -> memref<80x128xf32, #tpu.memory_space<vmem>>
      tpu.wait_dma2 semaphore(%run_scoped3A : memref<!tpu.dma_semaphore, #tpu.memory_space<semaphore_mem>>) src(%dma_wait3A_87 : memref<80x128xf32, #tpu.memory_space<vmem>>) dst(%dma_wait3A_84 : memref<80x128xf32, #tpu.memory_space<vmem_shared>>)
      tpu.yield
    }) : () -> ()
    %add3A_20 = arith.constant 160 : i32
    %add3A_21 = arith.addi %mul3A_5, %add3A_20 : i32
    "tpu.region"() ({
      %run_scoped3A = tpu.sem_alloc : memref<!tpu.dma_semaphore, #tpu.memory_space<semaphore_mem>>
      %dma_start3A_68 = arith.constant 0 : i32
      %dma_start3A_69 = arith.constant 0 : i32
      %dma_start3A_70 = tpu.memref_slice %arg8[%dma_start3A_68, %dma_start3A_69] : memref<80x128xf32, #tpu.memory_space<vmem>> -> memref<80x128xf32, #tpu.memory_space<vmem>>
      %dma_start3A_71 = arith.constant 0 : i32
      %dma_start3A_72 = tpu.memref_slice %arg12[%add3A_21, %dma_start3A_71] : memref<10240x128xf32, #tpu.memory_space<vmem_shared>> -> memref<80x128xf32, #tpu.memory_space<vmem_shared>>
      %dma_start3A_73 = arith.constant 0 : i32
      %dma_start3A_74 = tpu.memref_slice %arg12[%add3A_21, %dma_start3A_73] : memref<10240x128xf32, #tpu.memory_space<vmem_shared>> -> memref<80x128xf32, #tpu.memory_space<vmem_shared>>
      %dma_start3A_75 = arith.constant 0 : i32
      %dma_start3A_76 = arith.constant 0 : i32
      %dma_start3A_77 = tpu.memref_slice %arg8[%dma_start3A_75, %dma_start3A_76] : memref<80x128xf32, #tpu.memory_space<vmem>> -> memref<80x128xf32, #tpu.memory_space<vmem>>
      tpu.enqueue_dma source(%dma_start3A_77 : memref<80x128xf32, #tpu.memory_space<vmem>>) target(%dma_start3A_74 : memref<80x128xf32, #tpu.memory_space<vmem_shared>>) target_semaphore(%run_scoped3A : memref<!tpu.dma_semaphore, #tpu.memory_space<semaphore_mem>>)
      %dma_wait3A_78 = arith.constant 0 : i32
      %dma_wait3A_79 = arith.constant 0 : i32
      %dma_wait3A_80 = tpu.memref_slice %arg8[%dma_wait3A_78, %dma_wait3A_79] : memref<80x128xf32, #tpu.memory_space<vmem>> -> memref<80x128xf32, #tpu.memory_space<vmem>>
      %dma_wait3A_81 = arith.constant 0 : i32
      %dma_wait3A_82 = tpu.memref_slice %arg12[%add3A_21, %dma_wait3A_81] : memref<10240x128xf32, #tpu.memory_space<vmem_shared>> -> memref<80x128xf32, #tpu.memory_space<vmem_shared>>
      %dma_wait3A_83 = arith.constant 0 : i32
      %dma_wait3A_84 = tpu.memref_slice %arg12[%add3A_21, %dma_wait3A_83] : memref<10240x128xf32, #tpu.memory_space<vmem_shared>> -> memref<80x128xf32, #tpu.memory_space<vmem_shared>>
      %dma_wait3A_85 = arith.constant 0 : i32
      %dma_wait3A_86 = arith.constant 0 : i32
      %dma_wait3A_87 = tpu.memref_slice %arg8[%dma_wait3A_85, %dma_wait3A_86] : memref<80x128xf32, #tpu.memory_space<vmem>> -> memref<80x128xf32, #tpu.memory_space<vmem>>
      tpu.wait_dma2 semaphore(%run_scoped3A : memref<!tpu.dma_semaphore, #tpu.memory_space<semaphore_mem>>) src(%dma_wait3A_87 : memref<80x128xf32, #tpu.memory_space<vmem>>) dst(%dma_wait3A_84 : memref<80x128xf32, #tpu.memory_space<vmem_shared>>)
      tpu.yield
    }) : () -> ()
    %add3A_22 = arith.constant 240 : i32
    %add3A_23 = arith.addi %mul3A_5, %add3A_22 : i32
    "tpu.region"() ({
      %run_scoped3A = tpu.sem_alloc : memref<!tpu.dma_semaphore, #tpu.memory_space<semaphore_mem>>
      %dma_start3A_68 = arith.constant 0 : i32
      %dma_start3A_69 = arith.constant 0 : i32
      %dma_start3A_70 = tpu.memref_slice %arg8[%dma_start3A_68, %dma_start3A_69] : memref<80x128xf32, #tpu.memory_space<vmem>> -> memref<80x128xf32, #tpu.memory_space<vmem>>
      %dma_start3A_71 = arith.constant 0 : i32
      %dma_start3A_72 = tpu.memref_slice %arg12[%add3A_23, %dma_start3A_71] : memref<10240x128xf32, #tpu.memory_space<vmem_shared>> -> memref<80x128xf32, #tpu.memory_space<vmem_shared>>
      %dma_start3A_73 = arith.constant 0 : i32
      %dma_start3A_74 = tpu.memref_slice %arg12[%add3A_23, %dma_start3A_73] : memref<10240x128xf32, #tpu.memory_space<vmem_shared>> -> memref<80x128xf32, #tpu.memory_space<vmem_shared>>
      %dma_start3A_75 = arith.constant 0 : i32
      %dma_start3A_76 = arith.constant 0 : i32
      %dma_start3A_77 = tpu.memref_slice %arg8[%dma_start3A_75, %dma_start3A_76] : memref<80x128xf32, #tpu.memory_space<vmem>> -> memref<80x128xf32, #tpu.memory_space<vmem>>
      tpu.enqueue_dma source(%dma_start3A_77 : memref<80x128xf32, #tpu.memory_space<vmem>>) target(%dma_start3A_74 : memref<80x128xf32, #tpu.memory_space<vmem_shared>>) target_semaphore(%run_scoped3A : memref<!tpu.dma_semaphore, #tpu.memory_space<semaphore_mem>>)
      %dma_wait3A_78 = arith.constant 0 : i32
      %dma_wait3A_79 = arith.constant 0 : i32
      %dma_wait3A_80 = tpu.memref_slice %arg8[%dma_wait3A_78, %dma_wait3A_79] : memref<80x128xf32, #tpu.memory_space<vmem>> -> memref<80x128xf32, #tpu.memory_space<vmem>>
      %dma_wait3A_81 = arith.constant 0 : i32
      %dma_wait3A_82 = tpu.memref_slice %arg12[%add3A_23, %dma_wait3A_81] : memref<10240x128xf32, #tpu.memory_space<vmem_shared>> -> memref<80x128xf32, #tpu.memory_space<vmem_shared>>
      %dma_wait3A_83 = arith.constant 0 : i32
      %dma_wait3A_84 = tpu.memref_slice %arg12[%add3A_23, %dma_wait3A_83] : memref<10240x128xf32, #tpu.memory_space<vmem_shared>> -> memref<80x128xf32, #tpu.memory_space<vmem_shared>>
      %dma_wait3A_85 = arith.constant 0 : i32
      %dma_wait3A_86 = arith.constant 0 : i32
      %dma_wait3A_87 = tpu.memref_slice %arg8[%dma_wait3A_85, %dma_wait3A_86] : memref<80x128xf32, #tpu.memory_space<vmem>> -> memref<80x128xf32, #tpu.memory_space<vmem>>
      tpu.wait_dma2 semaphore(%run_scoped3A : memref<!tpu.dma_semaphore, #tpu.memory_space<semaphore_mem>>) src(%dma_wait3A_87 : memref<80x128xf32, #tpu.memory_space<vmem>>) dst(%dma_wait3A_84 : memref<80x128xf32, #tpu.memory_space<vmem_shared>>)
      tpu.yield
    }) : () -> ()
    %add3A_24 = arith.constant 320 : i32
    %add3A_25 = arith.addi %mul3A_5, %add3A_24 : i32
    "tpu.region"() ({
      %run_scoped3A = tpu.sem_alloc : memref<!tpu.dma_semaphore, #tpu.memory_space<semaphore_mem>>
      %dma_start3A_68 = arith.constant 0 : i32
      %dma_start3A_69 = arith.constant 0 : i32
      %dma_start3A_70 = tpu.memref_slice %arg8[%dma_start3A_68, %dma_start3A_69] : memref<80x128xf32, #tpu.memory_space<vmem>> -> memref<80x128xf32, #tpu.memory_space<vmem>>
      %dma_start3A_71 = arith.constant 0 : i32
      %dma_start3A_72 = tpu.memref_slice %arg12[%add3A_25, %dma_start3A_71] : memref<10240x128xf32, #tpu.memory_space<vmem_shared>> -> memref<80x128xf32, #tpu.memory_space<vmem_shared>>
      %dma_start3A_73 = arith.constant 0 : i32
      %dma_start3A_74 = tpu.memref_slice %arg12[%add3A_25, %dma_start3A_73] : memref<10240x128xf32, #tpu.memory_space<vmem_shared>> -> memref<80x128xf32, #tpu.memory_space<vmem_shared>>
      %dma_start3A_75 = arith.constant 0 : i32
      %dma_start3A_76 = arith.constant 0 : i32
      %dma_start3A_77 = tpu.memref_slice %arg8[%dma_start3A_75, %dma_start3A_76] : memref<80x128xf32, #tpu.memory_space<vmem>> -> memref<80x128xf32, #tpu.memory_space<vmem>>
      tpu.enqueue_dma source(%dma_start3A_77 : memref<80x128xf32, #tpu.memory_space<vmem>>) target(%dma_start3A_74 : memref<80x128xf32, #tpu.memory_space<vmem_shared>>) target_semaphore(%run_scoped3A : memref<!tpu.dma_semaphore, #tpu.memory_space<semaphore_mem>>)
      %dma_wait3A_78 = arith.constant 0 : i32
      %dma_wait3A_79 = arith.constant 0 : i32
      %dma_wait3A_80 = tpu.memref_slice %arg8[%dma_wait3A_78, %dma_wait3A_79] : memref<80x128xf32, #tpu.memory_space<vmem>> -> memref<80x128xf32, #tpu.memory_space<vmem>>
      %dma_wait3A_81 = arith.constant 0 : i32
      %dma_wait3A_82 = tpu.memref_slice %arg12[%add3A_25, %dma_wait3A_81] : memref<10240x128xf32, #tpu.memory_space<vmem_shared>> -> memref<80x128xf32, #tpu.memory_space<vmem_shared>>
      %dma_wait3A_83 = arith.constant 0 : i32
      %dma_wait3A_84 = tpu.memref_slice %arg12[%add3A_25, %dma_wait3A_83] : memref<10240x128xf32, #tpu.memory_space<vmem_shared>> -> memref<80x128xf32, #tpu.memory_space<vmem_shared>>
      %dma_wait3A_85 = arith.constant 0 : i32
      %dma_wait3A_86 = arith.constant 0 : i32
      %dma_wait3A_87 = tpu.memref_slice %arg8[%dma_wait3A_85, %dma_wait3A_86] : memref<80x128xf32, #tpu.memory_space<vmem>> -> memref<80x128xf32, #tpu.memory_space<vmem>>
      tpu.wait_dma2 semaphore(%run_scoped3A : memref<!tpu.dma_semaphore, #tpu.memory_space<semaphore_mem>>) src(%dma_wait3A_87 : memref<80x128xf32, #tpu.memory_space<vmem>>) dst(%dma_wait3A_84 : memref<80x128xf32, #tpu.memory_space<vmem_shared>>)
      tpu.yield
    }) : () -> ()
    %add3A_26 = arith.constant 400 : i32
    %add3A_27 = arith.addi %mul3A_5, %add3A_26 : i32
    "tpu.region"() ({
      %run_scoped3A = tpu.sem_alloc : memref<!tpu.dma_semaphore, #tpu.memory_space<semaphore_mem>>
      %dma_start3A_68 = arith.constant 0 : i32
      %dma_start3A_69 = arith.constant 0 : i32
      %dma_start3A_70 = tpu.memref_slice %arg8[%dma_start3A_68, %dma_start3A_69] : memref<80x128xf32, #tpu.memory_space<vmem>> -> memref<80x128xf32, #tpu.memory_space<vmem>>
      %dma_start3A_71 = arith.constant 0 : i32
      %dma_start3A_72 = tpu.memref_slice %arg12[%add3A_27, %dma_start3A_71] : memref<10240x128xf32, #tpu.memory_space<vmem_shared>> -> memref<80x128xf32, #tpu.memory_space<vmem_shared>>
      %dma_start3A_73 = arith.constant 0 : i32
      %dma_start3A_74 = tpu.memref_slice %arg12[%add3A_27, %dma_start3A_73] : memref<10240x128xf32, #tpu.memory_space<vmem_shared>> -> memref<80x128xf32, #tpu.memory_space<vmem_shared>>
      %dma_start3A_75 = arith.constant 0 : i32
      %dma_start3A_76 = arith.constant 0 : i32
      %dma_start3A_77 = tpu.memref_slice %arg8[%dma_start3A_75, %dma_start3A_76] : memref<80x128xf32, #tpu.memory_space<vmem>> -> memref<80x128xf32, #tpu.memory_space<vmem>>
      tpu.enqueue_dma source(%dma_start3A_77 : memref<80x128xf32, #tpu.memory_space<vmem>>) target(%dma_start3A_74 : memref<80x128xf32, #tpu.memory_space<vmem_shared>>) target_semaphore(%run_scoped3A : memref<!tpu.dma_semaphore, #tpu.memory_space<semaphore_mem>>)
      %dma_wait3A_78 = arith.constant 0 : i32
      %dma_wait3A_79 = arith.constant 0 : i32
      %dma_wait3A_80 = tpu.memref_slice %arg8[%dma_wait3A_78, %dma_wait3A_79] : memref<80x128xf32, #tpu.memory_space<vmem>> -> memref<80x128xf32, #tpu.memory_space<vmem>>
      %dma_wait3A_81 = arith.constant 0 : i32
      %dma_wait3A_82 = tpu.memref_slice %arg12[%add3A_27, %dma_wait3A_81] : memref<10240x128xf32, #tpu.memory_space<vmem_shared>> -> memref<80x128xf32, #tpu.memory_space<vmem_shared>>
      %dma_wait3A_83 = arith.constant 0 : i32
      %dma_wait3A_84 = tpu.memref_slice %arg12[%add3A_27, %dma_wait3A_83] : memref<10240x128xf32, #tpu.memory_space<vmem_shared>> -> memref<80x128xf32, #tpu.memory_space<vmem_shared>>
      %dma_wait3A_85 = arith.constant 0 : i32
      %dma_wait3A_86 = arith.constant 0 : i32
      %dma_wait3A_87 = tpu.memref_slice %arg8[%dma_wait3A_85, %dma_wait3A_86] : memref<80x128xf32, #tpu.memory_space<vmem>> -> memref<80x128xf32, #tpu.memory_space<vmem>>
      tpu.wait_dma2 semaphore(%run_scoped3A : memref<!tpu.dma_semaphore, #tpu.memory_space<semaphore_mem>>) src(%dma_wait3A_87 : memref<80x128xf32, #tpu.memory_space<vmem>>) dst(%dma_wait3A_84 : memref<80x128xf32, #tpu.memory_space<vmem_shared>>)
      tpu.yield
    }) : () -> ()
    %add3A_28 = arith.constant 480 : i32
    %add3A_29 = arith.addi %mul3A_5, %add3A_28 : i32
    "tpu.region"() ({
      %run_scoped3A = tpu.sem_alloc : memref<!tpu.dma_semaphore, #tpu.memory_space<semaphore_mem>>
      %dma_start3A_68 = arith.constant 0 : i32
      %dma_start3A_69 = arith.constant 0 : i32
      %dma_start3A_70 = tpu.memref_slice %arg8[%dma_start3A_68, %dma_start3A_69] : memref<80x128xf32, #tpu.memory_space<vmem>> -> memref<80x128xf32, #tpu.memory_space<vmem>>
      %dma_start3A_71 = arith.constant 0 : i32
      %dma_start3A_72 = tpu.memref_slice %arg12[%add3A_29, %dma_start3A_71] : memref<10240x128xf32, #tpu.memory_space<vmem_shared>> -> memref<80x128xf32, #tpu.memory_space<vmem_shared>>
      %dma_start3A_73 = arith.constant 0 : i32
      %dma_start3A_74 = tpu.memref_slice %arg12[%add3A_29, %dma_start3A_73] : memref<10240x128xf32, #tpu.memory_space<vmem_shared>> -> memref<80x128xf32, #tpu.memory_space<vmem_shared>>
      %dma_start3A_75 = arith.constant 0 : i32
      %dma_start3A_76 = arith.constant 0 : i32
      %dma_start3A_77 = tpu.memref_slice %arg8[%dma_start3A_75, %dma_start3A_76] : memref<80x128xf32, #tpu.memory_space<vmem>> -> memref<80x128xf32, #tpu.memory_space<vmem>>
      tpu.enqueue_dma source(%dma_start3A_77 : memref<80x128xf32, #tpu.memory_space<vmem>>) target(%dma_start3A_74 : memref<80x128xf32, #tpu.memory_space<vmem_shared>>) target_semaphore(%run_scoped3A : memref<!tpu.dma_semaphore, #tpu.memory_space<semaphore_mem>>)
      %dma_wait3A_78 = arith.constant 0 : i32
      %dma_wait3A_79 = arith.constant 0 : i32
      %dma_wait3A_80 = tpu.memref_slice %arg8[%dma_wait3A_78, %dma_wait3A_79] : memref<80x128xf32, #tpu.memory_space<vmem>> -> memref<80x128xf32, #tpu.memory_space<vmem>>
      %dma_wait3A_81 = arith.constant 0 : i32
      %dma_wait3A_82 = tpu.memref_slice %arg12[%add3A_29, %dma_wait3A_81] : memref<10240x128xf32, #tpu.memory_space<vmem_shared>> -> memref<80x128xf32, #tpu.memory_space<vmem_shared>>
      %dma_wait3A_83 = arith.constant 0 : i32
      %dma_wait3A_84 = tpu.memref_slice %arg12[%add3A_29, %dma_wait3A_83] : memref<10240x128xf32, #tpu.memory_space<vmem_shared>> -> memref<80x128xf32, #tpu.memory_space<vmem_shared>>
      %dma_wait3A_85 = arith.constant 0 : i32
      %dma_wait3A_86 = arith.constant 0 : i32
      %dma_wait3A_87 = tpu.memref_slice %arg8[%dma_wait3A_85, %dma_wait3A_86] : memref<80x128xf32, #tpu.memory_space<vmem>> -> memref<80x128xf32, #tpu.memory_space<vmem>>
      tpu.wait_dma2 semaphore(%run_scoped3A : memref<!tpu.dma_semaphore, #tpu.memory_space<semaphore_mem>>) src(%dma_wait3A_87 : memref<80x128xf32, #tpu.memory_space<vmem>>) dst(%dma_wait3A_84 : memref<80x128xf32, #tpu.memory_space<vmem_shared>>)
      tpu.yield
    }) : () -> ()
    %add3A_30 = arith.constant 560 : i32
    %add3A_31 = arith.addi %mul3A_5, %add3A_30 : i32
    "tpu.region"() ({
      %run_scoped3A = tpu.sem_alloc : memref<!tpu.dma_semaphore, #tpu.memory_space<semaphore_mem>>
      %dma_start3A_68 = arith.constant 0 : i32
      %dma_start3A_69 = arith.constant 0 : i32
      %dma_start3A_70 = tpu.memref_slice %arg8[%dma_start3A_68, %dma_start3A_69] : memref<80x128xf32, #tpu.memory_space<vmem>> -> memref<80x128xf32, #tpu.memory_space<vmem>>
      %dma_start3A_71 = arith.constant 0 : i32
      %dma_start3A_72 = tpu.memref_slice %arg12[%add3A_31, %dma_start3A_71] : memref<10240x128xf32, #tpu.memory_space<vmem_shared>> -> memref<80x128xf32, #tpu.memory_space<vmem_shared>>
      %dma_start3A_73 = arith.constant 0 : i32
      %dma_start3A_74 = tpu.memref_slice %arg12[%add3A_31, %dma_start3A_73] : memref<10240x128xf32, #tpu.memory_space<vmem_shared>> -> memref<80x128xf32, #tpu.memory_space<vmem_shared>>
      %dma_start3A_75 = arith.constant 0 : i32
      %dma_start3A_76 = arith.constant 0 : i32
      %dma_start3A_77 = tpu.memref_slice %arg8[%dma_start3A_75, %dma_start3A_76] : memref<80x128xf32, #tpu.memory_space<vmem>> -> memref<80x128xf32, #tpu.memory_space<vmem>>
      tpu.enqueue_dma source(%dma_start3A_77 : memref<80x128xf32, #tpu.memory_space<vmem>>) target(%dma_start3A_74 : memref<80x128xf32, #tpu.memory_space<vmem_shared>>) target_semaphore(%run_scoped3A : memref<!tpu.dma_semaphore, #tpu.memory_space<semaphore_mem>>)
      %dma_wait3A_78 = arith.constant 0 : i32
      %dma_wait3A_79 = arith.constant 0 : i32
      %dma_wait3A_80 = tpu.memref_slice %arg8[%dma_wait3A_78, %dma_wait3A_79] : memref<80x128xf32, #tpu.memory_space<vmem>> -> memref<80x128xf32, #tpu.memory_space<vmem>>
      %dma_wait3A_81 = arith.constant 0 : i32
      %dma_wait3A_82 = tpu.memref_slice %arg12[%add3A_31, %dma_wait3A_81] : memref<10240x128xf32, #tpu.memory_space<vmem_shared>> -> memref<80x128xf32, #tpu.memory_space<vmem_shared>>
      %dma_wait3A_83 = arith.constant 0 : i32
      %dma_wait3A_84 = tpu.memref_slice %arg12[%add3A_31, %dma_wait3A_83] : memref<10240x128xf32, #tpu.memory_space<vmem_shared>> -> memref<80x128xf32, #tpu.memory_space<vmem_shared>>
      %dma_wait3A_85 = arith.constant 0 : i32
      %dma_wait3A_86 = arith.constant 0 : i32
      %dma_wait3A_87 = tpu.memref_slice %arg8[%dma_wait3A_85, %dma_wait3A_86] : memref<80x128xf32, #tpu.memory_space<vmem>> -> memref<80x128xf32, #tpu.memory_space<vmem>>
      tpu.wait_dma2 semaphore(%run_scoped3A : memref<!tpu.dma_semaphore, #tpu.memory_space<semaphore_mem>>) src(%dma_wait3A_87 : memref<80x128xf32, #tpu.memory_space<vmem>>) dst(%dma_wait3A_84 : memref<80x128xf32, #tpu.memory_space<vmem_shared>>)
      tpu.yield
    }) : () -> ()
    %dma_wait3A = tpu.memref_slice %arg3[%multiple_of3A] : memref<320000xi32, #tpu.memory_space<hbm>> -> memref<10000xi32, #tpu.memory_space<hbm>>
    %dma_wait3A_32 = tpu.memref_slice %arg3[%multiple_of3A] : memref<320000xi32, #tpu.memory_space<hbm>> -> memref<10000xi32, #tpu.memory_space<hbm>>
    tpu.wait_dma2 semaphore(%arg14 : memref<!tpu.dma_semaphore, #tpu.memory_space<semaphore_mem>>) src(%dma_wait3A_32 : memref<10000xi32, #tpu.memory_space<hbm>>) dst(%arg6 : memref<10000xi32, #tpu.memory_space<vmem>>)
    %dma_wait3A_33 = tpu.memref_slice %arg4[%multiple_of3A] : memref<320000xi32, #tpu.memory_space<hbm>> -> memref<10000xi32, #tpu.memory_space<hbm>>
    %dma_wait3A_34 = tpu.memref_slice %arg4[%multiple_of3A] : memref<320000xi32, #tpu.memory_space<hbm>> -> memref<10000xi32, #tpu.memory_space<hbm>>
    tpu.wait_dma2 semaphore(%arg15 : memref<!tpu.dma_semaphore, #tpu.memory_space<semaphore_mem>>) src(%dma_wait3A_34 : memref<10000xi32, #tpu.memory_space<hbm>>) dst(%arg7 : memref<10000xi32, #tpu.memory_space<vmem>>)
    %barrier3A = arith.constant 0 : index
    tpu.barrier barrier_id(%barrier3A)
    %dma_start3A_35 = arith.constant 0 : i32
    %dma_start3A_36 = tpu.memref_slice %arg6[%dma_start3A_35] : memref<10000xi32, #tpu.memory_space<vmem>> -> memref<80xi32, #tpu.memory_space<vmem>>
    %dma_start3A_37 = arith.constant 0 : i32
    %dma_start3A_38 = arith.constant 0 : i32
    %dma_start3A_39 = tpu.memref_slice %arg2[%dma_start3A_37, %dma_start3A_38] : memref<10000x128xf32, #tpu.memory_space<hbm>> -> memref<10000x128xf32, #tpu.memory_space<hbm>>
    tpu.enqueue_indirect_dma source(%dma_start3A_39 : memref<10000x128xf32, #tpu.memory_space<hbm>>) target(%arg8 : memref<80x128xf32, #tpu.memory_space<vmem>>) offsets(%dma_start3A_36 : memref<80xi32, #tpu.memory_space<vmem>>) semaphore(%arg14 : memref<!tpu.dma_semaphore, #tpu.memory_space<semaphore_mem>>)
    %scan3A_40 = arith.constant 0 : i32
    %scan3A_41 = arith.constant 0 : i32
    %scan3A_42 = arith.constant 62 : i32
    %scan3A_43 = arith.addi %scan3A_41, %scan3A_42 : i32
    %scan3A_44 = arith.constant 1 : i32
    scf.for %scan3A_68 = %scan3A_41 to %scan3A_43 step %scan3A_44  : i32 {
      %mul3A_69 = arith.constant 2 : i32
      %mul3A_70 = arith.muli %mul3A_69, %scan3A_68 : i32
      %mul3A_71 = arith.constant 80 : i32
      %mul3A_72 = arith.muli %mul3A_70, %mul3A_71 : i32
      %dma_wait3A_73 = tpu.memref_slice %arg6[%mul3A_72] : memref<10000xi32, #tpu.memory_space<vmem>> -> memref<80xi32, #tpu.memory_space<vmem>>
      %dma_wait3A_74 = arith.constant 0 : i32
      %dma_wait3A_75 = arith.constant 0 : i32
      %dma_wait3A_76 = tpu.memref_slice %arg2[%dma_wait3A_74, %dma_wait3A_75] : memref<10000x128xf32, #tpu.memory_space<hbm>> -> memref<10000x128xf32, #tpu.memory_space<hbm>>
      tpu.wait_indirect_dma semaphore(%arg14 : memref<!tpu.dma_semaphore, #tpu.memory_space<semaphore_mem>>) src(%dma_wait3A_76 : memref<10000x128xf32, #tpu.memory_space<hbm>>) dst(%arg8 : memref<80x128xf32, #tpu.memory_space<vmem>>)
      %add3A_77 = arith.constant 80 : i32
      %add3A_78 = arith.addi %mul3A_72, %add3A_77 : i32
      %dma_start3A_79 = tpu.memref_slice %arg6[%add3A_78] : memref<10000xi32, #tpu.memory_space<vmem>> -> memref<80xi32, #tpu.memory_space<vmem>>
      %dma_start3A_80 = arith.constant 0 : i32
      %dma_start3A_81 = arith.constant 0 : i32
      %dma_start3A_82 = tpu.memref_slice %arg2[%dma_start3A_80, %dma_start3A_81] : memref<10000x128xf32, #tpu.memory_space<hbm>> -> memref<10000x128xf32, #tpu.memory_space<hbm>>
      tpu.enqueue_indirect_dma source(%dma_start3A_82 : memref<10000x128xf32, #tpu.memory_space<hbm>>) target(%arg9 : memref<80x128xf32, #tpu.memory_space<vmem>>) offsets(%dma_start3A_79 : memref<80xi32, #tpu.memory_space<vmem>>) semaphore(%arg15 : memref<!tpu.dma_semaphore, #tpu.memory_space<semaphore_mem>>)
      "tpu.region"() ({
        %run_scoped3A = tpu.sem_alloc : memref<!tpu.dma_semaphore, #tpu.memory_space<semaphore_mem>>
        %dma_start3A_97 = tpu.memref_slice %arg7[%mul3A_72] : memref<10000xi32, #tpu.memory_space<vmem>> -> memref<80xi32, #tpu.memory_space<vmem>>
        %dma_start3A_98 = arith.constant 0 : i32
        %dma_start3A_99 = arith.constant 0 : i32
        %dma_start3A_100 = tpu.memref_slice %arg12[%dma_start3A_98, %dma_start3A_99] : memref<10240x128xf32, #tpu.memory_space<vmem_shared>> -> memref<10240x128xf32, #tpu.memory_space<vmem_shared>>
        tpu.enqueue_indirect_dma source(%arg8 : memref<80x128xf32, #tpu.memory_space<vmem>>) target(%dma_start3A_100 : memref<10240x128xf32, #tpu.memory_space<vmem_shared>>) offsets(%dma_start3A_97 : memref<80xi32, #tpu.memory_space<vmem>>) semaphore(%run_scoped3A : memref<!tpu.dma_semaphore, #tpu.memory_space<semaphore_mem>>) {add = true}
        %dma_wait3A_101 = tpu.memref_slice %arg7[%mul3A_72] : memref<10000xi32, #tpu.memory_space<vmem>> -> memref<80xi32, #tpu.memory_space<vmem>>
        %dma_wait3A_102 = arith.constant 0 : i32
        %dma_wait3A_103 = arith.constant 0 : i32
        %dma_wait3A_104 = tpu.memref_slice %arg12[%dma_wait3A_102, %dma_wait3A_103] : memref<10240x128xf32, #tpu.memory_space<vmem_shared>> -> memref<10240x128xf32, #tpu.memory_space<vmem_shared>>
        tpu.wait_indirect_dma semaphore(%run_scoped3A : memref<!tpu.dma_semaphore, #tpu.memory_space<semaphore_mem>>) src(%arg8 : memref<80x128xf32, #tpu.memory_space<vmem>>) dst(%dma_wait3A_104 : memref<10240x128xf32, #tpu.memory_space<vmem_shared>>)
        tpu.yield
      }) : () -> ()
      %add3A_83 = arith.constant 80 : i32
      %add3A_84 = arith.addi %mul3A_72, %add3A_83 : i32
      %dma_wait3A_85 = tpu.memref_slice %arg6[%add3A_84] : memref<10000xi32, #tpu.memory_space<vmem>> -> memref<80xi32, #tpu.memory_space<vmem>>
      %dma_wait3A_86 = arith.constant 0 : i32
      %dma_wait3A_87 = arith.constant 0 : i32
      %dma_wait3A_88 = tpu.memref_slice %arg2[%dma_wait3A_86, %dma_wait3A_87] : memref<10000x128xf32, #tpu.memory_space<hbm>> -> memref<10000x128xf32, #tpu.memory_space<hbm>>
      tpu.wait_indirect_dma semaphore(%arg15 : memref<!tpu.dma_semaphore, #tpu.memory_space<semaphore_mem>>) src(%dma_wait3A_88 : memref<10000x128xf32, #tpu.memory_space<hbm>>) dst(%arg9 : memref<80x128xf32, #tpu.memory_space<vmem>>)
      %add3A_89 = arith.constant 160 : i32
      %add3A_90 = arith.addi %mul3A_72, %add3A_89 : i32
      %dma_start3A_91 = tpu.memref_slice %arg6[%add3A_90] : memref<10000xi32, #tpu.memory_space<vmem>> -> memref<80xi32, #tpu.memory_space<vmem>>
      %dma_start3A_92 = arith.constant 0 : i32
      %dma_start3A_93 = arith.constant 0 : i32
      %dma_start3A_94 = tpu.memref_slice %arg2[%dma_start3A_92, %dma_start3A_93] : memref<10000x128xf32, #tpu.memory_space<hbm>> -> memref<10000x128xf32, #tpu.memory_space<hbm>>
      tpu.enqueue_indirect_dma source(%dma_start3A_94 : memref<10000x128xf32, #tpu.memory_space<hbm>>) target(%arg8 : memref<80x128xf32, #tpu.memory_space<vmem>>) offsets(%dma_start3A_91 : memref<80xi32, #tpu.memory_space<vmem>>) semaphore(%arg14 : memref<!tpu.dma_semaphore, #tpu.memory_space<semaphore_mem>>)
      %add3A_95 = arith.constant 80 : i32
      %add3A_96 = arith.addi %mul3A_72, %add3A_95 : i32
      "tpu.region"() ({
        %run_scoped3A = tpu.sem_alloc : memref<!tpu.dma_semaphore, #tpu.memory_space<semaphore_mem>>
        %dma_start3A_97 = tpu.memref_slice %arg7[%add3A_96] : memref<10000xi32, #tpu.memory_space<vmem>> -> memref<80xi32, #tpu.memory_space<vmem>>
        %dma_start3A_98 = arith.constant 0 : i32
        %dma_start3A_99 = arith.constant 0 : i32
        %dma_start3A_100 = tpu.memref_slice %arg12[%dma_start3A_98, %dma_start3A_99] : memref<10240x128xf32, #tpu.memory_space<vmem_shared>> -> memref<10240x128xf32, #tpu.memory_space<vmem_shared>>
        tpu.enqueue_indirect_dma source(%arg9 : memref<80x128xf32, #tpu.memory_space<vmem>>) target(%dma_start3A_100 : memref<10240x128xf32, #tpu.memory_space<vmem_shared>>) offsets(%dma_start3A_97 : memref<80xi32, #tpu.memory_space<vmem>>) semaphore(%run_scoped3A : memref<!tpu.dma_semaphore, #tpu.memory_space<semaphore_mem>>) {add = true}
        %dma_wait3A_101 = tpu.memref_slice %arg7[%add3A_96] : memref<10000xi32, #tpu.memory_space<vmem>> -> memref<80xi32, #tpu.memory_space<vmem>>
        %dma_wait3A_102 = arith.constant 0 : i32
        %dma_wait3A_103 = arith.constant 0 : i32
        %dma_wait3A_104 = tpu.memref_slice %arg12[%dma_wait3A_102, %dma_wait3A_103] : memref<10240x128xf32, #tpu.memory_space<vmem_shared>> -> memref<10240x128xf32, #tpu.memory_space<vmem_shared>>
        tpu.wait_indirect_dma semaphore(%run_scoped3A : memref<!tpu.dma_semaphore, #tpu.memory_space<semaphore_mem>>) src(%arg9 : memref<80x128xf32, #tpu.memory_space<vmem>>) dst(%dma_wait3A_104 : memref<10240x128xf32, #tpu.memory_space<vmem_shared>>)
        tpu.yield
      }) : () -> ()
    }
    %scan3A_45 = arith.constant 62 : i32
    %dma_wait3A_46 = arith.constant 9920 : i32
    %dma_wait3A_47 = tpu.memref_slice %arg6[%dma_wait3A_46] : memref<10000xi32, #tpu.memory_space<vmem>> -> memref<80xi32, #tpu.memory_space<vmem>>
    %dma_wait3A_48 = arith.constant 0 : i32
    %dma_wait3A_49 = arith.constant 0 : i32
    %dma_wait3A_50 = tpu.memref_slice %arg2[%dma_wait3A_48, %dma_wait3A_49] : memref<10000x128xf32, #tpu.memory_space<hbm>> -> memref<10000x128xf32, #tpu.memory_space<hbm>>
    tpu.wait_indirect_dma semaphore(%arg14 : memref<!tpu.dma_semaphore, #tpu.memory_space<semaphore_mem>>) src(%dma_wait3A_50 : memref<10000x128xf32, #tpu.memory_space<hbm>>) dst(%arg8 : memref<80x128xf32, #tpu.memory_space<vmem>>)
    "tpu.region"() ({
      %run_scoped3A = tpu.sem_alloc : memref<!tpu.dma_semaphore, #tpu.memory_space<semaphore_mem>>
      %dma_start3A_68 = arith.constant 9920 : i32
      %dma_start3A_69 = tpu.memref_slice %arg7[%dma_start3A_68] : memref<10000xi32, #tpu.memory_space<vmem>> -> memref<80xi32, #tpu.memory_space<vmem>>
      %dma_start3A_70 = arith.constant 0 : i32
      %dma_start3A_71 = arith.constant 0 : i32
      %dma_start3A_72 = tpu.memref_slice %arg12[%dma_start3A_70, %dma_start3A_71] : memref<10240x128xf32, #tpu.memory_space<vmem_shared>> -> memref<10240x128xf32, #tpu.memory_space<vmem_shared>>
      tpu.enqueue_indirect_dma source(%arg8 : memref<80x128xf32, #tpu.memory_space<vmem>>) target(%dma_start3A_72 : memref<10240x128xf32, #tpu.memory_space<vmem_shared>>) offsets(%dma_start3A_69 : memref<80xi32, #tpu.memory_space<vmem>>) semaphore(%run_scoped3A : memref<!tpu.dma_semaphore, #tpu.memory_space<semaphore_mem>>) {add = true}
      %dma_wait3A_73 = arith.constant 9920 : i32
      %dma_wait3A_74 = tpu.memref_slice %arg7[%dma_wait3A_73] : memref<10000xi32, #tpu.memory_space<vmem>> -> memref<80xi32, #tpu.memory_space<vmem>>
      %dma_wait3A_75 = arith.constant 0 : i32
      %dma_wait3A_76 = arith.constant 0 : i32
      %dma_wait3A_77 = tpu.memref_slice %arg12[%dma_wait3A_75, %dma_wait3A_76] : memref<10240x128xf32, #tpu.memory_space<vmem_shared>> -> memref<10240x128xf32, #tpu.memory_space<vmem_shared>>
      tpu.wait_indirect_dma semaphore(%run_scoped3A : memref<!tpu.dma_semaphore, #tpu.memory_space<semaphore_mem>>) src(%arg8 : memref<80x128xf32, #tpu.memory_space<vmem>>) dst(%dma_wait3A_77 : memref<10240x128xf32, #tpu.memory_space<vmem_shared>>)
      tpu.yield
    }) : () -> ()
    %barrier3A_51 = arith.constant 0 : index
    tpu.barrier barrier_id(%barrier3A_51)
    %add3A_52 = arith.constant 0 : i32
    %add3A_53 = arith.addi %mul3A_5, %add3A_52 : i32
    "tpu.region"() ({
      %run_scoped3A = tpu.sem_alloc : memref<!tpu.dma_semaphore, #tpu.memory_space<semaphore_mem>>
      %dma_start3A_68 = arith.constant 0 : i32
      %dma_start3A_69 = arith.constant 0 : i32
      %dma_start3A_70 = tpu.memref_slice %arg8[%dma_start3A_68, %dma_start3A_69] : memref<80x128xf32, #tpu.memory_space<vmem>> -> memref<80x128xf32, #tpu.memory_space<vmem>>
      %dma_start3A_71 = arith.constant 0 : i32
      %dma_start3A_72 = tpu.memref_slice %arg12[%add3A_53, %dma_start3A_71] : memref<10240x128xf32, #tpu.memory_space<vmem_shared>> -> memref<80x128xf32, #tpu.memory_space<vmem_shared>>
      %dma_start3A_73 = arith.constant 0 : i32
      %dma_start3A_74 = arith.constant 0 : i32
      %dma_start3A_75 = tpu.memref_slice %arg8[%dma_start3A_73, %dma_start3A_74] : memref<80x128xf32, #tpu.memory_space<vmem>> -> memref<80x128xf32, #tpu.memory_space<vmem>>
      %dma_start3A_76 = arith.constant 0 : i32
      %dma_start3A_77 = tpu.memref_slice %arg12[%add3A_53, %dma_start3A_76] : memref<10240x128xf32, #tpu.memory_space<vmem_shared>> -> memref<80x128xf32, #tpu.memory_space<vmem_shared>>
      tpu.enqueue_dma source(%dma_start3A_77 : memref<80x128xf32, #tpu.memory_space<vmem_shared>>) target(%dma_start3A_75 : memref<80x128xf32, #tpu.memory_space<vmem>>) target_semaphore(%run_scoped3A : memref<!tpu.dma_semaphore, #tpu.memory_space<semaphore_mem>>)
      %dma_wait3A_78 = arith.constant 0 : i32
      %dma_wait3A_79 = arith.constant 0 : i32
      %dma_wait3A_80 = tpu.memref_slice %arg8[%dma_wait3A_78, %dma_wait3A_79] : memref<80x128xf32, #tpu.memory_space<vmem>> -> memref<80x128xf32, #tpu.memory_space<vmem>>
      %dma_wait3A_81 = arith.constant 0 : i32
      %dma_wait3A_82 = tpu.memref_slice %arg12[%add3A_53, %dma_wait3A_81] : memref<10240x128xf32, #tpu.memory_space<vmem_shared>> -> memref<80x128xf32, #tpu.memory_space<vmem_shared>>
      %dma_wait3A_83 = arith.constant 0 : i32
      %dma_wait3A_84 = arith.constant 0 : i32
      %dma_wait3A_85 = tpu.memref_slice %arg8[%dma_wait3A_83, %dma_wait3A_84] : memref<80x128xf32, #tpu.memory_space<vmem>> -> memref<80x128xf32, #tpu.memory_space<vmem>>
      %dma_wait3A_86 = arith.constant 0 : i32
      %dma_wait3A_87 = tpu.memref_slice %arg12[%add3A_53, %dma_wait3A_86] : memref<10240x128xf32, #tpu.memory_space<vmem_shared>> -> memref<80x128xf32, #tpu.memory_space<vmem_shared>>
      tpu.wait_dma2 semaphore(%run_scoped3A : memref<!tpu.dma_semaphore, #tpu.memory_space<semaphore_mem>>) src(%dma_wait3A_87 : memref<80x128xf32, #tpu.memory_space<vmem_shared>>) dst(%dma_wait3A_85 : memref<80x128xf32, #tpu.memory_space<vmem>>)
      tpu.yield
    }) : () -> ()
    "tpu.region"() ({
      %run_scoped3A = tpu.sem_alloc : memref<!tpu.dma_semaphore, #tpu.memory_space<semaphore_mem>>
      %dma_start3A_68 = arith.constant 0 : i32
      %dma_start3A_69 = arith.constant 0 : i32
      %dma_start3A_70 = tpu.memref_slice %arg8[%dma_start3A_68, %dma_start3A_69] : memref<80x128xf32, #tpu.memory_space<vmem>> -> memref<80x128xf32, #tpu.memory_space<vmem>>
      %dma_start3A_71 = arith.constant 0 : i32
      %dma_start3A_72 = tpu.memref_slice %arg5[%arg0, %add3A_53, %dma_start3A_71] : memref<2x10240x128xf32, #tpu.memory_space<hbm>> -> memref<1x80x128xf32, #tpu.memory_space<hbm>>
      %dma_start3A_73 = tpu.memref_squeeze %dma_start3A_72 : memref<1x80x128xf32, #tpu.memory_space<hbm>> -> memref<80x128xf32, #tpu.memory_space<hbm>>
      %dma_start3A_74 = arith.constant 0 : i32
      %dma_start3A_75 = tpu.memref_slice %arg5[%arg0, %add3A_53, %dma_start3A_74] : memref<2x10240x128xf32, #tpu.memory_space<hbm>> -> memref<1x80x128xf32, #tpu.memory_space<hbm>>
      %dma_start3A_76 = tpu.memref_squeeze %dma_start3A_75 : memref<1x80x128xf32, #tpu.memory_space<hbm>> -> memref<80x128xf32, #tpu.memory_space<hbm>>
      %dma_start3A_77 = arith.constant 0 : i32
      %dma_start3A_78 = arith.constant 0 : i32
      %dma_start3A_79 = tpu.memref_slice %arg8[%dma_start3A_77, %dma_start3A_78] : memref<80x128xf32, #tpu.memory_space<vmem>> -> memref<80x128xf32, #tpu.memory_space<vmem>>
      tpu.enqueue_dma source(%dma_start3A_79 : memref<80x128xf32, #tpu.memory_space<vmem>>) target(%dma_start3A_76 : memref<80x128xf32, #tpu.memory_space<hbm>>) target_semaphore(%run_scoped3A : memref<!tpu.dma_semaphore, #tpu.memory_space<semaphore_mem>>)
      %dma_wait3A_80 = arith.constant 0 : i32
      %dma_wait3A_81 = arith.constant 0 : i32
      %dma_wait3A_82 = tpu.memref_slice %arg8[%dma_wait3A_80, %dma_wait3A_81] : memref<80x128xf32, #tpu.memory_space<vmem>> -> memref<80x128xf32, #tpu.memory_space<vmem>>
      %dma_wait3A_83 = arith.constant 0 : i32
      %dma_wait3A_84 = tpu.memref_slice %arg5[%arg0, %add3A_53, %dma_wait3A_83] : memref<2x10240x128xf32, #tpu.memory_space<hbm>> -> memref<1x80x128xf32, #tpu.memory_space<hbm>>
      %dma_wait3A_85 = tpu.memref_squeeze %dma_wait3A_84 : memref<1x80x128xf32, #tpu.memory_space<hbm>> -> memref<80x128xf32, #tpu.memory_space<hbm>>
      %dma_wait3A_86 = arith.constant 0 : i32
      %dma_wait3A_87 = tpu.memref_slice %arg5[%arg0, %add3A_53, %dma_wait3A_86] : memref<2x10240x128xf32, #tpu.memory_space<hbm>> -> memref<1x80x128xf32, #tpu.memory_space<hbm>>
      %dma_wait3A_88 = tpu.memref_squeeze %dma_wait3A_87 : memref<1x80x128xf32, #tpu.memory_space<hbm>> -> memref<80x128xf32, #tpu.memory_space<hbm>>
      %dma_wait3A_89 = arith.constant 0 : i32
      %dma_wait3A_90 = arith.constant 0 : i32
      %dma_wait3A_91 = tpu.memref_slice %arg8[%dma_wait3A_89, %dma_wait3A_90] : memref<80x128xf32, #tpu.memory_space<vmem>> -> memref<80x128xf32, #tpu.memory_space<vmem>>
      tpu.wait_dma2 semaphore(%run_scoped3A : memref<!tpu.dma_semaphore, #tpu.memory_space<semaphore_mem>>) src(%dma_wait3A_91 : memref<80x128xf32, #tpu.memory_space<vmem>>) dst(%dma_wait3A_88 : memref<80x128xf32, #tpu.memory_space<hbm>>)
      tpu.yield
    }) : () -> ()
    %add3A_54 = arith.constant 80 : i32
    %add3A_55 = arith.addi %mul3A_5, %add3A_54 : i32
    "tpu.region"() ({
      %run_scoped3A = tpu.sem_alloc : memref<!tpu.dma_semaphore, #tpu.memory_space<semaphore_mem>>
      %dma_start3A_68 = arith.constant 0 : i32
      %dma_start3A_69 = arith.constant 0 : i32
      %dma_start3A_70 = tpu.memref_slice %arg8[%dma_start3A_68, %dma_start3A_69] : memref<80x128xf32, #tpu.memory_space<vmem>> -> memref<80x128xf32, #tpu.memory_space<vmem>>
      %dma_start3A_71 = arith.constant 0 : i32
      %dma_start3A_72 = tpu.memref_slice %arg12[%add3A_55, %dma_start3A_71] : memref<10240x128xf32, #tpu.memory_space<vmem_shared>> -> memref<80x128xf32, #tpu.memory_space<vmem_shared>>
      %dma_start3A_73 = arith.constant 0 : i32
      %dma_start3A_74 = arith.constant 0 : i32
      %dma_start3A_75 = tpu.memref_slice %arg8[%dma_start3A_73, %dma_start3A_74] : memref<80x128xf32, #tpu.memory_space<vmem>> -> memref<80x128xf32, #tpu.memory_space<vmem>>
      %dma_start3A_76 = arith.constant 0 : i32
      %dma_start3A_77 = tpu.memref_slice %arg12[%add3A_55, %dma_start3A_76] : memref<10240x128xf32, #tpu.memory_space<vmem_shared>> -> memref<80x128xf32, #tpu.memory_space<vmem_shared>>
      tpu.enqueue_dma source(%dma_start3A_77 : memref<80x128xf32, #tpu.memory_space<vmem_shared>>) target(%dma_start3A_75 : memref<80x128xf32, #tpu.memory_space<vmem>>) target_semaphore(%run_scoped3A : memref<!tpu.dma_semaphore, #tpu.memory_space<semaphore_mem>>)
      %dma_wait3A_78 = arith.constant 0 : i32
      %dma_wait3A_79 = arith.constant 0 : i32
      %dma_wait3A_80 = tpu.memref_slice %arg8[%dma_wait3A_78, %dma_wait3A_79] : memref<80x128xf32, #tpu.memory_space<vmem>> -> memref<80x128xf32, #tpu.memory_space<vmem>>
      %dma_wait3A_81 = arith.constant 0 : i32
      %dma_wait3A_82 = tpu.memref_slice %arg12[%add3A_55, %dma_wait3A_81] : memref<10240x128xf32, #tpu.memory_space<vmem_shared>> -> memref<80x128xf32, #tpu.memory_space<vmem_shared>>
      %dma_wait3A_83 = arith.constant 0 : i32
      %dma_wait3A_84 = arith.constant 0 : i32
      %dma_wait3A_85 = tpu.memref_slice %arg8[%dma_wait3A_83, %dma_wait3A_84] : memref<80x128xf32, #tpu.memory_space<vmem>> -> memref<80x128xf32, #tpu.memory_space<vmem>>
      %dma_wait3A_86 = arith.constant 0 : i32
      %dma_wait3A_87 = tpu.memref_slice %arg12[%add3A_55, %dma_wait3A_86] : memref<10240x128xf32, #tpu.memory_space<vmem_shared>> -> memref<80x128xf32, #tpu.memory_space<vmem_shared>>
      tpu.wait_dma2 semaphore(%run_scoped3A : memref<!tpu.dma_semaphore, #tpu.memory_space<semaphore_mem>>) src(%dma_wait3A_87 : memref<80x128xf32, #tpu.memory_space<vmem_shared>>) dst(%dma_wait3A_85 : memref<80x128xf32, #tpu.memory_space<vmem>>)
      tpu.yield
    }) : () -> ()
    "tpu.region"() ({
      %run_scoped3A = tpu.sem_alloc : memref<!tpu.dma_semaphore, #tpu.memory_space<semaphore_mem>>
      %dma_start3A_68 = arith.constant 0 : i32
      %dma_start3A_69 = arith.constant 0 : i32
      %dma_start3A_70 = tpu.memref_slice %arg8[%dma_start3A_68, %dma_start3A_69] : memref<80x128xf32, #tpu.memory_space<vmem>> -> memref<80x128xf32, #tpu.memory_space<vmem>>
      %dma_start3A_71 = arith.constant 0 : i32
      %dma_start3A_72 = tpu.memref_slice %arg5[%arg0, %add3A_55, %dma_start3A_71] : memref<2x10240x128xf32, #tpu.memory_space<hbm>> -> memref<1x80x128xf32, #tpu.memory_space<hbm>>
      %dma_start3A_73 = tpu.memref_squeeze %dma_start3A_72 : memref<1x80x128xf32, #tpu.memory_space<hbm>> -> memref<80x128xf32, #tpu.memory_space<hbm>>
      %dma_start3A_74 = arith.constant 0 : i32
      %dma_start3A_75 = tpu.memref_slice %arg5[%arg0, %add3A_55, %dma_start3A_74] : memref<2x10240x128xf32, #tpu.memory_space<hbm>> -> memref<1x80x128xf32, #tpu.memory_space<hbm>>
      %dma_start3A_76 = tpu.memref_squeeze %dma_start3A_75 : memref<1x80x128xf32, #tpu.memory_space<hbm>> -> memref<80x128xf32, #tpu.memory_space<hbm>>
      %dma_start3A_77 = arith.constant 0 : i32
      %dma_start3A_78 = arith.constant 0 : i32
      %dma_start3A_79 = tpu.memref_slice %arg8[%dma_start3A_77, %dma_start3A_78] : memref<80x128xf32, #tpu.memory_space<vmem>> -> memref<80x128xf32, #tpu.memory_space<vmem>>
      tpu.enqueue_dma source(%dma_start3A_79 : memref<80x128xf32, #tpu.memory_space<vmem>>) target(%dma_start3A_76 : memref<80x128xf32, #tpu.memory_space<hbm>>) target_semaphore(%run_scoped3A : memref<!tpu.dma_semaphore, #tpu.memory_space<semaphore_mem>>)
      %dma_wait3A_80 = arith.constant 0 : i32
      %dma_wait3A_81 = arith.constant 0 : i32
      %dma_wait3A_82 = tpu.memref_slice %arg8[%dma_wait3A_80, %dma_wait3A_81] : memref<80x128xf32, #tpu.memory_space<vmem>> -> memref<80x128xf32, #tpu.memory_space<vmem>>
      %dma_wait3A_83 = arith.constant 0 : i32
      %dma_wait3A_84 = tpu.memref_slice %arg5[%arg0, %add3A_55, %dma_wait3A_83] : memref<2x10240x128xf32, #tpu.memory_space<hbm>> -> memref<1x80x128xf32, #tpu.memory_space<hbm>>
      %dma_wait3A_85 = tpu.memref_squeeze %dma_wait3A_84 : memref<1x80x128xf32, #tpu.memory_space<hbm>> -> memref<80x128xf32, #tpu.memory_space<hbm>>
      %dma_wait3A_86 = arith.constant 0 : i32
      %dma_wait3A_87 = tpu.memref_slice %arg5[%arg0, %add3A_55, %dma_wait3A_86] : memref<2x10240x128xf32, #tpu.memory_space<hbm>> -> memref<1x80x128xf32, #tpu.memory_space<hbm>>
      %dma_wait3A_88 = tpu.memref_squeeze %dma_wait3A_87 : memref<1x80x128xf32, #tpu.memory_space<hbm>> -> memref<80x128xf32, #tpu.memory_space<hbm>>
      %dma_wait3A_89 = arith.constant 0 : i32
      %dma_wait3A_90 = arith.constant 0 : i32
      %dma_wait3A_91 = tpu.memref_slice %arg8[%dma_wait3A_89, %dma_wait3A_90] : memref<80x128xf32, #tpu.memory_space<vmem>> -> memref<80x128xf32, #tpu.memory_space<vmem>>
      tpu.wait_dma2 semaphore(%run_scoped3A : memref<!tpu.dma_semaphore, #tpu.memory_space<semaphore_mem>>) src(%dma_wait3A_91 : memref<80x128xf32, #tpu.memory_space<vmem>>) dst(%dma_wait3A_88 : memref<80x128xf32, #tpu.memory_space<hbm>>)
      tpu.yield
    }) : () -> ()
    %add3A_56 = arith.constant 160 : i32
    %add3A_57 = arith.addi %mul3A_5, %add3A_56 : i32
    "tpu.region"() ({
      %run_scoped3A = tpu.sem_alloc : memref<!tpu.dma_semaphore, #tpu.memory_space<semaphore_mem>>
      %dma_start3A_68 = arith.constant 0 : i32
      %dma_start3A_69 = arith.constant 0 : i32
      %dma_start3A_70 = tpu.memref_slice %arg8[%dma_start3A_68, %dma_start3A_69] : memref<80x128xf32, #tpu.memory_space<vmem>> -> memref<80x128xf32, #tpu.memory_space<vmem>>
      %dma_start3A_71 = arith.constant 0 : i32
      %dma_start3A_72 = tpu.memref_slice %arg12[%add3A_57, %dma_start3A_71] : memref<10240x128xf32, #tpu.memory_space<vmem_shared>> -> memref<80x128xf32, #tpu.memory_space<vmem_shared>>
      %dma_start3A_73 = arith.constant 0 : i32
      %dma_start3A_74 = arith.constant 0 : i32
      %dma_start3A_75 = tpu.memref_slice %arg8[%dma_start3A_73, %dma_start3A_74] : memref<80x128xf32, #tpu.memory_space<vmem>> -> memref<80x128xf32, #tpu.memory_space<vmem>>
      %dma_start3A_76 = arith.constant 0 : i32
      %dma_start3A_77 = tpu.memref_slice %arg12[%add3A_57, %dma_start3A_76] : memref<10240x128xf32, #tpu.memory_space<vmem_shared>> -> memref<80x128xf32, #tpu.memory_space<vmem_shared>>
      tpu.enqueue_dma source(%dma_start3A_77 : memref<80x128xf32, #tpu.memory_space<vmem_shared>>) target(%dma_start3A_75 : memref<80x128xf32, #tpu.memory_space<vmem>>) target_semaphore(%run_scoped3A : memref<!tpu.dma_semaphore, #tpu.memory_space<semaphore_mem>>)
      %dma_wait3A_78 = arith.constant 0 : i32
      %dma_wait3A_79 = arith.constant 0 : i32
      %dma_wait3A_80 = tpu.memref_slice %arg8[%dma_wait3A_78, %dma_wait3A_79] : memref<80x128xf32, #tpu.memory_space<vmem>> -> memref<80x128xf32, #tpu.memory_space<vmem>>
      %dma_wait3A_81 = arith.constant 0 : i32
      %dma_wait3A_82 = tpu.memref_slice %arg12[%add3A_57, %dma_wait3A_81] : memref<10240x128xf32, #tpu.memory_space<vmem_shared>> -> memref<80x128xf32, #tpu.memory_space<vmem_shared>>
      %dma_wait3A_83 = arith.constant 0 : i32
      %dma_wait3A_84 = arith.constant 0 : i32
      %dma_wait3A_85 = tpu.memref_slice %arg8[%dma_wait3A_83, %dma_wait3A_84] : memref<80x128xf32, #tpu.memory_space<vmem>> -> memref<80x128xf32, #tpu.memory_space<vmem>>
      %dma_wait3A_86 = arith.constant 0 : i32
      %dma_wait3A_87 = tpu.memref_slice %arg12[%add3A_57, %dma_wait3A_86] : memref<10240x128xf32, #tpu.memory_space<vmem_shared>> -> memref<80x128xf32, #tpu.memory_space<vmem_shared>>
      tpu.wait_dma2 semaphore(%run_scoped3A : memref<!tpu.dma_semaphore, #tpu.memory_space<semaphore_mem>>) src(%dma_wait3A_87 : memref<80x128xf32, #tpu.memory_space<vmem_shared>>) dst(%dma_wait3A_85 : memref<80x128xf32, #tpu.memory_space<vmem>>)
      tpu.yield
    }) : () -> ()
    "tpu.region"() ({
      %run_scoped3A = tpu.sem_alloc : memref<!tpu.dma_semaphore, #tpu.memory_space<semaphore_mem>>
      %dma_start3A_68 = arith.constant 0 : i32
      %dma_start3A_69 = arith.constant 0 : i32
      %dma_start3A_70 = tpu.memref_slice %arg8[%dma_start3A_68, %dma_start3A_69] : memref<80x128xf32, #tpu.memory_space<vmem>> -> memref<80x128xf32, #tpu.memory_space<vmem>>
      %dma_start3A_71 = arith.constant 0 : i32
      %dma_start3A_72 = tpu.memref_slice %arg5[%arg0, %add3A_57, %dma_start3A_71] : memref<2x10240x128xf32, #tpu.memory_space<hbm>> -> memref<1x80x128xf32, #tpu.memory_space<hbm>>
      %dma_start3A_73 = tpu.memref_squeeze %dma_start3A_72 : memref<1x80x128xf32, #tpu.memory_space<hbm>> -> memref<80x128xf32, #tpu.memory_space<hbm>>
      %dma_start3A_74 = arith.constant 0 : i32
      %dma_start3A_75 = tpu.memref_slice %arg5[%arg0, %add3A_57, %dma_start3A_74] : memref<2x10240x128xf32, #tpu.memory_space<hbm>> -> memref<1x80x128xf32, #tpu.memory_space<hbm>>
      %dma_start3A_76 = tpu.memref_squeeze %dma_start3A_75 : memref<1x80x128xf32, #tpu.memory_space<hbm>> -> memref<80x128xf32, #tpu.memory_space<hbm>>
      %dma_start3A_77 = arith.constant 0 : i32
      %dma_start3A_78 = arith.constant 0 : i32
      %dma_start3A_79 = tpu.memref_slice %arg8[%dma_start3A_77, %dma_start3A_78] : memref<80x128xf32, #tpu.memory_space<vmem>> -> memref<80x128xf32, #tpu.memory_space<vmem>>
      tpu.enqueue_dma source(%dma_start3A_79 : memref<80x128xf32, #tpu.memory_space<vmem>>) target(%dma_start3A_76 : memref<80x128xf32, #tpu.memory_space<hbm>>) target_semaphore(%run_scoped3A : memref<!tpu.dma_semaphore, #tpu.memory_space<semaphore_mem>>)
      %dma_wait3A_80 = arith.constant 0 : i32
      %dma_wait3A_81 = arith.constant 0 : i32
      %dma_wait3A_82 = tpu.memref_slice %arg8[%dma_wait3A_80, %dma_wait3A_81] : memref<80x128xf32, #tpu.memory_space<vmem>> -> memref<80x128xf32, #tpu.memory_space<vmem>>
      %dma_wait3A_83 = arith.constant 0 : i32
      %dma_wait3A_84 = tpu.memref_slice %arg5[%arg0, %add3A_57, %dma_wait3A_83] : memref<2x10240x128xf32, #tpu.memory_space<hbm>> -> memref<1x80x128xf32, #tpu.memory_space<hbm>>
      %dma_wait3A_85 = tpu.memref_squeeze %dma_wait3A_84 : memref<1x80x128xf32, #tpu.memory_space<hbm>> -> memref<80x128xf32, #tpu.memory_space<hbm>>
      %dma_wait3A_86 = arith.constant 0 : i32
      %dma_wait3A_87 = tpu.memref_slice %arg5[%arg0, %add3A_57, %dma_wait3A_86] : memref<2x10240x128xf32, #tpu.memory_space<hbm>> -> memref<1x80x128xf32, #tpu.memory_space<hbm>>
      %dma_wait3A_88 = tpu.memref_squeeze %dma_wait3A_87 : memref<1x80x128xf32, #tpu.memory_space<hbm>> -> memref<80x128xf32, #tpu.memory_space<hbm>>
      %dma_wait3A_89 = arith.constant 0 : i32
      %dma_wait3A_90 = arith.constant 0 : i32
      %dma_wait3A_91 = tpu.memref_slice %arg8[%dma_wait3A_89, %dma_wait3A_90] : memref<80x128xf32, #tpu.memory_space<vmem>> -> memref<80x128xf32, #tpu.memory_space<vmem>>
      tpu.wait_dma2 semaphore(%run_scoped3A : memref<!tpu.dma_semaphore, #tpu.memory_space<semaphore_mem>>) src(%dma_wait3A_91 : memref<80x128xf32, #tpu.memory_space<vmem>>) dst(%dma_wait3A_88 : memref<80x128xf32, #tpu.memory_space<hbm>>)
      tpu.yield
    }) : () -> ()
    %add3A_58 = arith.constant 240 : i32
    %add3A_59 = arith.addi %mul3A_5, %add3A_58 : i32
    "tpu.region"() ({
      %run_scoped3A = tpu.sem_alloc : memref<!tpu.dma_semaphore, #tpu.memory_space<semaphore_mem>>
      %dma_start3A_68 = arith.constant 0 : i32
      %dma_start3A_69 = arith.constant 0 : i32
      %dma_start3A_70 = tpu.memref_slice %arg8[%dma_start3A_68, %dma_start3A_69] : memref<80x128xf32, #tpu.memory_space<vmem>> -> memref<80x128xf32, #tpu.memory_space<vmem>>
      %dma_start3A_71 = arith.constant 0 : i32
      %dma_start3A_72 = tpu.memref_slice %arg12[%add3A_59, %dma_start3A_71] : memref<10240x128xf32, #tpu.memory_space<vmem_shared>> -> memref<80x128xf32, #tpu.memory_space<vmem_shared>>
      %dma_start3A_73 = arith.constant 0 : i32
      %dma_start3A_74 = arith.constant 0 : i32
      %dma_start3A_75 = tpu.memref_slice %arg8[%dma_start3A_73, %dma_start3A_74] : memref<80x128xf32, #tpu.memory_space<vmem>> -> memref<80x128xf32, #tpu.memory_space<vmem>>
      %dma_start3A_76 = arith.constant 0 : i32
      %dma_start3A_77 = tpu.memref_slice %arg12[%add3A_59, %dma_start3A_76] : memref<10240x128xf32, #tpu.memory_space<vmem_shared>> -> memref<80x128xf32, #tpu.memory_space<vmem_shared>>
      tpu.enqueue_dma source(%dma_start3A_77 : memref<80x128xf32, #tpu.memory_space<vmem_shared>>) target(%dma_start3A_75 : memref<80x128xf32, #tpu.memory_space<vmem>>) target_semaphore(%run_scoped3A : memref<!tpu.dma_semaphore, #tpu.memory_space<semaphore_mem>>)
      %dma_wait3A_78 = arith.constant 0 : i32
      %dma_wait3A_79 = arith.constant 0 : i32
      %dma_wait3A_80 = tpu.memref_slice %arg8[%dma_wait3A_78, %dma_wait3A_79] : memref<80x128xf32, #tpu.memory_space<vmem>> -> memref<80x128xf32, #tpu.memory_space<vmem>>
      %dma_wait3A_81 = arith.constant 0 : i32
      %dma_wait3A_82 = tpu.memref_slice %arg12[%add3A_59, %dma_wait3A_81] : memref<10240x128xf32, #tpu.memory_space<vmem_shared>> -> memref<80x128xf32, #tpu.memory_space<vmem_shared>>
      %dma_wait3A_83 = arith.constant 0 : i32
      %dma_wait3A_84 = arith.constant 0 : i32
      %dma_wait3A_85 = tpu.memref_slice %arg8[%dma_wait3A_83, %dma_wait3A_84] : memref<80x128xf32, #tpu.memory_space<vmem>> -> memref<80x128xf32, #tpu.memory_space<vmem>>
      %dma_wait3A_86 = arith.constant 0 : i32
      %dma_wait3A_87 = tpu.memref_slice %arg12[%add3A_59, %dma_wait3A_86] : memref<10240x128xf32, #tpu.memory_space<vmem_shared>> -> memref<80x128xf32, #tpu.memory_space<vmem_shared>>
      tpu.wait_dma2 semaphore(%run_scoped3A : memref<!tpu.dma_semaphore, #tpu.memory_space<semaphore_mem>>) src(%dma_wait3A_87 : memref<80x128xf32, #tpu.memory_space<vmem_shared>>) dst(%dma_wait3A_85 : memref<80x128xf32, #tpu.memory_space<vmem>>)
      tpu.yield
    }) : () -> ()
    "tpu.region"() ({
      %run_scoped3A = tpu.sem_alloc : memref<!tpu.dma_semaphore, #tpu.memory_space<semaphore_mem>>
      %dma_start3A_68 = arith.constant 0 : i32
      %dma_start3A_69 = arith.constant 0 : i32
      %dma_start3A_70 = tpu.memref_slice %arg8[%dma_start3A_68, %dma_start3A_69] : memref<80x128xf32, #tpu.memory_space<vmem>> -> memref<80x128xf32, #tpu.memory_space<vmem>>
      %dma_start3A_71 = arith.constant 0 : i32
      %dma_start3A_72 = tpu.memref_slice %arg5[%arg0, %add3A_59, %dma_start3A_71] : memref<2x10240x128xf32, #tpu.memory_space<hbm>> -> memref<1x80x128xf32, #tpu.memory_space<hbm>>
      %dma_start3A_73 = tpu.memref_squeeze %dma_start3A_72 : memref<1x80x128xf32, #tpu.memory_space<hbm>> -> memref<80x128xf32, #tpu.memory_space<hbm>>
      %dma_start3A_74 = arith.constant 0 : i32
      %dma_start3A_75 = tpu.memref_slice %arg5[%arg0, %add3A_59, %dma_start3A_74] : memref<2x10240x128xf32, #tpu.memory_space<hbm>> -> memref<1x80x128xf32, #tpu.memory_space<hbm>>
      %dma_start3A_76 = tpu.memref_squeeze %dma_start3A_75 : memref<1x80x128xf32, #tpu.memory_space<hbm>> -> memref<80x128xf32, #tpu.memory_space<hbm>>
      %dma_start3A_77 = arith.constant 0 : i32
      %dma_start3A_78 = arith.constant 0 : i32
      %dma_start3A_79 = tpu.memref_slice %arg8[%dma_start3A_77, %dma_start3A_78] : memref<80x128xf32, #tpu.memory_space<vmem>> -> memref<80x128xf32, #tpu.memory_space<vmem>>
      tpu.enqueue_dma source(%dma_start3A_79 : memref<80x128xf32, #tpu.memory_space<vmem>>) target(%dma_start3A_76 : memref<80x128xf32, #tpu.memory_space<hbm>>) target_semaphore(%run_scoped3A : memref<!tpu.dma_semaphore, #tpu.memory_space<semaphore_mem>>)
      %dma_wait3A_80 = arith.constant 0 : i32
      %dma_wait3A_81 = arith.constant 0 : i32
      %dma_wait3A_82 = tpu.memref_slice %arg8[%dma_wait3A_80, %dma_wait3A_81] : memref<80x128xf32, #tpu.memory_space<vmem>> -> memref<80x128xf32, #tpu.memory_space<vmem>>
      %dma_wait3A_83 = arith.constant 0 : i32
      %dma_wait3A_84 = tpu.memref_slice %arg5[%arg0, %add3A_59, %dma_wait3A_83] : memref<2x10240x128xf32, #tpu.memory_space<hbm>> -> memref<1x80x128xf32, #tpu.memory_space<hbm>>
      %dma_wait3A_85 = tpu.memref_squeeze %dma_wait3A_84 : memref<1x80x128xf32, #tpu.memory_space<hbm>> -> memref<80x128xf32, #tpu.memory_space<hbm>>
      %dma_wait3A_86 = arith.constant 0 : i32
      %dma_wait3A_87 = tpu.memref_slice %arg5[%arg0, %add3A_59, %dma_wait3A_86] : memref<2x10240x128xf32, #tpu.memory_space<hbm>> -> memref<1x80x128xf32, #tpu.memory_space<hbm>>
      %dma_wait3A_88 = tpu.memref_squeeze %dma_wait3A_87 : memref<1x80x128xf32, #tpu.memory_space<hbm>> -> memref<80x128xf32, #tpu.memory_space<hbm>>
      %dma_wait3A_89 = arith.constant 0 : i32
      %dma_wait3A_90 = arith.constant 0 : i32
      %dma_wait3A_91 = tpu.memref_slice %arg8[%dma_wait3A_89, %dma_wait3A_90] : memref<80x128xf32, #tpu.memory_space<vmem>> -> memref<80x128xf32, #tpu.memory_space<vmem>>
      tpu.wait_dma2 semaphore(%run_scoped3A : memref<!tpu.dma_semaphore, #tpu.memory_space<semaphore_mem>>) src(%dma_wait3A_91 : memref<80x128xf32, #tpu.memory_space<vmem>>) dst(%dma_wait3A_88 : memref<80x128xf32, #tpu.memory_space<hbm>>)
      tpu.yield
    }) : () -> ()
    %add3A_60 = arith.constant 320 : i32
    %add3A_61 = arith.addi %mul3A_5, %add3A_60 : i32
    "tpu.region"() ({
      %run_scoped3A = tpu.sem_alloc : memref<!tpu.dma_semaphore, #tpu.memory_space<semaphore_mem>>
      %dma_start3A_68 = arith.constant 0 : i32
      %dma_start3A_69 = arith.constant 0 : i32
      %dma_start3A_70 = tpu.memref_slice %arg8[%dma_start3A_68, %dma_start3A_69] : memref<80x128xf32, #tpu.memory_space<vmem>> -> memref<80x128xf32, #tpu.memory_space<vmem>>
      %dma_start3A_71 = arith.constant 0 : i32
      %dma_start3A_72 = tpu.memref_slice %arg12[%add3A_61, %dma_start3A_71] : memref<10240x128xf32, #tpu.memory_space<vmem_shared>> -> memref<80x128xf32, #tpu.memory_space<vmem_shared>>
      %dma_start3A_73 = arith.constant 0 : i32
      %dma_start3A_74 = arith.constant 0 : i32
      %dma_start3A_75 = tpu.memref_slice %arg8[%dma_start3A_73, %dma_start3A_74] : memref<80x128xf32, #tpu.memory_space<vmem>> -> memref<80x128xf32, #tpu.memory_space<vmem>>
      %dma_start3A_76 = arith.constant 0 : i32
      %dma_start3A_77 = tpu.memref_slice %arg12[%add3A_61, %dma_start3A_76] : memref<10240x128xf32, #tpu.memory_space<vmem_shared>> -> memref<80x128xf32, #tpu.memory_space<vmem_shared>>
      tpu.enqueue_dma source(%dma_start3A_77 : memref<80x128xf32, #tpu.memory_space<vmem_shared>>) target(%dma_start3A_75 : memref<80x128xf32, #tpu.memory_space<vmem>>) target_semaphore(%run_scoped3A : memref<!tpu.dma_semaphore, #tpu.memory_space<semaphore_mem>>)
      %dma_wait3A_78 = arith.constant 0 : i32
      %dma_wait3A_79 = arith.constant 0 : i32
      %dma_wait3A_80 = tpu.memref_slice %arg8[%dma_wait3A_78, %dma_wait3A_79] : memref<80x128xf32, #tpu.memory_space<vmem>> -> memref<80x128xf32, #tpu.memory_space<vmem>>
      %dma_wait3A_81 = arith.constant 0 : i32
      %dma_wait3A_82 = tpu.memref_slice %arg12[%add3A_61, %dma_wait3A_81] : memref<10240x128xf32, #tpu.memory_space<vmem_shared>> -> memref<80x128xf32, #tpu.memory_space<vmem_shared>>
      %dma_wait3A_83 = arith.constant 0 : i32
      %dma_wait3A_84 = arith.constant 0 : i32
      %dma_wait3A_85 = tpu.memref_slice %arg8[%dma_wait3A_83, %dma_wait3A_84] : memref<80x128xf32, #tpu.memory_space<vmem>> -> memref<80x128xf32, #tpu.memory_space<vmem>>
      %dma_wait3A_86 = arith.constant 0 : i32
      %dma_wait3A_87 = tpu.memref_slice %arg12[%add3A_61, %dma_wait3A_86] : memref<10240x128xf32, #tpu.memory_space<vmem_shared>> -> memref<80x128xf32, #tpu.memory_space<vmem_shared>>
      tpu.wait_dma2 semaphore(%run_scoped3A : memref<!tpu.dma_semaphore, #tpu.memory_space<semaphore_mem>>) src(%dma_wait3A_87 : memref<80x128xf32, #tpu.memory_space<vmem_shared>>) dst(%dma_wait3A_85 : memref<80x128xf32, #tpu.memory_space<vmem>>)
      tpu.yield
    }) : () -> ()
    "tpu.region"() ({
      %run_scoped3A = tpu.sem_alloc : memref<!tpu.dma_semaphore, #tpu.memory_space<semaphore_mem>>
      %dma_start3A_68 = arith.constant 0 : i32
      %dma_start3A_69 = arith.constant 0 : i32
      %dma_start3A_70 = tpu.memref_slice %arg8[%dma_start3A_68, %dma_start3A_69] : memref<80x128xf32, #tpu.memory_space<vmem>> -> memref<80x128xf32, #tpu.memory_space<vmem>>
      %dma_start3A_71 = arith.constant 0 : i32
      %dma_start3A_72 = tpu.memref_slice %arg5[%arg0, %add3A_61, %dma_start3A_71] : memref<2x10240x128xf32, #tpu.memory_space<hbm>> -> memref<1x80x128xf32, #tpu.memory_space<hbm>>
      %dma_start3A_73 = tpu.memref_squeeze %dma_start3A_72 : memref<1x80x128xf32, #tpu.memory_space<hbm>> -> memref<80x128xf32, #tpu.memory_space<hbm>>
      %dma_start3A_74 = arith.constant 0 : i32
      %dma_start3A_75 = tpu.memref_slice %arg5[%arg0, %add3A_61, %dma_start3A_74] : memref<2x10240x128xf32, #tpu.memory_space<hbm>> -> memref<1x80x128xf32, #tpu.memory_space<hbm>>
      %dma_start3A_76 = tpu.memref_squeeze %dma_start3A_75 : memref<1x80x128xf32, #tpu.memory_space<hbm>> -> memref<80x128xf32, #tpu.memory_space<hbm>>
      %dma_start3A_77 = arith.constant 0 : i32
      %dma_start3A_78 = arith.constant 0 : i32
      %dma_start3A_79 = tpu.memref_slice %arg8[%dma_start3A_77, %dma_start3A_78] : memref<80x128xf32, #tpu.memory_space<vmem>> -> memref<80x128xf32, #tpu.memory_space<vmem>>
      tpu.enqueue_dma source(%dma_start3A_79 : memref<80x128xf32, #tpu.memory_space<vmem>>) target(%dma_start3A_76 : memref<80x128xf32, #tpu.memory_space<hbm>>) target_semaphore(%run_scoped3A : memref<!tpu.dma_semaphore, #tpu.memory_space<semaphore_mem>>)
      %dma_wait3A_80 = arith.constant 0 : i32
      %dma_wait3A_81 = arith.constant 0 : i32
      %dma_wait3A_82 = tpu.memref_slice %arg8[%dma_wait3A_80, %dma_wait3A_81] : memref<80x128xf32, #tpu.memory_space<vmem>> -> memref<80x128xf32, #tpu.memory_space<vmem>>
      %dma_wait3A_83 = arith.constant 0 : i32
      %dma_wait3A_84 = tpu.memref_slice %arg5[%arg0, %add3A_61, %dma_wait3A_83] : memref<2x10240x128xf32, #tpu.memory_space<hbm>> -> memref<1x80x128xf32, #tpu.memory_space<hbm>>
      %dma_wait3A_85 = tpu.memref_squeeze %dma_wait3A_84 : memref<1x80x128xf32, #tpu.memory_space<hbm>> -> memref<80x128xf32, #tpu.memory_space<hbm>>
      %dma_wait3A_86 = arith.constant 0 : i32
      %dma_wait3A_87 = tpu.memref_slice %arg5[%arg0, %add3A_61, %dma_wait3A_86] : memref<2x10240x128xf32, #tpu.memory_space<hbm>> -> memref<1x80x128xf32, #tpu.memory_space<hbm>>
      %dma_wait3A_88 = tpu.memref_squeeze %dma_wait3A_87 : memref<1x80x128xf32, #tpu.memory_space<hbm>> -> memref<80x128xf32, #tpu.memory_space<hbm>>
      %dma_wait3A_89 = arith.constant 0 : i32
      %dma_wait3A_90 = arith.constant 0 : i32
      %dma_wait3A_91 = tpu.memref_slice %arg8[%dma_wait3A_89, %dma_wait3A_90] : memref<80x128xf32, #tpu.memory_space<vmem>> -> memref<80x128xf32, #tpu.memory_space<vmem>>
      tpu.wait_dma2 semaphore(%run_scoped3A : memref<!tpu.dma_semaphore, #tpu.memory_space<semaphore_mem>>) src(%dma_wait3A_91 : memref<80x128xf32, #tpu.memory_space<vmem>>) dst(%dma_wait3A_88 : memref<80x128xf32, #tpu.memory_space<hbm>>)
      tpu.yield
    }) : () -> ()
    %add3A_62 = arith.constant 400 : i32
    %add3A_63 = arith.addi %mul3A_5, %add3A_62 : i32
    "tpu.region"() ({
      %run_scoped3A = tpu.sem_alloc : memref<!tpu.dma_semaphore, #tpu.memory_space<semaphore_mem>>
      %dma_start3A_68 = arith.constant 0 : i32
      %dma_start3A_69 = arith.constant 0 : i32
      %dma_start3A_70 = tpu.memref_slice %arg8[%dma_start3A_68, %dma_start3A_69] : memref<80x128xf32, #tpu.memory_space<vmem>> -> memref<80x128xf32, #tpu.memory_space<vmem>>
      %dma_start3A_71 = arith.constant 0 : i32
      %dma_start3A_72 = tpu.memref_slice %arg12[%add3A_63, %dma_start3A_71] : memref<10240x128xf32, #tpu.memory_space<vmem_shared>> -> memref<80x128xf32, #tpu.memory_space<vmem_shared>>
      %dma_start3A_73 = arith.constant 0 : i32
      %dma_start3A_74 = arith.constant 0 : i32
      %dma_start3A_75 = tpu.memref_slice %arg8[%dma_start3A_73, %dma_start3A_74] : memref<80x128xf32, #tpu.memory_space<vmem>> -> memref<80x128xf32, #tpu.memory_space<vmem>>
      %dma_start3A_76 = arith.constant 0 : i32
      %dma_start3A_77 = tpu.memref_slice %arg12[%add3A_63, %dma_start3A_76] : memref<10240x128xf32, #tpu.memory_space<vmem_shared>> -> memref<80x128xf32, #tpu.memory_space<vmem_shared>>
      tpu.enqueue_dma source(%dma_start3A_77 : memref<80x128xf32, #tpu.memory_space<vmem_shared>>) target(%dma_start3A_75 : memref<80x128xf32, #tpu.memory_space<vmem>>) target_semaphore(%run_scoped3A : memref<!tpu.dma_semaphore, #tpu.memory_space<semaphore_mem>>)
      %dma_wait3A_78 = arith.constant 0 : i32
      %dma_wait3A_79 = arith.constant 0 : i32
      %dma_wait3A_80 = tpu.memref_slice %arg8[%dma_wait3A_78, %dma_wait3A_79] : memref<80x128xf32, #tpu.memory_space<vmem>> -> memref<80x128xf32, #tpu.memory_space<vmem>>
      %dma_wait3A_81 = arith.constant 0 : i32
      %dma_wait3A_82 = tpu.memref_slice %arg12[%add3A_63, %dma_wait3A_81] : memref<10240x128xf32, #tpu.memory_space<vmem_shared>> -> memref<80x128xf32, #tpu.memory_space<vmem_shared>>
      %dma_wait3A_83 = arith.constant 0 : i32
      %dma_wait3A_84 = arith.constant 0 : i32
      %dma_wait3A_85 = tpu.memref_slice %arg8[%dma_wait3A_83, %dma_wait3A_84] : memref<80x128xf32, #tpu.memory_space<vmem>> -> memref<80x128xf32, #tpu.memory_space<vmem>>
      %dma_wait3A_86 = arith.constant 0 : i32
      %dma_wait3A_87 = tpu.memref_slice %arg12[%add3A_63, %dma_wait3A_86] : memref<10240x128xf32, #tpu.memory_space<vmem_shared>> -> memref<80x128xf32, #tpu.memory_space<vmem_shared>>
      tpu.wait_dma2 semaphore(%run_scoped3A : memref<!tpu.dma_semaphore, #tpu.memory_space<semaphore_mem>>) src(%dma_wait3A_87 : memref<80x128xf32, #tpu.memory_space<vmem_shared>>) dst(%dma_wait3A_85 : memref<80x128xf32, #tpu.memory_space<vmem>>)
      tpu.yield
    }) : () -> ()
    "tpu.region"() ({
      %run_scoped3A = tpu.sem_alloc : memref<!tpu.dma_semaphore, #tpu.memory_space<semaphore_mem>>
      %dma_start3A_68 = arith.constant 0 : i32
      %dma_start3A_69 = arith.constant 0 : i32
      %dma_start3A_70 = tpu.memref_slice %arg8[%dma_start3A_68, %dma_start3A_69] : memref<80x128xf32, #tpu.memory_space<vmem>> -> memref<80x128xf32, #tpu.memory_space<vmem>>
      %dma_start3A_71 = arith.constant 0 : i32
      %dma_start3A_72 = tpu.memref_slice %arg5[%arg0, %add3A_63, %dma_start3A_71] : memref<2x10240x128xf32, #tpu.memory_space<hbm>> -> memref<1x80x128xf32, #tpu.memory_space<hbm>>
      %dma_start3A_73 = tpu.memref_squeeze %dma_start3A_72 : memref<1x80x128xf32, #tpu.memory_space<hbm>> -> memref<80x128xf32, #tpu.memory_space<hbm>>
      %dma_start3A_74 = arith.constant 0 : i32
      %dma_start3A_75 = tpu.memref_slice %arg5[%arg0, %add3A_63, %dma_start3A_74] : memref<2x10240x128xf32, #tpu.memory_space<hbm>> -> memref<1x80x128xf32, #tpu.memory_space<hbm>>
      %dma_start3A_76 = tpu.memref_squeeze %dma_start3A_75 : memref<1x80x128xf32, #tpu.memory_space<hbm>> -> memref<80x128xf32, #tpu.memory_space<hbm>>
      %dma_start3A_77 = arith.constant 0 : i32
      %dma_start3A_78 = arith.constant 0 : i32
      %dma_start3A_79 = tpu.memref_slice %arg8[%dma_start3A_77, %dma_start3A_78] : memref<80x128xf32, #tpu.memory_space<vmem>> -> memref<80x128xf32, #tpu.memory_space<vmem>>
      tpu.enqueue_dma source(%dma_start3A_79 : memref<80x128xf32, #tpu.memory_space<vmem>>) target(%dma_start3A_76 : memref<80x128xf32, #tpu.memory_space<hbm>>) target_semaphore(%run_scoped3A : memref<!tpu.dma_semaphore, #tpu.memory_space<semaphore_mem>>)
      %dma_wait3A_80 = arith.constant 0 : i32
      %dma_wait3A_81 = arith.constant 0 : i32
      %dma_wait3A_82 = tpu.memref_slice %arg8[%dma_wait3A_80, %dma_wait3A_81] : memref<80x128xf32, #tpu.memory_space<vmem>> -> memref<80x128xf32, #tpu.memory_space<vmem>>
      %dma_wait3A_83 = arith.constant 0 : i32
      %dma_wait3A_84 = tpu.memref_slice %arg5[%arg0, %add3A_63, %dma_wait3A_83] : memref<2x10240x128xf32, #tpu.memory_space<hbm>> -> memref<1x80x128xf32, #tpu.memory_space<hbm>>
      %dma_wait3A_85 = tpu.memref_squeeze %dma_wait3A_84 : memref<1x80x128xf32, #tpu.memory_space<hbm>> -> memref<80x128xf32, #tpu.memory_space<hbm>>
      %dma_wait3A_86 = arith.constant 0 : i32
      %dma_wait3A_87 = tpu.memref_slice %arg5[%arg0, %add3A_63, %dma_wait3A_86] : memref<2x10240x128xf32, #tpu.memory_space<hbm>> -> memref<1x80x128xf32, #tpu.memory_space<hbm>>
      %dma_wait3A_88 = tpu.memref_squeeze %dma_wait3A_87 : memref<1x80x128xf32, #tpu.memory_space<hbm>> -> memref<80x128xf32, #tpu.memory_space<hbm>>
      %dma_wait3A_89 = arith.constant 0 : i32
      %dma_wait3A_90 = arith.constant 0 : i32
      %dma_wait3A_91 = tpu.memref_slice %arg8[%dma_wait3A_89, %dma_wait3A_90] : memref<80x128xf32, #tpu.memory_space<vmem>> -> memref<80x128xf32, #tpu.memory_space<vmem>>
      tpu.wait_dma2 semaphore(%run_scoped3A : memref<!tpu.dma_semaphore, #tpu.memory_space<semaphore_mem>>) src(%dma_wait3A_91 : memref<80x128xf32, #tpu.memory_space<vmem>>) dst(%dma_wait3A_88 : memref<80x128xf32, #tpu.memory_space<hbm>>)
      tpu.yield
    }) : () -> ()
    %add3A_64 = arith.constant 480 : i32
    %add3A_65 = arith.addi %mul3A_5, %add3A_64 : i32
    "tpu.region"() ({
      %run_scoped3A = tpu.sem_alloc : memref<!tpu.dma_semaphore, #tpu.memory_space<semaphore_mem>>
      %dma_start3A_68 = arith.constant 0 : i32
      %dma_start3A_69 = arith.constant 0 : i32
      %dma_start3A_70 = tpu.memref_slice %arg8[%dma_start3A_68, %dma_start3A_69] : memref<80x128xf32, #tpu.memory_space<vmem>> -> memref<80x128xf32, #tpu.memory_space<vmem>>
      %dma_start3A_71 = arith.constant 0 : i32
      %dma_start3A_72 = tpu.memref_slice %arg12[%add3A_65, %dma_start3A_71] : memref<10240x128xf32, #tpu.memory_space<vmem_shared>> -> memref<80x128xf32, #tpu.memory_space<vmem_shared>>
      %dma_start3A_73 = arith.constant 0 : i32
      %dma_start3A_74 = arith.constant 0 : i32
      %dma_start3A_75 = tpu.memref_slice %arg8[%dma_start3A_73, %dma_start3A_74] : memref<80x128xf32, #tpu.memory_space<vmem>> -> memref<80x128xf32, #tpu.memory_space<vmem>>
      %dma_start3A_76 = arith.constant 0 : i32
      %dma_start3A_77 = tpu.memref_slice %arg12[%add3A_65, %dma_start3A_76] : memref<10240x128xf32, #tpu.memory_space<vmem_shared>> -> memref<80x128xf32, #tpu.memory_space<vmem_shared>>
      tpu.enqueue_dma source(%dma_start3A_77 : memref<80x128xf32, #tpu.memory_space<vmem_shared>>) target(%dma_start3A_75 : memref<80x128xf32, #tpu.memory_space<vmem>>) target_semaphore(%run_scoped3A : memref<!tpu.dma_semaphore, #tpu.memory_space<semaphore_mem>>)
      %dma_wait3A_78 = arith.constant 0 : i32
      %dma_wait3A_79 = arith.constant 0 : i32
      %dma_wait3A_80 = tpu.memref_slice %arg8[%dma_wait3A_78, %dma_wait3A_79] : memref<80x128xf32, #tpu.memory_space<vmem>> -> memref<80x128xf32, #tpu.memory_space<vmem>>
      %dma_wait3A_81 = arith.constant 0 : i32
      %dma_wait3A_82 = tpu.memref_slice %arg12[%add3A_65, %dma_wait3A_81] : memref<10240x128xf32, #tpu.memory_space<vmem_shared>> -> memref<80x128xf32, #tpu.memory_space<vmem_shared>>
      %dma_wait3A_83 = arith.constant 0 : i32
      %dma_wait3A_84 = arith.constant 0 : i32
      %dma_wait3A_85 = tpu.memref_slice %arg8[%dma_wait3A_83, %dma_wait3A_84] : memref<80x128xf32, #tpu.memory_space<vmem>> -> memref<80x128xf32, #tpu.memory_space<vmem>>
      %dma_wait3A_86 = arith.constant 0 : i32
      %dma_wait3A_87 = tpu.memref_slice %arg12[%add3A_65, %dma_wait3A_86] : memref<10240x128xf32, #tpu.memory_space<vmem_shared>> -> memref<80x128xf32, #tpu.memory_space<vmem_shared>>
      tpu.wait_dma2 semaphore(%run_scoped3A : memref<!tpu.dma_semaphore, #tpu.memory_space<semaphore_mem>>) src(%dma_wait3A_87 : memref<80x128xf32, #tpu.memory_space<vmem_shared>>) dst(%dma_wait3A_85 : memref<80x128xf32, #tpu.memory_space<vmem>>)
      tpu.yield
    }) : () -> ()
    "tpu.region"() ({
      %run_scoped3A = tpu.sem_alloc : memref<!tpu.dma_semaphore, #tpu.memory_space<semaphore_mem>>
      %dma_start3A_68 = arith.constant 0 : i32
      %dma_start3A_69 = arith.constant 0 : i32
      %dma_start3A_70 = tpu.memref_slice %arg8[%dma_start3A_68, %dma_start3A_69] : memref<80x128xf32, #tpu.memory_space<vmem>> -> memref<80x128xf32, #tpu.memory_space<vmem>>
      %dma_start3A_71 = arith.constant 0 : i32
      %dma_start3A_72 = tpu.memref_slice %arg5[%arg0, %add3A_65, %dma_start3A_71] : memref<2x10240x128xf32, #tpu.memory_space<hbm>> -> memref<1x80x128xf32, #tpu.memory_space<hbm>>
      %dma_start3A_73 = tpu.memref_squeeze %dma_start3A_72 : memref<1x80x128xf32, #tpu.memory_space<hbm>> -> memref<80x128xf32, #tpu.memory_space<hbm>>
      %dma_start3A_74 = arith.constant 0 : i32
      %dma_start3A_75 = tpu.memref_slice %arg5[%arg0, %add3A_65, %dma_start3A_74] : memref<2x10240x128xf32, #tpu.memory_space<hbm>> -> memref<1x80x128xf32, #tpu.memory_space<hbm>>
      %dma_start3A_76 = tpu.memref_squeeze %dma_start3A_75 : memref<1x80x128xf32, #tpu.memory_space<hbm>> -> memref<80x128xf32, #tpu.memory_space<hbm>>
      %dma_start3A_77 = arith.constant 0 : i32
      %dma_start3A_78 = arith.constant 0 : i32
      %dma_start3A_79 = tpu.memref_slice %arg8[%dma_start3A_77, %dma_start3A_78] : memref<80x128xf32, #tpu.memory_space<vmem>> -> memref<80x128xf32, #tpu.memory_space<vmem>>
      tpu.enqueue_dma source(%dma_start3A_79 : memref<80x128xf32, #tpu.memory_space<vmem>>) target(%dma_start3A_76 : memref<80x128xf32, #tpu.memory_space<hbm>>) target_semaphore(%run_scoped3A : memref<!tpu.dma_semaphore, #tpu.memory_space<semaphore_mem>>)
      %dma_wait3A_80 = arith.constant 0 : i32
      %dma_wait3A_81 = arith.constant 0 : i32
      %dma_wait3A_82 = tpu.memref_slice %arg8[%dma_wait3A_80, %dma_wait3A_81] : memref<80x128xf32, #tpu.memory_space<vmem>> -> memref<80x128xf32, #tpu.memory_space<vmem>>
      %dma_wait3A_83 = arith.constant 0 : i32
      %dma_wait3A_84 = tpu.memref_slice %arg5[%arg0, %add3A_65, %dma_wait3A_83] : memref<2x10240x128xf32, #tpu.memory_space<hbm>> -> memref<1x80x128xf32, #tpu.memory_space<hbm>>
      %dma_wait3A_85 = tpu.memref_squeeze %dma_wait3A_84 : memref<1x80x128xf32, #tpu.memory_space<hbm>> -> memref<80x128xf32, #tpu.memory_space<hbm>>
      %dma_wait3A_86 = arith.constant 0 : i32
      %dma_wait3A_87 = tpu.memref_slice %arg5[%arg0, %add3A_65, %dma_wait3A_86] : memref<2x10240x128xf32, #tpu.memory_space<hbm>> -> memref<1x80x128xf32, #tpu.memory_space<hbm>>
      %dma_wait3A_88 = tpu.memref_squeeze %dma_wait3A_87 : memref<1x80x128xf32, #tpu.memory_space<hbm>> -> memref<80x128xf32, #tpu.memory_space<hbm>>
      %dma_wait3A_89 = arith.constant 0 : i32
      %dma_wait3A_90 = arith.constant 0 : i32
      %dma_wait3A_91 = tpu.memref_slice %arg8[%dma_wait3A_89, %dma_wait3A_90] : memref<80x128xf32, #tpu.memory_space<vmem>> -> memref<80x128xf32, #tpu.memory_space<vmem>>
      tpu.wait_dma2 semaphore(%run_scoped3A : memref<!tpu.dma_semaphore, #tpu.memory_space<semaphore_mem>>) src(%dma_wait3A_91 : memref<80x128xf32, #tpu.memory_space<vmem>>) dst(%dma_wait3A_88 : memref<80x128xf32, #tpu.memory_space<hbm>>)
      tpu.yield
    }) : () -> ()
    %add3A_66 = arith.constant 560 : i32
    %add3A_67 = arith.addi %mul3A_5, %add3A_66 : i32
    "tpu.region"() ({
      %run_scoped3A = tpu.sem_alloc : memref<!tpu.dma_semaphore, #tpu.memory_space<semaphore_mem>>
      %dma_start3A_68 = arith.constant 0 : i32
      %dma_start3A_69 = arith.constant 0 : i32
      %dma_start3A_70 = tpu.memref_slice %arg8[%dma_start3A_68, %dma_start3A_69] : memref<80x128xf32, #tpu.memory_space<vmem>> -> memref<80x128xf32, #tpu.memory_space<vmem>>
      %dma_start3A_71 = arith.constant 0 : i32
      %dma_start3A_72 = tpu.memref_slice %arg12[%add3A_67, %dma_start3A_71] : memref<10240x128xf32, #tpu.memory_space<vmem_shared>> -> memref<80x128xf32, #tpu.memory_space<vmem_shared>>
      %dma_start3A_73 = arith.constant 0 : i32
      %dma_start3A_74 = arith.constant 0 : i32
      %dma_start3A_75 = tpu.memref_slice %arg8[%dma_start3A_73, %dma_start3A_74] : memref<80x128xf32, #tpu.memory_space<vmem>> -> memref<80x128xf32, #tpu.memory_space<vmem>>
      %dma_start3A_76 = arith.constant 0 : i32
      %dma_start3A_77 = tpu.memref_slice %arg12[%add3A_67, %dma_start3A_76] : memref<10240x128xf32, #tpu.memory_space<vmem_shared>> -> memref<80x128xf32, #tpu.memory_space<vmem_shared>>
      tpu.enqueue_dma source(%dma_start3A_77 : memref<80x128xf32, #tpu.memory_space<vmem_shared>>) target(%dma_start3A_75 : memref<80x128xf32, #tpu.memory_space<vmem>>) target_semaphore(%run_scoped3A : memref<!tpu.dma_semaphore, #tpu.memory_space<semaphore_mem>>)
      %dma_wait3A_78 = arith.constant 0 : i32
      %dma_wait3A_79 = arith.constant 0 : i32
      %dma_wait3A_80 = tpu.memref_slice %arg8[%dma_wait3A_78, %dma_wait3A_79] : memref<80x128xf32, #tpu.memory_space<vmem>> -> memref<80x128xf32, #tpu.memory_space<vmem>>
      %dma_wait3A_81 = arith.constant 0 : i32
      %dma_wait3A_82 = tpu.memref_slice %arg12[%add3A_67, %dma_wait3A_81] : memref<10240x128xf32, #tpu.memory_space<vmem_shared>> -> memref<80x128xf32, #tpu.memory_space<vmem_shared>>
      %dma_wait3A_83 = arith.constant 0 : i32
      %dma_wait3A_84 = arith.constant 0 : i32
      %dma_wait3A_85 = tpu.memref_slice %arg8[%dma_wait3A_83, %dma_wait3A_84] : memref<80x128xf32, #tpu.memory_space<vmem>> -> memref<80x128xf32, #tpu.memory_space<vmem>>
      %dma_wait3A_86 = arith.constant 0 : i32
      %dma_wait3A_87 = tpu.memref_slice %arg12[%add3A_67, %dma_wait3A_86] : memref<10240x128xf32, #tpu.memory_space<vmem_shared>> -> memref<80x128xf32, #tpu.memory_space<vmem_shared>>
      tpu.wait_dma2 semaphore(%run_scoped3A : memref<!tpu.dma_semaphore, #tpu.memory_space<semaphore_mem>>) src(%dma_wait3A_87 : memref<80x128xf32, #tpu.memory_space<vmem_shared>>) dst(%dma_wait3A_85 : memref<80x128xf32, #tpu.memory_space<vmem>>)
      tpu.yield
    }) : () -> ()
    "tpu.region"() ({
      %run_scoped3A = tpu.sem_alloc : memref<!tpu.dma_semaphore, #tpu.memory_space<semaphore_mem>>
      %dma_start3A_68 = arith.constant 0 : i32
      %dma_start3A_69 = arith.constant 0 : i32
      %dma_start3A_70 = tpu.memref_slice %arg8[%dma_start3A_68, %dma_start3A_69] : memref<80x128xf32, #tpu.memory_space<vmem>> -> memref<80x128xf32, #tpu.memory_space<vmem>>
      %dma_start3A_71 = arith.constant 0 : i32
      %dma_start3A_72 = tpu.memref_slice %arg5[%arg0, %add3A_67, %dma_start3A_71] : memref<2x10240x128xf32, #tpu.memory_space<hbm>> -> memref<1x80x128xf32, #tpu.memory_space<hbm>>
      %dma_start3A_73 = tpu.memref_squeeze %dma_start3A_72 : memref<1x80x128xf32, #tpu.memory_space<hbm>> -> memref<80x128xf32, #tpu.memory_space<hbm>>
      %dma_start3A_74 = arith.constant 0 : i32
      %dma_start3A_75 = tpu.memref_slice %arg5[%arg0, %add3A_67, %dma_start3A_74] : memref<2x10240x128xf32, #tpu.memory_space<hbm>> -> memref<1x80x128xf32, #tpu.memory_space<hbm>>
      %dma_start3A_76 = tpu.memref_squeeze %dma_start3A_75 : memref<1x80x128xf32, #tpu.memory_space<hbm>> -> memref<80x128xf32, #tpu.memory_space<hbm>>
      %dma_start3A_77 = arith.constant 0 : i32
      %dma_start3A_78 = arith.constant 0 : i32
      %dma_start3A_79 = tpu.memref_slice %arg8[%dma_start3A_77, %dma_start3A_78] : memref<80x128xf32, #tpu.memory_space<vmem>> -> memref<80x128xf32, #tpu.memory_space<vmem>>
      tpu.enqueue_dma source(%dma_start3A_79 : memref<80x128xf32, #tpu.memory_space<vmem>>) target(%dma_start3A_76 : memref<80x128xf32, #tpu.memory_space<hbm>>) target_semaphore(%run_scoped3A : memref<!tpu.dma_semaphore, #tpu.memory_space<semaphore_mem>>)
      %dma_wait3A_80 = arith.constant 0 : i32
      %dma_wait3A_81 = arith.constant 0 : i32
      %dma_wait3A_82 = tpu.memref_slice %arg8[%dma_wait3A_80, %dma_wait3A_81] : memref<80x128xf32, #tpu.memory_space<vmem>> -> memref<80x128xf32, #tpu.memory_space<vmem>>
      %dma_wait3A_83 = arith.constant 0 : i32
      %dma_wait3A_84 = tpu.memref_slice %arg5[%arg0, %add3A_67, %dma_wait3A_83] : memref<2x10240x128xf32, #tpu.memory_space<hbm>> -> memref<1x80x128xf32, #tpu.memory_space<hbm>>
      %dma_wait3A_85 = tpu.memref_squeeze %dma_wait3A_84 : memref<1x80x128xf32, #tpu.memory_space<hbm>> -> memref<80x128xf32, #tpu.memory_space<hbm>>
      %dma_wait3A_86 = arith.constant 0 : i32
      %dma_wait3A_87 = tpu.memref_slice %arg5[%arg0, %add3A_67, %dma_wait3A_86] : memref<2x10240x128xf32, #tpu.memory_space<hbm>> -> memref<1x80x128xf32, #tpu.memory_space<hbm>>
      %dma_wait3A_88 = tpu.memref_squeeze %dma_wait3A_87 : memref<1x80x128xf32, #tpu.memory_space<hbm>> -> memref<80x128xf32, #tpu.memory_space<hbm>>
      %dma_wait3A_89 = arith.constant 0 : i32
      %dma_wait3A_90 = arith.constant 0 : i32
      %dma_wait3A_91 = tpu.memref_slice %arg8[%dma_wait3A_89, %dma_wait3A_90] : memref<80x128xf32, #tpu.memory_space<vmem>> -> memref<80x128xf32, #tpu.memory_space<vmem>>
      tpu.wait_dma2 semaphore(%run_scoped3A : memref<!tpu.dma_semaphore, #tpu.memory_space<semaphore_mem>>) src(%dma_wait3A_91 : memref<80x128xf32, #tpu.memory_space<vmem>>) dst(%dma_wait3A_88 : memref<80x128xf32, #tpu.memory_space<hbm>>)
      tpu.yield
    }) : () -> ()
    return
  }
}

module attributes {stable_mosaic.version = 14 : i64} {
  func.func @_layer1_body(%arg0: i32, %arg1: memref<2000x128xf32, #tpu.memory_space<vmem>>, %arg2: memref<2x2000x128xf32, #tpu.memory_space<vmem>>, %arg3: memref<2x2000x1xf32, #tpu.memory_space<vmem>>, %arg4: memref<128x128xf32, #tpu.memory_space<vmem>>, %arg5: memref<2000x128xf32, #tpu.memory_space<vmem>>, %arg6: memref<2000x1xf32, #tpu.memory_space<vmem>>) attributes {dimension_semantics = [#tpu.dimension_semantics<arbitrary>], iteration_bounds = array<i64: 5>, scalar_prefetch = 0 : i64, scratch_operands = 0 : i64, tpu.core_type = #tpu.core_type<tc>, window_params = [{transform_indices = @transform_0, window_bounds = array<i64: 2000, 128>}, {transform_indices = @transform_1, window_bounds = array<i64: 2, 2000, 128>}, {transform_indices = @transform_2, window_bounds = array<i64: 2, 2000, 1>}, {pipeline_mode = #tpu.pipeline_mode<synchronous>, transform_indices = @transform_3, window_bounds = array<i64: 128, 128>}, {transform_indices = @transform_4, window_bounds = array<i64: 2000, 128>}, {transform_indices = @transform_5, window_bounds = array<i64: 2000, 1>}]} {
    %get3A = arith.constant 0 : index
    %get3A_0 = arith.constant 0 : index
    %get3A_1 = arith.constant 0 : index
    %get3A_2 = vector.load %arg3[%get3A, %get3A_0, %get3A_1] : memref<2x2000x1xf32, #tpu.memory_space<vmem>>, vector<1x2000x1xf32>
    %get3A_3 = vector.shape_cast %get3A_2 : vector<1x2000x1xf32> to vector<2000x1xf32>
    %get3A_4 = arith.constant 1 : index
    %get3A_5 = arith.constant 0 : index
    %get3A_6 = arith.constant 0 : index
    %get3A_7 = vector.load %arg3[%get3A_4, %get3A_5, %get3A_6] : memref<2x2000x1xf32, #tpu.memory_space<vmem>>, vector<1x2000x1xf32>
    %get3A_8 = vector.shape_cast %get3A_7 : vector<1x2000x1xf32> to vector<2000x1xf32>
    %add3A = arith.addf %get3A_3, %get3A_8 : vector<2000x1xf32>
    %max3A = arith.constant 1.000000e+00 : f32
    %max3A_9 = vector.broadcast %max3A : f32 to vector<2000x1xf32>
    %max3A_10 = arith.maximumf %add3A, %max3A_9 : vector<2000x1xf32>
    %div3A = arith.constant 1.000000e+00 : f32
    %div3A_11 = vector.broadcast %div3A : f32 to vector<2000x1xf32>
    %div3A_12 = arith.divf %div3A_11, %max3A_10 : vector<2000x1xf32>
    %swap3A = arith.constant 0 : index
    %swap3A_13 = arith.constant 0 : index
    %swap3A_14 = vector.load %arg6[%swap3A, %swap3A_13] : memref<2000x1xf32, #tpu.memory_space<vmem>>, vector<2000x1xf32>
    tpu.vector_store %arg6[%swap3A, %swap3A_13], %div3A_12 {strides = array<i32>} : memref<2000x1xf32, #tpu.memory_space<vmem>>, vector<2000x1xf32>,
    %get3A_15 = arith.constant 0 : index
    %get3A_16 = arith.constant 0 : index
    %get3A_17 = arith.constant 0 : index
    %get3A_18 = vector.load %arg2[%get3A_15, %get3A_16, %get3A_17] : memref<2x2000x128xf32, #tpu.memory_space<vmem>>, vector<1x2000x128xf32>
    %get3A_19 = vector.shape_cast %get3A_18 : vector<1x2000x128xf32> to vector<2000x128xf32>
    %get3A_20 = arith.constant 1 : index
    %get3A_21 = arith.constant 0 : index
    %get3A_22 = arith.constant 0 : index
    %get3A_23 = vector.load %arg2[%get3A_20, %get3A_21, %get3A_22] : memref<2x2000x128xf32, #tpu.memory_space<vmem>>, vector<1x2000x128xf32>
    %get3A_24 = vector.shape_cast %get3A_23 : vector<1x2000x128xf32> to vector<2000x128xf32>
    %add3A_25 = arith.addf %get3A_19, %get3A_24 : vector<2000x128xf32>
    %mul3A = vector.broadcast %div3A_12 : vector<2000x1xf32> to vector<2000x128xf32>
    %mul3A_26 = arith.mulf %add3A_25, %mul3A : vector<2000x128xf32>
    %get3A_27 = arith.constant 0 : index
    %get3A_28 = arith.constant 0 : index
    %get3A_29 = vector.load %arg1[%get3A_27, %get3A_28] : memref<2000x128xf32, #tpu.memory_space<vmem>>, vector<2000x128xf32>
    %get3A_30 = arith.constant 0 : index
    %get3A_31 = arith.constant 0 : index
    %get3A_32 = vector.load %arg4[%get3A_30, %get3A_31] : memref<128x128xf32, #tpu.memory_space<vmem>>, vector<128x128xf32>
    %dot_general3A = arith.constant dense<0.000000e+00> : vector<2000x128xf32>
    %dot_general3A_33 = tpu.matmul %mul3A_26, %get3A_32, %dot_general3A {dimension_numbers = #tpu.dot_dimension_numbers<[1], [0], [0], [1], [0, 0, 1, 1], [], []>, transpose_lhs_hint = false} : vector<2000x128xf32>, vector<128x128xf32>, vector<2000x128xf32> -> vector<2000x128xf32>
    %add3A_34 = arith.addf %get3A_29, %dot_general3A_33 : vector<2000x128xf32>
    %max3A_35 = arith.constant 0.000000e+00 : f32
    %max3A_36 = vector.broadcast %max3A_35 : f32 to vector<2000x128xf32>
    %max3A_37 = arith.maximumf %add3A_34, %max3A_36 : vector<2000x128xf32>
    %swap3A_38 = arith.constant 0 : index
    %swap3A_39 = arith.constant 0 : index
    %swap3A_40 = vector.load %arg5[%swap3A_38, %swap3A_39] : memref<2000x128xf32, #tpu.memory_space<vmem>>, vector<2000x128xf32>
    tpu.vector_store %arg5[%swap3A_38, %swap3A_39], %max3A_37 {strides = array<i32>} : memref<2000x128xf32, #tpu.memory_space<vmem>>, vector<2000x128xf32>,
    return
  }
  func.func @transform_0(%arg0: i32) -> (i32, i32) {
    %c0_i32 = arith.constant 0 : i32
    %c0_i32_0 = arith.constant 0 : i32
    return %arg0, %c0_i32 : i32, i32
  }
  func.func @transform_1(%arg0: i32) -> (i32, i32, i32) {
    %c0_i32 = arith.constant 0 : i32
    %c0_i32_0 = arith.constant 0 : i32
    %c0_i32_1 = arith.constant 0 : i32
    return %c0_i32, %arg0, %c0_i32_0 : i32, i32, i32
  }
  func.func @transform_2(%arg0: i32) -> (i32, i32, i32) {
    %c0_i32 = arith.constant 0 : i32
    %c0_i32_0 = arith.constant 0 : i32
    %c0_i32_1 = arith.constant 0 : i32
    return %c0_i32, %arg0, %c0_i32_0 : i32, i32, i32
  }
  func.func @transform_3(%arg0: i32) -> (i32, i32) {
    %c0_i32 = arith.constant 0 : i32
    %c0_i32_0 = arith.constant 0 : i32
    %c0_i32_1 = arith.constant 0 : i32
    return %c0_i32, %c0_i32_0 : i32, i32
  }
  func.func @transform_4(%arg0: i32) -> (i32, i32) {
    %c0_i32 = arith.constant 0 : i32
    %c0_i32_0 = arith.constant 0 : i32
    return %arg0, %c0_i32 : i32, i32
  }
  func.func @transform_5(%arg0: i32) -> (i32, i32) {
    %c0_i32 = arith.constant 0 : i32
    %c0_i32_0 = arith.constant 0 : i32
    return %arg0, %c0_i32 : i32, i32
  }
}

module attributes {stable_mosaic.version = 14 : i64} {
  func.func @_self_body(%arg0: i32, %arg1: memref<2000x128xf32, #tpu.memory_space<vmem>>, %arg2: memref<128x128xf32, #tpu.memory_space<vmem>>, %arg3: memref<1x128xf32, #tpu.memory_space<vmem>>, %arg4: memref<2000x128xf32, #tpu.memory_space<vmem>>) attributes {dimension_semantics = [#tpu.dimension_semantics<arbitrary>], iteration_bounds = array<i64: 5>, scalar_prefetch = 0 : i64, scratch_operands = 0 : i64, tpu.core_type = #tpu.core_type<tc>, window_params = [{transform_indices = @transform_0, window_bounds = array<i64: 2000, 128>}, {pipeline_mode = #tpu.pipeline_mode<synchronous>, transform_indices = @transform_1, window_bounds = array<i64: 128, 128>}, {pipeline_mode = #tpu.pipeline_mode<synchronous>, transform_indices = @transform_2, window_bounds = array<i64: 1, 128>}, {transform_indices = @transform_3, window_bounds = array<i64: 2000, 128>}]} {
    %get3A = arith.constant 0 : index
    %get3A_0 = arith.constant 0 : index
    %get3A_1 = vector.load %arg1[%get3A, %get3A_0] : memref<2000x128xf32, #tpu.memory_space<vmem>>, vector<2000x128xf32>
    %get3A_2 = arith.constant 0 : index
    %get3A_3 = arith.constant 0 : index
    %get3A_4 = vector.load %arg2[%get3A_2, %get3A_3] : memref<128x128xf32, #tpu.memory_space<vmem>>, vector<128x128xf32>
    %dot_general3A = arith.constant dense<0.000000e+00> : vector<2000x128xf32>
    %dot_general3A_5 = tpu.matmul %get3A_1, %get3A_4, %dot_general3A {dimension_numbers = #tpu.dot_dimension_numbers<[1], [0], [0], [1], [0, 0, 1, 1], [], []>, transpose_lhs_hint = false} : vector<2000x128xf32>, vector<128x128xf32>, vector<2000x128xf32> -> vector<2000x128xf32>
    %get3A_6 = arith.constant 0 : index
    %get3A_7 = arith.constant 0 : index
    %get3A_8 = vector.load %arg3[%get3A_6, %get3A_7] : memref<1x128xf32, #tpu.memory_space<vmem>>, vector<1x128xf32>
    %add3A = vector.broadcast %get3A_8 : vector<1x128xf32> to vector<2000x128xf32>
    %add3A_9 = arith.addf %dot_general3A_5, %add3A : vector<2000x128xf32>
    %swap3A = arith.constant 0 : index
    %swap3A_10 = arith.constant 0 : index
    %swap3A_11 = vector.load %arg4[%swap3A, %swap3A_10] : memref<2000x128xf32, #tpu.memory_space<vmem>>, vector<2000x128xf32>
    tpu.vector_store %arg4[%swap3A, %swap3A_10], %add3A_9 {strides = array<i32>} : memref<2000x128xf32, #tpu.memory_space<vmem>>, vector<2000x128xf32>,
    return
  }
  func.func @transform_0(%arg0: i32) -> (i32, i32) {
    %c0_i32 = arith.constant 0 : i32
    %c0_i32_0 = arith.constant 0 : i32
    return %arg0, %c0_i32 : i32, i32
  }
  func.func @transform_1(%arg0: i32) -> (i32, i32) {
    %c0_i32 = arith.constant 0 : i32
    %c0_i32_0 = arith.constant 0 : i32
    %c0_i32_1 = arith.constant 0 : i32
    return %c0_i32, %c0_i32_0 : i32, i32
  }
  func.func @transform_2(%arg0: i32) -> (i32, i32) {
    %c0_i32 = arith.constant 0 : i32
    %c0_i32_0 = arith.constant 0 : i32
    %c0_i32_1 = arith.constant 0 : i32
    return %c0_i32, %c0_i32_0 : i32, i32
  }
  func.func @transform_3(%arg0: i32) -> (i32, i32) {
    %c0_i32 = arith.constant 0 : i32
    %c0_i32_0 = arith.constant 0 : i32
    return %arg0, %c0_i32 : i32, i32
  }
}

module attributes {stable_mosaic.version = 14 : i64} {
  func.func @_layer2_body(%arg0: i32, %arg1: memref<2000x128xf32, #tpu.memory_space<vmem>>, %arg2: memref<2x2000x128xf32, #tpu.memory_space<vmem>>, %arg3: memref<2000x1xf32, #tpu.memory_space<vmem>>, %arg4: memref<128x128xf32, #tpu.memory_space<vmem>>, %arg5: memref<128x64xf32, #tpu.memory_space<vmem>>, %arg6: memref<1x64xf32, #tpu.memory_space<vmem>>, %arg7: memref<2000x128xf32, #tpu.memory_space<vmem>>, %arg8: memref<2000x64xf32, #tpu.memory_space<vmem>>) attributes {dimension_semantics = [#tpu.dimension_semantics<arbitrary>], iteration_bounds = array<i64: 5>, scalar_prefetch = 0 : i64, scratch_operands = 0 : i64, tpu.core_type = #tpu.core_type<tc>, window_params = [{transform_indices = @transform_0, window_bounds = array<i64: 2000, 128>}, {transform_indices = @transform_1, window_bounds = array<i64: 2, 2000, 128>}, {transform_indices = @transform_2, window_bounds = array<i64: 2000, 1>}, {pipeline_mode = #tpu.pipeline_mode<synchronous>, transform_indices = @transform_3, window_bounds = array<i64: 128, 128>}, {pipeline_mode = #tpu.pipeline_mode<synchronous>, transform_indices = @transform_4, window_bounds = array<i64: 128, 64>}, {pipeline_mode = #tpu.pipeline_mode<synchronous>, transform_indices = @transform_5, window_bounds = array<i64: 1, 64>}, {transform_indices = @transform_6, window_bounds = array<i64: 2000, 128>}, {transform_indices = @transform_7, window_bounds = array<i64: 2000, 64>}]} {
    %get3A = arith.constant 0 : index
    %get3A_0 = arith.constant 0 : index
    %get3A_1 = arith.constant 0 : index
    %get3A_2 = vector.load %arg2[%get3A, %get3A_0, %get3A_1] : memref<2x2000x128xf32, #tpu.memory_space<vmem>>, vector<1x2000x128xf32>
    %get3A_3 = vector.shape_cast %get3A_2 : vector<1x2000x128xf32> to vector<2000x128xf32>
    %get3A_4 = arith.constant 1 : index
    %get3A_5 = arith.constant 0 : index
    %get3A_6 = arith.constant 0 : index
    %get3A_7 = vector.load %arg2[%get3A_4, %get3A_5, %get3A_6] : memref<2x2000x128xf32, #tpu.memory_space<vmem>>, vector<1x2000x128xf32>
    %get3A_8 = vector.shape_cast %get3A_7 : vector<1x2000x128xf32> to vector<2000x128xf32>
    %add3A = arith.addf %get3A_3, %get3A_8 : vector<2000x128xf32>
    %get3A_9 = arith.constant 0 : index
    %get3A_10 = arith.constant 0 : index
    %get3A_11 = vector.load %arg3[%get3A_9, %get3A_10] : memref<2000x1xf32, #tpu.memory_space<vmem>>, vector<2000x1xf32>
    %mul3A = vector.broadcast %get3A_11 : vector<2000x1xf32> to vector<2000x128xf32>
    %mul3A_12 = arith.mulf %add3A, %mul3A : vector<2000x128xf32>
    %get3A_13 = arith.constant 0 : index
    %get3A_14 = arith.constant 0 : index
    %get3A_15 = vector.load %arg1[%get3A_13, %get3A_14] : memref<2000x128xf32, #tpu.memory_space<vmem>>, vector<2000x128xf32>
    %get3A_16 = arith.constant 0 : index
    %get3A_17 = arith.constant 0 : index
    %get3A_18 = vector.load %arg4[%get3A_16, %get3A_17] : memref<128x128xf32, #tpu.memory_space<vmem>>, vector<128x128xf32>
    %dot_general3A = arith.constant dense<0.000000e+00> : vector<2000x128xf32>
    %dot_general3A_19 = tpu.matmul %mul3A_12, %get3A_18, %dot_general3A {dimension_numbers = #tpu.dot_dimension_numbers<[1], [0], [0], [1], [0, 0, 1, 1], [], []>, transpose_lhs_hint = false} : vector<2000x128xf32>, vector<128x128xf32>, vector<2000x128xf32> -> vector<2000x128xf32>
    %add3A_20 = arith.addf %get3A_15, %dot_general3A_19 : vector<2000x128xf32>
    %max3A = arith.constant 0.000000e+00 : f32
    %max3A_21 = vector.broadcast %max3A : f32 to vector<2000x128xf32>
    %max3A_22 = arith.maximumf %add3A_20, %max3A_21 : vector<2000x128xf32>
    %swap3A = arith.constant 0 : index
    %swap3A_23 = arith.constant 0 : index
    %swap3A_24 = vector.load %arg7[%swap3A, %swap3A_23] : memref<2000x128xf32, #tpu.memory_space<vmem>>, vector<2000x128xf32>
    tpu.vector_store %arg7[%swap3A, %swap3A_23], %max3A_22 {strides = array<i32>} : memref<2000x128xf32, #tpu.memory_space<vmem>>, vector<2000x128xf32>,
    %get3A_25 = arith.constant 0 : index
    %get3A_26 = arith.constant 0 : index
    %get3A_27 = vector.load %arg5[%get3A_25, %get3A_26] : memref<128x64xf32, #tpu.memory_space<vmem>>, vector<128x64xf32>
    %dot_general3A_28 = arith.constant dense<0.000000e+00> : vector<2000x64xf32>
    %dot_general3A_29 = tpu.matmul %max3A_22, %get3A_27, %dot_general3A_28 {dimension_numbers = #tpu.dot_dimension_numbers<[1], [0], [0], [1], [0, 0, 1, 1], [], []>, transpose_lhs_hint = false} : vector<2000x128xf32>, vector<128x64xf32>, vector<2000x64xf32> -> vector<2000x64xf32>
    %get3A_30 = arith.constant 0 : index
    %get3A_31 = arith.constant 0 : index
    %get3A_32 = vector.load %arg6[%get3A_30, %get3A_31] : memref<1x64xf32, #tpu.memory_space<vmem>>, vector<1x64xf32>
    %add3A_33 = vector.broadcast %get3A_32 : vector<1x64xf32> to vector<2000x64xf32>
    %add3A_34 = arith.addf %dot_general3A_29, %add3A_33 : vector<2000x64xf32>
    %swap3A_35 = arith.constant 0 : index
    %swap3A_36 = arith.constant 0 : index
    %swap3A_37 = vector.load %arg8[%swap3A_35, %swap3A_36] : memref<2000x64xf32, #tpu.memory_space<vmem>>, vector<2000x64xf32>
    tpu.vector_store %arg8[%swap3A_35, %swap3A_36], %add3A_34 {strides = array<i32>} : memref<2000x64xf32, #tpu.memory_space<vmem>>, vector<2000x64xf32>,
    return
  }
  func.func @transform_0(%arg0: i32) -> (i32, i32) {
    %c0_i32 = arith.constant 0 : i32
    %c0_i32_0 = arith.constant 0 : i32
    return %arg0, %c0_i32 : i32, i32
  }
  func.func @transform_1(%arg0: i32) -> (i32, i32, i32) {
    %c0_i32 = arith.constant 0 : i32
    %c0_i32_0 = arith.constant 0 : i32
    %c0_i32_1 = arith.constant 0 : i32
    return %c0_i32, %arg0, %c0_i32_0 : i32, i32, i32
  }
  func.func @transform_2(%arg0: i32) -> (i32, i32) {
    %c0_i32 = arith.constant 0 : i32
    %c0_i32_0 = arith.constant 0 : i32
    return %arg0, %c0_i32 : i32, i32
  }
  func.func @transform_3(%arg0: i32) -> (i32, i32) {
    %c0_i32 = arith.constant 0 : i32
    %c0_i32_0 = arith.constant 0 : i32
    %c0_i32_1 = arith.constant 0 : i32
    return %c0_i32, %c0_i32_0 : i32, i32
  }
  func.func @transform_4(%arg0: i32) -> (i32, i32) {
    %c0_i32 = arith.constant 0 : i32
    %c0_i32_0 = arith.constant 0 : i32
    %c0_i32_1 = arith.constant 0 : i32
    return %c0_i32, %c0_i32_0 : i32, i32
  }
  func.func @transform_5(%arg0: i32) -> (i32, i32) {
    %c0_i32 = arith.constant 0 : i32
    %c0_i32_0 = arith.constant 0 : i32
    %c0_i32_1 = arith.constant 0 : i32
    return %c0_i32, %c0_i32_0 : i32, i32
  }
  func.func @transform_6(%arg0: i32) -> (i32, i32) {
    %c0_i32 = arith.constant 0 : i32
    %c0_i32_0 = arith.constant 0 : i32
    return %arg0, %c0_i32 : i32, i32
  }
  func.func @transform_7(%arg0: i32) -> (i32, i32) {
    %c0_i32 = arith.constant 0 : i32
    %c0_i32_0 = arith.constant 0 : i32
    return %arg0, %c0_i32 : i32, i32
  }
}

</mosaic_0001>

<sc_bundles>
// kernel: kernel.11.cloned.1.call-start
scs
__scs_entry_jumppad:
0x0: {  	(pc) =	sbr.rel $0x88, $3  }
0x1: {  	(tag) =	ssettag $0x0;
	lr =	simm.s32 $0x1  }
0x2: {  	[smem:$0x3F97] =	sst lr;
	_ =	strace $0xD0000000  }
0x3: {  	_ = 	snop  }
0x4: {  	_ = 	snop  }
0x5: {  	_ = 	snop  }
0x6: {  	_ = 	snop  }
0x7: {  	_ = 	snop  }
__scs_overlays_trampoline_lowered:
0x8: {  	[smem:$0x3FA6] =	sst s0  }
0x9: {  	[smem:$0x3FA7] =	sst s1  }
0xa: {  	[smem:$0x3FA8] =	sst s2  }
0xb: {  	[smem:$0x3FA9] =	sst s3  }
0xc: {  	[smem:$0x3FAA] =	sst s4  }
0xd: {  	[smem:$0x3FAB] =	sst s5  }
0xe: {  	[smem:$0x3FAC] =	sst s6  }
0xf: {  	[smem:$0x3FAD] =	sst s7  }
0x10: {  	[smem:$0x3FAE] =	sst s8  }
0x11: {  	[smem:$0x3FAF] =	sst s9;
	s0 =	simm.s32 @!p0 $0x0  }
0x12: {  	s1 =	sld [smem:$0x3F95];
	s0 =	simm.s32 @p0 $0x1  }
0x13: {  	[smem:$0x3FB0] =	sst s0;
	s0 =	simm.s32 @!p1 $0x0  }
0x14: {  	s2 =	sld [smem:$0x3F94];
	s0 =	simm.s32 @p1 $0x1  }
0x15: {  	[smem:$0x3FB1] =	sst s0;
	s0 =	simm.s32 @!p2 $0x0  }
0x16: {  	s3 =	sld [smem:$0x3FDB];
	s0 =	simm.s32 @p2 $0x1  }
0x17: {  	s4 =	simm.s32 $0x1BF5;
	[smem:$0x3FB3] =	sst s0  }
0x18: {  	s0 =	sld [smem:$0x3F96];
	_ =	swait.ge [sflag:s4], $0x0  }
0x19: {  	s7 =	sld [smem:$0x3F97]  }
0x1a: {  	s8 =	sadd.s32 $0xFFFFE003, lr  }
0x1b: {  	s9 =	sadd.s32 $0xFFFFFEF7, lr;
	s5 =	simm.s32 $0xFFFFFFFF;
	p2 =	slt.u32 s8, $0xFFFFF086  }
0x1c: {  	p1 =	slt.u32 s9, $0xF7A;
	s5 =	simm.s32 @!p2 $0x0  }
0x1d: {  	s5 =	simm.s32 @p1 $0x1;
	p0 =	seq.s32 s7, s2  }
0x1e: {  	s7 =	smul.u32 @!p0 $0xF7A, s2;
	p2 =	seq.s32 @!p0 s5, $0x0  }
0x1f: {  	s9 =	smul.u32 $0xF7A, s1;
	s8 =	simm.s32 @!p0 $0x1BF5;
	p2 =	por !p2, p0  }
0x20: {  	[sflag:s8] =	ssyncset.s32 @!p0 $0xFFFFF086;
	s6 =	sadd.s32 @!p0 s3, s7;
	s7 =	simm.s32 @!p0 $0x108  }
0x21: {  	s3 =	sadd.s32 s3, s9;
	s6 =	sadd.s32 @!p0 $0x88, s6;
	s7 =	simm.s32 @p2 $0x1082  }
0x22: {  	[simem:s7], [sflag:s8] =	dma.local @!p0 [hbm:s6], $0xF7A  }
0x23: {  	s9 =	sor.u32 $0xD0000000, s2;
	s6 =	simm.s32 $0x108;
	_ =	swait.ge @!p0 [sflag:s8], $0x0  }
0x24: {  	s3 =	sadd.s32 $0x88, s3;
	s6 =	simm.s32 @!p1 $0x1082;
	[sflag:s4] =	ssyncset.s32 $0xFFFFF086  }
0x25: {  	[simem:s6], [sflag:s4] =	dma.local [hbm:s3], $0xF7A  }
0x26: {  	[smem:$0x3F97] =	sst s1;
	(tag) =	ssettag s2;
	_ =	strace s9  }
0x27: {  	s1 =	sld [smem:$0x3FA7]  }
0x28: {  	s2 =	sld [smem:$0x3FA8]  }
0x29: {  	s4 =	sld [smem:$0x3FAA]  }
0x2a: {  	p0 =	seq.s32 s5, $0x0;
	s5 =	sld [smem:$0x3FAB]  }
0x2b: {  	s6 =	sld [smem:$0x3FAC]  }
0x2c: {  	s7 =	sld [smem:$0x3FAD]  }
0x2d: {  	s3 =	simm.s32 $0x108;
	s8 =	sld [smem:$0x3FAE]  }
0x2e: {  	s3 =	simm.s32 @!p0 $0x1082;
	s9 =	sld [smem:$0x3FAF]  }
0x2f: {  	lr =	sadd.s32 s0, s3;
	s0 =	sld [smem:$0x3FA6]  }
0x30: {  	s3 =	sld [smem:$0x3FA9]  }
0x31: {  	[smem:$0x3FB2] =	sst s10  }
0x32: {  	s10 =	sld [smem:$0x3FB0];
	_ =	sdelay $0x3  }
0x33: {  	p0 =	seq.s32 s10, $0x1;
	s10 =	sld [smem:$0x3FB2];
	_ =	sdelay $0x3  }
0x34: {  	[smem:$0x3FB2] =	sst s10  }
0x35: {  	s10 =	sld [smem:$0x3FB1];
	_ =	sdelay $0x3  }
0x36: {  	p1 =	seq.s32 s10, $0x1;
	s10 =	sld [smem:$0x3FB2];
	_ =	sdelay $0x3  }
0x37: {  	[smem:$0x3FB2] =	sst s10  }
0x38: {  	s10 =	sld [smem:$0x3FB3]  }
0x39: {  	_ = 	snop;
	(pc) =	sbr.ind lr, $3  }
0x3a: {  	_ = 	snop  }
0x3b: {  	_ = 	snop  }
0x3c: {  	p2 =	seq.s32 s10, $0x1;
	s10 =	sld [smem:$0x3FB2]  }
0x3d: {  	_ =	shalt  }
0x3e: {  	_ =	shalt  }
0x3f: {  	_ =	shalt  }
0x40: {  	_ =	shalt  }
0x41: {  	_ =	shalt  }
0x42: {  	_ =	shalt  }
0x43: {  	_ =	shalt  }
0x44: {  	_ =	shalt  }
0x45: {  	_ =	shalt  }
0x46: {  	_ =	shalt  }
0x47: {  	_ =	shalt  }
0x48: {  	_ =	shalt  }
0x49: {  	_ =	shalt  }
0x4a: {  	_ =	shalt  }
0x4b: {  	_ =	shalt  }
0x4c: {  	_ =	shalt  }
0x4d: {  	_ =	shalt  }
0x4e: {  	_ =	shalt  }
0x4f: {  	_ =	shalt  }
0x50: {  	_ =	shalt  }
0x51: {  	_ =	shalt  }
0x52: {  	_ =	shalt  }
0x53: {  	_ =	shalt  }
0x54: {  	_ =	shalt  }
0x55: {  	_ =	shalt  }
0x56: {  	_ =	shalt  }
0x57: {  	_ =	shalt  }
0x58: {  	_ =	shalt  }
0x59: {  	_ =	shalt  }
0x5a: {  	_ =	shalt  }
0x5b: {  	_ =	shalt  }
0x5c: {  	_ =	shalt  }
0x5d: {  	_ =	shalt  }
0x5e: {  	_ =	shalt  }
0x5f: {  	_ =	shalt  }
0x60: {  	_ =	shalt  }
0x61: {  	_ =	shalt  }
0x62: {  	_ =	shalt  }
0x63: {  	_ =	shalt  }
0x64: {  	_ =	shalt  }
0x65: {  	_ =	shalt  }
0x66: {  	_ =	shalt  }
0x67: {  	_ =	shalt  }
0x68: {  	_ =	shalt  }
0x69: {  	_ =	shalt  }
0x6a: {  	_ =	shalt  }
0x6b: {  	_ =	shalt  }
0x6c: {  	_ =	shalt  }
0x6d: {  	_ =	shalt  }
0x6e: {  	_ =	shalt  }
0x6f: {  	_ =	shalt  }
0x70: {  	_ =	shalt  }
0x71: {  	_ =	shalt  }
0x72: {  	_ =	shalt  }
0x73: {  	_ =	shalt  }
0x74: {  	_ =	shalt  }
0x75: {  	_ =	shalt  }
0x76: {  	_ =	shalt  }
0x77: {  	_ =	shalt  }
0x78: {  	_ =	shalt  }
0x79: {  	_ =	shalt  }
0x7a: {  	_ =	shalt  }
0x7b: {  	_ =	shalt  }
0x7c: {  	_ =	shalt  }
0x7d: {  	_ =	shalt  }
0x7e: {  	_ =	shalt  }
0x7f: {  	_ =	shalt  }
0x80: {  	_ =	shalt  }
0x81: {  	_ =	shalt  }
0x82: {  	_ =	shalt  }
0x83: {  	_ =	shalt  }
0x84: {  	_ =	shalt  }
0x85: {  	_ =	shalt  }
0x86: {  	_ =	shalt  }
0x87: {  	_ =	shalt  }
.Lfunc_end0:
.L_simem_size_0:
called_computation.1_lowered:
.L_overlay_start_0:
0x88: {  	s2 =	sld [smem:$0x3FD9]  }
0x89: {  	s3 =	sld [smem:$0x3FFE];
	_ =	sdelay $0x1  }
0x8a: {  	s1 =	srdreg.scid  }
0x8b: {  	s0 =	sand.u32 $0x1, s1  }
0x8c: {  	s14 =	sshll.u32 s0, $0xA;
	s2 =	sadd.s32 s3, s2  }
0x8d: {  	s2 =	sadd.s32 s2, s14  }
0x8e: {  	[smem:$0x3FBE] =	sst s2  }
0x8f: {  	_ = 	snop  }
0x90: {  	s2 =	sld [smem:$0x3FD0];
	_ =	sdelay $0x2  }
0x91: {  	s15 =	simm.s32 $0xA;
	s4 =	simm.s32 $0x10  }
0x92: {  	[smem:s4], [sflag:s15] =	dma.local [hbm:s2], $0x1  }
0x93: {  	_ =	swait.eq [sflag:s15], $0x1  }
0x94: {  	[sflag:s15] =	ssyncset.done $0x0  }
0x95: {  	s16 =	sld [smem:$0x10];
	[sflag:s15] =	ssyncadd.s32 $0xFFFFFFFF  }
0x96: {  	s17 =	sld [smem:$0x11];
	(tm) =	ssettm $0x1  }
0x97: {  	s18 =	sld [smem:$0x3FFB];
	_ =	sdelay $0x3  }
0x98: {  	_ =	strace s18  }
0x99: {  	s4 =	sld [smem:$0x3FFC];
	_ =	sdelay $0x3  }
0x9a: {  	_ =	strace s4  }
0x9b: {  	s4 =	sld [smem:$0x3FFD];
	_ =	sdelay $0x3  }
0x9c: {  	_ =	strace s4  }
0x9d: {  	_ =	strace $0x8FFFFFFF  }
0x9e: {  	s19 =	sld [smem:$0x3FDB];
	_ =	sdelay $0x1  }
0x9f: {  	s5 =	simm.s32 $_scs_section_size  }
0xa0: {  	s6 =	simm.s32 $_size__tile_overlayer_lowered;
	s7 =	simm.s32 $_tile_overlayer_lowered  }
0xa1: {  	s22 =	simm.s32 $0x1BFF;
	s21 =	sshll.u32 s7, $0x1;
	s4 =	sadd.s32 s5, s19  }
0xa2: {  	s8 =	simm.s32 $0x0;
	s20 =	sshll.u32 s6, $0x1;
	s6 =	sadd.s32 s21, s4  }
0xa3: {  	[timem:s8], [sflag:s22] =	dma.local [hbm:s6], s20  }
0xa4: {  	_ =	swait.ge [sflag:s22], s20  }
0xa5: {  	s5 =	ssub.s32 $0x0, s20;
	[sflag:s22] =	ssyncset.done $0x0  }
0xa6: {  	[sflag:s22] =	ssyncadd.s32 s5;
	_ =	sdelay $0x1  }
0xa7: {  	s23 =	simm.s32 $0x1B8B  }
0xa8: {  	_ =	swait.ge [sflag:s23], $0x1  }
0xa9: {  	[sflag:s23] =	ssyncset.done $0x0  }
0xaa: {  	s25 =	simm.s32 $0x1B8E;
	s24 =	sld [smem:$0x3FFE];
	[sflag:s23] =	ssyncadd.s32 $0xFFFFFFFF  }
0xab: {  	s26 =	simm.s32 $execute0_lowered;
	[smem:$0x3FD2] =	sst s25  }
0xac: {  	s6 =	sshll.u32 s26, $0x1;
	_ =	strace $0x80000049;
	[dreg:$0x1] =	wrdreg $0xFFFFFFFF  }
0xad: {  	s28 =	simm.s32 $_size_execute0_lowered;
	s4 =	sadd.s32 s4, s6;
	[dreg:$0x0] =	wrdreg $0x0  }
0xae: {  	s6 =	sshll.u32 s28, $0x1;
	[dreg:$0x2] =	wrdreg s4  }
0xaf: {  	[dreg:$0x3] =	wrdreg s6  }
0xb0: {  	[dreg:$0x4] =	wrdreg $0xC0  }
0xb1: {  	_ =	task [dreg:s8], $0x5FFFF  }
0xb2: {  	[dreg:$0x1] =	wrdreg $0xFFFFFFFF  }
0xb3: {  	[dreg:$0x0] =	wrdreg $0x60  }
0xb4: {  	[dreg:$0x2] =	wrdreg s17  }
0xb5: {  	[dreg:$0x3] =	wrdreg s24  }
0xb6: {  	[dreg:$0x4] =	wrdreg s16  }
0xb7: {  	[dreg:$0x5] =	wrdreg $0x9F000  }
0xb8: {  	[dreg:$0x6] =	wrdreg $0x9  }
0xb9: {  	_ =	task.clear_ibuf [dreg:s8], $0x7FFFF;
	_ =	strace $0x90000049  }
0xba: {  	s29 =	simm.s32 $0x9;
	_ =	strace $0x8000004B  }
0xbb: {  	_ =	swait.ge [sflag:s29], $0x1  }
0xbc: {  	[sflag:s29] =	ssyncadd.s32 $0xFFFFFFFF  }
0xbd: {  	_ =	strace $0x9000004B  }
0xbe: {  	_ =	sfence  }
0xbf: {  	s30 =	sld [smem:$0x0];
	_ =	sdelay $0x2  }
0xc0: {  	s31 =	sshll.u32 s1, $0xD;
	s1 =	sshrl.u32 s1, $0x2  }
0xc1: {  	s3 =	sand.u32 $0x4000, s31;
	s1 =	sadd.s32 s1, s30  }
0xc2: {  	s0 =	sor.u32 s3, s0;
	s1 =	sshll.u32 s1, $0x11  }
0xc3: {  	s0 =	sor.u32 s1, s0  }
0xc4: {  	s0 =	sadd.s32 $0x8F2B, s0  }
0xc5: {  	[sflag:s0] =	ssyncadd.remote.s32 $0x1  }
0xc6: {  	_ =	sfence.sel $0xFFFF  }
0xc7: {  	[dreg:$0x0] =	wrdreg $0xFFFFFFFF;
	(pc) =	sbr.abs _section_cstart, $3  }
0xc8: {  	[dreg:$0x1] =	wrdreg $0xFFFFFFFF  }
0xc9: {  	_ =	task.clear_ibuf [dreg:s8], $0x2FFFF;
	_ =	strace $0x9FFFFFFF  }
0xca: {  	(tm) =	ssettm $0x7FFFFFFF  }
0xcb: {  	_ =	shalt  }
tec
execute0_lowered:
.L_overlay_start_1:
0x0: {  	(tag) =	ssettag $0x1  }
0x1: {  	s0 =	rddreg [dreg:$0x0]  }
0x2: {  	s1 =	rddreg [dreg:$0x1]  }
0x3: {  	s2 =	srdreg.scid;
	s5 =	rddreg [dreg:$0x2]  }
0x4: {  	s3 =	rddreg [dreg:$0x3];
	s11 =	stileid.u32;
	s4 =	simm.s32 $0x0  }
0x5: {  	s28 =	simm.s32 $0x1;
	s29 =	simm.s32 $0x2;
	s30 =	simm.s32 $0x50  }
0x6: {  	s31 =	simm.s32 $0x7700;
	s2 =	sand.u32 $0x1, s2;
	s9 =	smul.u32 $0x50000, s11  }
0x7: {  	[smem:$0x7FF] =	sst s4;
	s14 =	smul.u32 $0x14000, s11;
	s6 =	sshll.u32 s2, $0x4  }
0x8: {  	_ =	strace $0x8000004A;
	s8 =	ssub.s32 $0x2, s2;
	s2 =	smul.u32 $0x140000, s2  }
0x9: {  	s6 =	sor.u32 s11, s6;
	s10 =	sshrl.u32 s8, $0x1;
	s15 =	sshrl.u32 s9, $0x2  }
0xa: {  	s16 =	sor.u32 $0x2800, s14;
	s17 =	sadd.s32 $0x5000, s14;
	s18 =	sadd.s32 $0x7800, s14  }
0xb: {  	s19 =	sadd.s32 $0xA000, s14;
	s20 =	sadd.s32 $0xC800, s14;
	s21 =	sadd.s32 $0xF000, s14  }
0xc: {  	s22 =	sadd.s32 $0x11800, s14;
	s6 =	smul.u32 $0x4E2, s6;
	s23 =	ssub.s32 s8, s10  }
0xd: {  	s8 =	sadd.s32 s16, s3;
	s9 =	sadd.s32 s17, s3;
	s10 =	sadd.s32 s18, s3  }
0xe: {  	s11 =	sadd.s32 s19, s3;
	s12 =	sadd.s32 s20, s3;
	s13 =	sadd.s32 s21, s3  }
0xf: {  	s17 =	sadd.s32 s2, s17;
	s18 =	sadd.s32 s2, s18;
	s19 =	sadd.s32 s2, s19  }
0x10: {  	s25 =	sadd.s32 s2, s20;
	s21 =	sadd.s32 s2, s21;
	s24 =	sshrl.u32 s18, $0x3  }
0x11: {  	s19 =	sshrl.u32 s19, $0x3;
	s26 =	sshrl.u32 s21, $0x3;
	s23 =	smax.u32 s23, $0x1  }
0x12: {  	s7 =	sadd.s32 s6, s1;
	s1 =	sadd.s32 $0xC200, s1;
	s5 =	sadd.s32 s5, s6  }
0x13: {  	s7 =	sadd.s32 $0x2400, s7;
	[dreg:$0x6] =	wrdreg s5;
	s5 =	sadd.s32 s2, s16  }
0x14: {  	s18 =	sadd.s32 s1, s24;
	s19 =	sadd.s32 s1, s19;
	s21 =	sadd.s32 s1, s26  }
0x15: {  	s26 =	simm.s32 $0x3;
	[dreg:$0x5] =	wrdreg s7;
	s7 =	sadd.s32 s15, s3  }
0x16: {  	s15 =	sadd.s32 s14, s2;
	s14 =	sadd.s32 s22, s3;
	s5 =	sshrl.u32 s5, $0x3  }
0x17: {  	s2 =	sadd.s32 s2, s22;
	s15 =	sshrl.u32 s15, $0x3;
	s16 =	sadd.s32 s1, s5  }
0x18: {  	s5 =	sshrl.u32 s17, $0x3;
	s2 =	sshrl.u32 s2, $0x3;
	s15 =	sadd.s32 s1, s15  }
0x19: {  	s17 =	sadd.s32 s1, s5;
	s5 =	sshrl.u32 s25, $0x3;
	s22 =	sadd.s32 s1, s2  }
0x1a: {  	v0 =	vimm.f32 $0.0e+00;
	s25 =	simm.s32 $0x4F00;
	s2 =	simm.s32 $0x0;
	s20 =	sadd.s32 s1, s5  }
.LBB2_1:
0x1b: {  	s1 =	rddreg [dreg:$0x5]  }
0x1c: {  	[tilespmem:s4], [sflag:$0x1] =	stream.linear.gather [hbm4b:s1+s4], $0x2710, $0x38;
	[tilespmem:$0x1DF00] =	vst v63  }
0x1d: {  	s24 =	rddreg [dreg:$0x6];
	s5 =	simm.s32 $0x2780  }
0x1e: {  	[tilespmem:s5], [sflag:$0x2] =	stream.linear.gather [hbm4b:s24+s4], $0x2710, $0x38;
	[tilespmem:$0x1DF00] =	vst v63  }
0x1f: {  	s5 =	sand.u32 $0xFE00, s4  }
0x20: {  	s6 =	sand.u32 $0x70, s4;
	s1 =	sshrl.u32 s5, $0x2  }
0x21: {  	s24 =	simm.s32 $0x40;
	s5 =	sor.u32 s6, s1;
	s1 =	simm.s32 $0x0  }
.LBB2_2:
0x22: {  	p0 =	sne.s32 s24, $0x9FC0  }
0x23: {  	[tilespmem:s5+$0x4F00] =	vst v0;
	s1 =	sadd.s32 $0x10, s1;
	s5 =	smov.u32 s24;
	s24 =	sadd.s32 $0x40, s24  }
.Ltmp0:
0x24: {  	(pc) =	sbr.rel @p0 .LBB2_2-.Ltmp0, $4  }
0x25: {  	_ = 	snop  }
0x26: {  	s5 =	sand.u32 $0xFE00, s5  }
0x27: {  	s6 =	sand.u32 $0x70, s1;
	s5 =	sshrl.u32 s5, $0x2  }
0x28: {  	s5 =	sor.u32 s6, s5  }
0x29: {  	[tilespmem:s5+$0x4F00] =	vst v0  }
0x2a: {  	[spmem:s7] =	stream.linear.scatter [tilespmem:s25], [sflag:$0x3], $0x2800, $0x38;
	[tilespmem:$0x1DF00] =	vst v63  }
0x2b: {  	_ =	swait.ge [sflag:s26], $0x2800  }
0x2c: {  	[sflag:s26] =	ssyncset.done $0x0  }
0x2d: {  	[sflag:s26] =	ssyncadd.s32 $0xFFFFD800  }
0x2e: {  	[spmem:s8] =	stream.linear.scatter [tilespmem:s25], [sflag:$0x3], $0x2800, $0x38;
	[tilespmem:$0x1DF00] =	vst v63  }
0x2f: {  	_ =	swait.ge [sflag:s26], $0x2800  }
0x30: {  	[sflag:s26] =	ssyncset.done $0x0  }
0x31: {  	[sflag:s26] =	ssyncadd.s32 $0xFFFFD800  }
0x32: {  	[spmem:s9] =	stream.linear.scatter [tilespmem:s25], [sflag:$0x3], $0x2800, $0x38;
	[tilespmem:$0x1DF00] =	vst v63  }
0x33: {  	_ =	swait.ge [sflag:s26], $0x2800  }
0x34: {  	[sflag:s26] =	ssyncset.done $0x0  }
0x35: {  	[sflag:s26] =	ssyncadd.s32 $0xFFFFD800  }
0x36: {  	[spmem:s10] =	stream.linear.scatter [tilespmem:s25], [sflag:$0x3], $0x2800, $0x38;
	[tilespmem:$0x1DF00] =	vst v63  }
0x37: {  	_ =	swait.ge [sflag:s26], $0x2800  }
0x38: {  	[sflag:s26] =	ssyncset.done $0x0  }
0x39: {  	[sflag:s26] =	ssyncadd.s32 $0xFFFFD800  }
0x3a: {  	[spmem:s11] =	stream.linear.scatter [tilespmem:s25], [sflag:$0x3], $0x2800, $0x38;
	[tilespmem:$0x1DF00] =	vst v63  }
0x3b: {  	_ =	swait.ge [sflag:s26], $0x2800  }
0x3c: {  	[sflag:s26] =	ssyncset.done $0x0  }
0x3d: {  	[sflag:s26] =	ssyncadd.s32 $0xFFFFD800  }
0x3e: {  	[spmem:s12] =	stream.linear.scatter [tilespmem:s25], [sflag:$0x3], $0x2800, $0x38;
	[tilespmem:$0x1DF00] =	vst v63  }
0x3f: {  	_ =	swait.ge [sflag:s26], $0x2800  }
0x40: {  	[sflag:s26] =	ssyncset.done $0x0  }
0x41: {  	[sflag:s26] =	ssyncadd.s32 $0xFFFFD800  }
0x42: {  	[spmem:s13] =	stream.linear.scatter [tilespmem:s25], [sflag:$0x3], $0x2800, $0x38;
	[tilespmem:$0x1DF00] =	vst v63  }
0x43: {  	_ =	swait.ge [sflag:s26], $0x2800  }
0x44: {  	[sflag:s26] =	ssyncset.done $0x0  }
0x45: {  	[sflag:s26] =	ssyncadd.s32 $0xFFFFD800  }
0x46: {  	[spmem:s14] =	stream.linear.scatter [tilespmem:s25], [sflag:$0x3], $0x2800, $0x38;
	[tilespmem:$0x1DF00] =	vst v63  }
0x47: {  	_ =	swait.ge [sflag:s26], $0x2800  }
0x48: {  	[sflag:s26] =	ssyncset.done $0x0  }
0x49: {  	[sflag:s26] =	ssyncadd.s32 $0xFFFFD800  }
0x4a: {  	_ =	swait.ge [sflag:s28], $0x2710  }
0x4b: {  	[sflag:s28] =	ssyncset.done $0x0  }
0x4c: {  	[sflag:s28] =	ssyncadd.s32 $0xFFFFD8F0  }
0x4d: {  	_ =	swait.ge [sflag:s29], $0x2710  }
0x4e: {  	[sflag:s29] =	ssyncset.done $0x0  }
0x4f: {  	[sflag:s29] =	ssyncadd.s32 $0xFFFFD8F0  }
0x50: {  	s1 =	simm.s32 $0x0;
	[bflag:$0x0] =	sbarrier.arrive $0xFFFF  }
0x51: {  	[tilespmem:s25], [sflag:$0x1] =	stream.indirect.gather [hbm4b:s0+s30], $0x80, s1, s30, $0xb8;
	[tilespmem:$0x1DF00] =	vst v63  }
0x52: {  	_ =	swait.ge [sflag:s28], $0x2800  }
0x53: {  	[sflag:s28] =	ssyncset.done $0x0  }
0x54: {  	s24 =	simm.s32 $0x50;
	[sflag:s28] =	ssyncadd.s32 $0xFFFFD800  }
0x55: {  	[tilespmem:s31], [sflag:$0x2] =	stream.indirect.gather [hbm4b:s0+s30], $0x80, s24, s30, $0xb8;
	[tilespmem:$0x1DF00] =	vst v63  }
0x56: {  	s5 =	simm.s32 $0x2780  }
0x57: {  	[spmem:s3] =	stream.indirect.scatter.add.f32 [tilespmem:s25], [sflag:$0x3], $0x80, s5, s30, $0xb8;
	[tilespmem:$0x1DF00] =	vst v63  }
0x58: {  	_ =	swait.ge [sflag:s26], $0x2800  }
0x59: {  	[sflag:s26] =	ssyncset.done $0x0  }
0x5a: {  	[sflag:s26] =	ssyncadd.s32 $0xFFFFD800  }
0x5b: {  	_ =	swait.ge [sflag:s29], $0x2800  }
0x5c: {  	[sflag:s29] =	ssyncset.done $0x0  }
0x5d: {  	s6 =	simm.s32 $0xA0;
	[sflag:s29] =	ssyncadd.s32 $0xFFFFD800  }
0x5e: {  	[tilespmem:s25], [sflag:$0x1] =	stream.indirect.gather [hbm4b:s0+s30], $0x80, s6, s30, $0xb8;
	[tilespmem:$0x1DF00] =	vst v63  }
0x5f: {  	s24 =	simm.s32 $0x27D0  }
0x60: {  	[spmem:s3] =	stream.indirect.scatter.add.f32 [tilespmem:s31], [sflag:$0x3], $0x80, s24, s30, $0xb8;
	[tilespmem:$0x1DF00] =	vst v63  }
0x61: {  	_ =	swait.ge [sflag:s26], $0x2800  }
0x62: {  	s24 =	simm.s32 $0x280;
	[sflag:s26] =	ssyncset.done $0x0  }
.LBB2_4:
0x63: {  	p0 =	sne.s32 s24, $0x9880  }
0x64: {  	[sflag:s26] =	ssyncadd.s32 $0xFFFFD800;
	s1 =	smov.u32 s24;
	s24 =	sadd.s32 $0x280, s24  }
0x65: {  	_ = 	snop  }
0x66: {  	_ =	swait.ge [sflag:s28], $0x2800  }
0x67: {  	s1 =	sshra.s32 s1, $0x2;
	[sflag:s28] =	ssyncset.done $0x0  }
0x68: {  	s5 =	sadd.s32 $0x50, s1;
	[sflag:s28] =	ssyncadd.s32 $0xFFFFD800  }
0x69: {  	[tilespmem:s31], [sflag:$0x2] =	stream.indirect.gather [hbm4b:s0+s30], $0x80, s5, s30, $0xb8;
	[tilespmem:$0x1DF00] =	vst v63  }
0x6a: {  	s5 =	sadd.s32 $0x2780, s1  }
0x6b: {  	[spmem:s3] =	stream.indirect.scatter.add.f32 [tilespmem:s25], [sflag:$0x3], $0x80, s5, s30, $0xb8;
	[tilespmem:$0x1DF00] =	vst v63  }
0x6c: {  	_ =	swait.ge [sflag:s26], $0x2800  }
0x6d: {  	[sflag:s26] =	ssyncset.done $0x0  }
0x6e: {  	[sflag:s26] =	ssyncadd.s32 $0xFFFFD800  }
0x6f: {  	_ =	swait.ge [sflag:s29], $0x2800  }
0x70: {  	[sflag:s29] =	ssyncset.done $0x0  }
0x71: {  	s5 =	sadd.s32 $0xA0, s1;
	[sflag:s29] =	ssyncadd.s32 $0xFFFFD800  }
0x72: {  	[tilespmem:s25], [sflag:$0x1] =	stream.indirect.gather [hbm4b:s0+s30], $0x80, s5, s30, $0xb8;
	[tilespmem:$0x1DF00] =	vst v63  }
.Ltmp1:
0x73: {  	_ = 	snop;
	(pc) =	sbr.rel @p0 .LBB2_4-.Ltmp1, $4  }
0x74: {  	s1 =	sadd.s32 $0x27D0, s1  }
0x75: {  	[spmem:s3] =	stream.indirect.scatter.add.f32 [tilespmem:s31], [sflag:$0x3], $0x80, s1, s30, $0xb8;
	[tilespmem:$0x1DF00] =	vst v63  }
0x76: {  	_ =	swait.ge [sflag:s26], $0x2800  }
0x77: {  	[sflag:s26] =	ssyncset.done $0x0  }
0x78: {  	[sflag:s26] =	ssyncadd.s32 $0xFFFFD800  }
0x79: {  	_ =	swait.ge [sflag:s28], $0x2800  }
0x7a: {  	[sflag:s28] =	ssyncset.done $0x0  }
0x7b: {  	s1 =	simm.s32 $0x4E40;
	[sflag:s28] =	ssyncadd.s32 $0xFFFFD800  }
0x7c: {  	[spmem:s3] =	stream.indirect.scatter.add.f32 [tilespmem:s25], [sflag:$0x3], $0x80, s1, s30, $0xb8;
	[tilespmem:$0x1DF00] =	vst v63  }
0x7d: {  	_ =	swait.ge [sflag:s26], $0x2800  }
0x7e: {  	[sflag:s26] =	ssyncset.done $0x0  }
0x7f: {  	[sflag:s26] =	ssyncadd.s32 $0xFFFFD800  }
0x80: {  	[bflag:$0x0] =	sbarrier.arrive $0xFFFF  }
0x81: {  	[tilespmem:s25], [sflag:$0x3] =	stream.linear.gather [spmem:s7], $0x2800, $0x38;
	[tilespmem:$0x1DF00] =	vst v63  }
0x82: {  	_ =	swait.ge [sflag:s26], $0x2800  }
0x83: {  	[sflag:s26] =	ssyncset.done $0x0  }
0x84: {  	[sflag:s26] =	ssyncadd.s32 $0xFFFFD800  }
0x85: {  	[hbm4b:s15+s4] =	stream.linear.scatter [tilespmem:s25], [sflag:$0x3], $0x2800, $0x38;
	[tilespmem:$0x1DF00] =	vst v63  }
0x86: {  	_ =	swait.ge [sflag:s26], $0x2800  }
0x87: {  	[sflag:s26] =	ssyncset.done $0x0  }
0x88: {  	[sflag:s26] =	ssyncadd.s32 $0xFFFFD800  }
0x89: {  	[tilespmem:s25], [sflag:$0x3] =	stream.linear.gather [spmem:s8], $0x2800, $0x38;
	[tilespmem:$0x1DF00] =	vst v63  }
0x8a: {  	_ =	swait.ge [sflag:s26], $0x2800  }
0x8b: {  	[sflag:s26] =	ssyncset.done $0x0  }
0x8c: {  	[sflag:s26] =	ssyncadd.s32 $0xFFFFD800  }
0x8d: {  	[hbm4b:s16+s4] =	stream.linear.scatter [tilespmem:s25], [sflag:$0x3], $0x2800, $0x38;
	[tilespmem:$0x1DF00] =	vst v63  }
0x8e: {  	_ =	swait.ge [sflag:s26], $0x2800  }
0x8f: {  	[sflag:s26] =	ssyncset.done $0x0  }
0x90: {  	[sflag:s26] =	ssyncadd.s32 $0xFFFFD800  }
0x91: {  	[tilespmem:s25], [sflag:$0x3] =	stream.linear.gather [spmem:s9], $0x2800, $0x38;
	[tilespmem:$0x1DF00] =	vst v63  }
0x92: {  	_ =	swait.ge [sflag:s26], $0x2800  }
0x93: {  	[sflag:s26] =	ssyncset.done $0x0  }
0x94: {  	[sflag:s26] =	ssyncadd.s32 $0xFFFFD800  }
0x95: {  	[hbm4b:s17+s4] =	stream.linear.scatter [tilespmem:s25], [sflag:$0x3], $0x2800, $0x38;
	[tilespmem:$0x1DF00] =	vst v63  }
0x96: {  	_ =	swait.ge [sflag:s26], $0x2800  }
0x97: {  	[sflag:s26] =	ssyncset.done $0x0  }
0x98: {  	[sflag:s26] =	ssyncadd.s32 $0xFFFFD800  }
0x99: {  	[tilespmem:s25], [sflag:$0x3] =	stream.linear.gather [spmem:s10], $0x2800, $0x38;
	[tilespmem:$0x1DF00] =	vst v63  }
0x9a: {  	_ =	swait.ge [sflag:s26], $0x2800  }
0x9b: {  	[sflag:s26] =	ssyncset.done $0x0  }
0x9c: {  	[sflag:s26] =	ssyncadd.s32 $0xFFFFD800  }
0x9d: {  	[hbm4b:s18+s4] =	stream.linear.scatter [tilespmem:s25], [sflag:$0x3], $0x2800, $0x38;
	[tilespmem:$0x1DF00] =	vst v63  }
0x9e: {  	_ =	swait.ge [sflag:s26], $0x2800  }
0x9f: {  	[sflag:s26] =	ssyncset.done $0x0  }
0xa0: {  	[sflag:s26] =	ssyncadd.s32 $0xFFFFD800  }
0xa1: {  	[tilespmem:s25], [sflag:$0x3] =	stream.linear.gather [spmem:s11], $0x2800, $0x38;
	[tilespmem:$0x1DF00] =	vst v63  }
0xa2: {  	_ =	swait.ge [sflag:s26], $0x2800  }
0xa3: {  	[sflag:s26] =	ssyncset.done $0x0  }
0xa4: {  	[sflag:s26] =	ssyncadd.s32 $0xFFFFD800  }
0xa5: {  	[hbm4b:s19+s4] =	stream.linear.scatter [tilespmem:s25], [sflag:$0x3], $0x2800, $0x38;
	[tilespmem:$0x1DF00] =	vst v63  }
0xa6: {  	_ =	swait.ge [sflag:s26], $0x2800  }
0xa7: {  	[sflag:s26] =	ssyncset.done $0x0  }
0xa8: {  	[sflag:s26] =	ssyncadd.s32 $0xFFFFD800  }
0xa9: {  	[tilespmem:s25], [sflag:$0x3] =	stream.linear.gather [spmem:s12], $0x2800, $0x38;
	[tilespmem:$0x1DF00] =	vst v63  }
0xaa: {  	_ =	swait.ge [sflag:s26], $0x2800  }
0xab: {  	[sflag:s26] =	ssyncset.done $0x0  }
0xac: {  	[sflag:s26] =	ssyncadd.s32 $0xFFFFD800  }
0xad: {  	[hbm4b:s20+s4] =	stream.linear.scatter [tilespmem:s25], [sflag:$0x3], $0x2800, $0x38;
	[tilespmem:$0x1DF00] =	vst v63  }
0xae: {  	_ =	swait.ge [sflag:s26], $0x2800  }
0xaf: {  	[sflag:s26] =	ssyncset.done $0x0  }
0xb0: {  	[sflag:s26] =	ssyncadd.s32 $0xFFFFD800  }
0xb1: {  	[tilespmem:s25], [sflag:$0x3] =	stream.linear.gather [spmem:s13], $0x2800, $0x38;
	[tilespmem:$0x1DF00] =	vst v63  }
0xb2: {  	_ =	swait.ge [sflag:s26], $0x2800  }
0xb3: {  	[sflag:s26] =	ssyncset.done $0x0  }
0xb4: {  	[sflag:s26] =	ssyncadd.s32 $0xFFFFD800  }
0xb5: {  	[hbm4b:s21+s4] =	stream.linear.scatter [tilespmem:s25], [sflag:$0x3], $0x2800, $0x38;
	[tilespmem:$0x1DF00] =	vst v63  }
0xb6: {  	_ =	swait.ge [sflag:s26], $0x2800  }
0xb7: {  	[sflag:s26] =	ssyncset.done $0x0  }
0xb8: {  	[sflag:s26] =	ssyncadd.s32 $0xFFFFD800  }
0xb9: {  	[tilespmem:s25], [sflag:$0x3] =	stream.linear.gather [spmem:s14], $0x2800, $0x38;
	[tilespmem:$0x1DF00] =	vst v63  }
0xba: {  	s2 =	sadd.s32 $0x1, s2;
	_ =	swait.ge [sflag:s26], $0x2800  }
0xbb: {  	p0 =	sne.s32 s2, s23;
	[sflag:s26] =	ssyncset.done $0x0  }
.Ltmp2:
0xbc: {  	[sflag:s26] =	ssyncadd.s32 $0xFFFFD800;
	(pc) =	sbr.rel @p0 .LBB2_1-.Ltmp2, $4  }
0xbd: {  	[hbm4b:s22+s4] =	stream.linear.scatter [tilespmem:s25], [sflag:$0x3], $0x2800, $0x38;
	[tilespmem:$0x1DF00] =	vst v63  }
0xbe: {  	_ =	swait.ge [sflag:s26], $0x2800  }
0xbf: {  	[sflag:s26] =	ssyncset.done $0x0  }
0xc0: {  	[sflag:s26] =	ssyncadd.s32 $0xFFFFD800  }
0xc1: {  	_ =	sfence.sel $0x180000  }
0xc2: {  	[bflag:$0x0] =	sbarrier.arrive $0xFFFF  }
0xc3: {  	_ =	strace $0x9000004A  }
0xc4: {  	s0 =	stileid.u32;
	[bflag:$0x2] =	sbarrier.arrive $0xFFFF  }
0xc5: {  	p0 =	sne.s32 s0, $0x0;
	s0 =	rddreg [dreg:$0x4]  }
0xc6: {  	s0 =	sadd.s32 @!p0 $0x100000, s0  }
0xc7: {  	[sflag:s0] =	ssyncadd.tile.s32 @!p0 $0x1;
	_ =	shalt  }
.Lfunc_end2:
_tile_overlayer_lowered:
.L_overlay_start_2:
0xc8: {  	(tag) =	ssettag $0x2  }
0xc9: {  	s0 =	rddreg [dreg:$0x0];
	s2 =	stileid.u32  }
0xca: {  	s1 =	rddreg [dreg:$0x1];
	p0 =	sne.s32 s2, $0x0  }
0xcb: {  	s3 =	rddreg [dreg:$0x2];
	[bflag:$0x3] =	sbarrier.arrive $0xFFFF;
	s2 =	simm.s32 @!p0 $0x1C03  }
0xcc: {  	[timem:s3], [sflag:s2] =	dma.local @!p0 [hbm:s0], s1  }
0xcd: {  	s0 =	simm.s32 @!p0 $0x3  }
0xce: {  	_ =	swait.ge @!p0 [sflag:s0], s1  }
0xcf: {  	s1 =	ssub.s32 @!p0 $0x0, s1;
	[sflag:s0] =	ssyncset.done @!p0 $0x0  }
0xd0: {  	[sflag:s0] =	ssyncadd.s32 @!p0 s1  }
0xd1: {  	[bflag:$0x3] =	sbarrier.arrive $0xFFFF  }
0xd2: {  	_ =	shalt  }

// kernel: kernel.8.cloned.1.call-start
scs
__scs_entry_jumppad:
0x0: {  	(pc) =	sbr.rel $0x88, $3  }
0x1: {  	(tag) =	ssettag $0x0;
	lr =	simm.s32 $0x1  }
0x2: {  	[smem:$0x3F97] =	sst lr;
	_ =	strace $0xD0000000  }
0x3: {  	_ = 	snop  }
0x4: {  	_ = 	snop  }
0x5: {  	_ = 	snop  }
0x6: {  	_ = 	snop  }
0x7: {  	_ = 	snop  }
__scs_overlays_trampoline_lowered:
0x8: {  	[smem:$0x3FA6] =	sst s0  }
0x9: {  	[smem:$0x3FA7] =	sst s1  }
0xa: {  	[smem:$0x3FA8] =	sst s2  }
0xb: {  	[smem:$0x3FA9] =	sst s3  }
0xc: {  	[smem:$0x3FAA] =	sst s4  }
0xd: {  	[smem:$0x3FAB] =	sst s5  }
0xe: {  	[smem:$0x3FAC] =	sst s6  }
0xf: {  	[smem:$0x3FAD] =	sst s7  }
0x10: {  	[smem:$0x3FAE] =	sst s8  }
0x11: {  	[smem:$0x3FAF] =	sst s9;
	s0 =	simm.s32 @!p0 $0x0  }
0x12: {  	s1 =	sld [smem:$0x3F95];
	s0 =	simm.s32 @p0 $0x1  }
0x13: {  	[smem:$0x3FB0] =	sst s0;
	s0 =	simm.s32 @!p1 $0x0  }
0x14: {  	s2 =	sld [smem:$0x3F94];
	s0 =	simm.s32 @p1 $0x1  }
0x15: {  	[smem:$0x3FB1] =	sst s0;
	s0 =	simm.s32 @!p2 $0x0  }
0x16: {  	s3 =	sld [smem:$0x3FDB];
	s0 =	simm.s32 @p2 $0x1  }
0x17: {  	s4 =	simm.s32 $0x1BF5;
	[smem:$0x3FB3] =	sst s0  }
0x18: {  	s0 =	sld [smem:$0x3F96];
	_ =	swait.ge [sflag:s4], $0x0  }
0x19: {  	s7 =	sld [smem:$0x3F97]  }
0x1a: {  	s8 =	sadd.s32 $0xFFFFE003, lr  }
0x1b: {  	s9 =	sadd.s32 $0xFFFFFEF7, lr;
	s5 =	simm.s32 $0xFFFFFFFF;
	p2 =	slt.u32 s8, $0xFFFFF086  }
0x1c: {  	p1 =	slt.u32 s9, $0xF7A;
	s5 =	simm.s32 @!p2 $0x0  }
0x1d: {  	s5 =	simm.s32 @p1 $0x1;
	p0 =	seq.s32 s7, s2  }
0x1e: {  	s7 =	smul.u32 @!p0 $0xF7A, s2;
	p2 =	seq.s32 @!p0 s5, $0x0  }
0x1f: {  	s9 =	smul.u32 $0xF7A, s1;
	s8 =	simm.s32 @!p0 $0x1BF5;
	p2 =	por !p2, p0  }
0x20: {  	[sflag:s8] =	ssyncset.s32 @!p0 $0xFFFFF086;
	s6 =	sadd.s32 @!p0 s3, s7;
	s7 =	simm.s32 @!p0 $0x108  }
0x21: {  	s3 =	sadd.s32 s3, s9;
	s6 =	sadd.s32 @!p0 $0x88, s6;
	s7 =	simm.s32 @p2 $0x1082  }
0x22: {  	[simem:s7], [sflag:s8] =	dma.local @!p0 [hbm:s6], $0xF7A  }
0x23: {  	s9 =	sor.u32 $0xD0000000, s2;
	s6 =	simm.s32 $0x108;
	_ =	swait.ge @!p0 [sflag:s8], $0x0  }
0x24: {  	s3 =	sadd.s32 $0x88, s3;
	s6 =	simm.s32 @!p1 $0x1082;
	[sflag:s4] =	ssyncset.s32 $0xFFFFF086  }
0x25: {  	[simem:s6], [sflag:s4] =	dma.local [hbm:s3], $0xF7A  }
0x26: {  	[smem:$0x3F97] =	sst s1;
	(tag) =	ssettag s2;
	_ =	strace s9  }
0x27: {  	s1 =	sld [smem:$0x3FA7]  }
0x28: {  	s2 =	sld [smem:$0x3FA8]  }
0x29: {  	s4 =	sld [smem:$0x3FAA]  }
0x2a: {  	p0 =	seq.s32 s5, $0x0;
	s5 =	sld [smem:$0x3FAB]  }
0x2b: {  	s6 =	sld [smem:$0x3FAC]  }
0x2c: {  	s7 =	sld [smem:$0x3FAD]  }
0x2d: {  	s3 =	simm.s32 $0x108;
	s8 =	sld [smem:$0x3FAE]  }
0x2e: {  	s3 =	simm.s32 @!p0 $0x1082;
	s9 =	sld [smem:$0x3FAF]  }
0x2f: {  	lr =	sadd.s32 s0, s3;
	s0 =	sld [smem:$0x3FA6]  }
0x30: {  	s3 =	sld [smem:$0x3FA9]  }
0x31: {  	[smem:$0x3FB2] =	sst s10  }
0x32: {  	s10 =	sld [smem:$0x3FB0];
	_ =	sdelay $0x3  }
0x33: {  	p0 =	seq.s32 s10, $0x1;
	s10 =	sld [smem:$0x3FB2];
	_ =	sdelay $0x3  }
0x34: {  	[smem:$0x3FB2] =	sst s10  }
0x35: {  	s10 =	sld [smem:$0x3FB1];
	_ =	sdelay $0x3  }
0x36: {  	p1 =	seq.s32 s10, $0x1;
	s10 =	sld [smem:$0x3FB2];
	_ =	sdelay $0x3  }
0x37: {  	[smem:$0x3FB2] =	sst s10  }
0x38: {  	s10 =	sld [smem:$0x3FB3]  }
0x39: {  	_ = 	snop;
	(pc) =	sbr.ind lr, $3  }
0x3a: {  	_ = 	snop  }
0x3b: {  	_ = 	snop  }
0x3c: {  	p2 =	seq.s32 s10, $0x1;
	s10 =	sld [smem:$0x3FB2]  }
0x3d: {  	_ =	shalt  }
0x3e: {  	_ =	shalt  }
0x3f: {  	_ =	shalt  }
0x40: {  	_ =	shalt  }
0x41: {  	_ =	shalt  }
0x42: {  	_ =	shalt  }
0x43: {  	_ =	shalt  }
0x44: {  	_ =	shalt  }
0x45: {  	_ =	shalt  }
0x46: {  	_ =	shalt  }
0x47: {  	_ =	shalt  }
0x48: {  	_ =	shalt  }
0x49: {  	_ =	shalt  }
0x4a: {  	_ =	shalt  }
0x4b: {  	_ =	shalt  }
0x4c: {  	_ =	shalt  }
0x4d: {  	_ =	shalt  }
0x4e: {  	_ =	shalt  }
0x4f: {  	_ =	shalt  }
0x50: {  	_ =	shalt  }
0x51: {  	_ =	shalt  }
0x52: {  	_ =	shalt  }
0x53: {  	_ =	shalt  }
0x54: {  	_ =	shalt  }
0x55: {  	_ =	shalt  }
0x56: {  	_ =	shalt  }
0x57: {  	_ =	shalt  }
0x58: {  	_ =	shalt  }
0x59: {  	_ =	shalt  }
0x5a: {  	_ =	shalt  }
0x5b: {  	_ =	shalt  }
0x5c: {  	_ =	shalt  }
0x5d: {  	_ =	shalt  }
0x5e: {  	_ =	shalt  }
0x5f: {  	_ =	shalt  }
0x60: {  	_ =	shalt  }
0x61: {  	_ =	shalt  }
0x62: {  	_ =	shalt  }
0x63: {  	_ =	shalt  }
0x64: {  	_ =	shalt  }
0x65: {  	_ =	shalt  }
0x66: {  	_ =	shalt  }
0x67: {  	_ =	shalt  }
0x68: {  	_ =	shalt  }
0x69: {  	_ =	shalt  }
0x6a: {  	_ =	shalt  }
0x6b: {  	_ =	shalt  }
0x6c: {  	_ =	shalt  }
0x6d: {  	_ =	shalt  }
0x6e: {  	_ =	shalt  }
0x6f: {  	_ =	shalt  }
0x70: {  	_ =	shalt  }
0x71: {  	_ =	shalt  }
0x72: {  	_ =	shalt  }
0x73: {  	_ =	shalt  }
0x74: {  	_ =	shalt  }
0x75: {  	_ =	shalt  }
0x76: {  	_ =	shalt  }
0x77: {  	_ =	shalt  }
0x78: {  	_ =	shalt  }
0x79: {  	_ =	shalt  }
0x7a: {  	_ =	shalt  }
0x7b: {  	_ =	shalt  }
0x7c: {  	_ =	shalt  }
0x7d: {  	_ =	shalt  }
0x7e: {  	_ =	shalt  }
0x7f: {  	_ =	shalt  }
0x80: {  	_ =	shalt  }
0x81: {  	_ =	shalt  }
0x82: {  	_ =	shalt  }
0x83: {  	_ =	shalt  }
0x84: {  	_ =	shalt  }
0x85: {  	_ =	shalt  }
0x86: {  	_ =	shalt  }
0x87: {  	_ =	shalt  }
.Lfunc_end0:
.L_simem_size_0:
called_computation_lowered:
.L_overlay_start_0:
0x88: {  	s2 =	sld [smem:$0x3FD9]  }
0x89: {  	s3 =	sld [smem:$0x3FFE];
	_ =	sdelay $0x1  }
0x8a: {  	s1 =	srdreg.scid  }
0x8b: {  	s0 =	sand.u32 $0x1, s1  }
0x8c: {  	s14 =	sshll.u32 s0, $0xA;
	s2 =	sadd.s32 s3, s2  }
0x8d: {  	s2 =	sadd.s32 s2, s14  }
0x8e: {  	[smem:$0x3FBE] =	sst s2  }
0x8f: {  	_ = 	snop  }
0x90: {  	s2 =	sld [smem:$0x3FD0];
	_ =	sdelay $0x2  }
0x91: {  	s4 =	simm.s32 $0xA;
	s5 =	simm.s32 $0x10;
	s15 =	sld [smem:$0x3FC9]  }
0x92: {  	[smem:s5], [sflag:s4] =	dma.local [hbm:s2], $0x1  }
0x93: {  	_ =	swait.eq [sflag:s4], $0x1  }
0x94: {  	[sflag:s4] =	ssyncset.done $0x0  }
0x95: {  	s16 =	sld [smem:$0x10];
	[sflag:s4] =	ssyncadd.s32 $0xFFFFFFFF  }
0x96: {  	s17 =	sld [smem:$0x11];
	(tm) =	ssettm $0x1  }
0x97: {  	s18 =	sld [smem:$0x3FFB];
	_ =	sdelay $0x3  }
0x98: {  	_ =	strace s18  }
0x99: {  	s5 =	sld [smem:$0x3FFC];
	_ =	sdelay $0x3  }
0x9a: {  	_ =	strace s5  }
0x9b: {  	s5 =	sld [smem:$0x3FFD];
	_ =	sdelay $0x3  }
0x9c: {  	_ =	strace s5  }
0x9d: {  	_ =	strace $0x8FFFFFFF  }
0x9e: {  	s19 =	sld [smem:$0x3FDB];
	_ =	sdelay $0x1  }
0x9f: {  	s6 =	simm.s32 $_scs_section_size  }
0xa0: {  	s7 =	simm.s32 $_size__tile_overlayer_lowered;
	s8 =	simm.s32 $_tile_overlayer_lowered  }
0xa1: {  	s22 =	simm.s32 $0x1BFF;
	s21 =	sshll.u32 s8, $0x1;
	s5 =	sadd.s32 s6, s19  }
0xa2: {  	s9 =	simm.s32 $0x0;
	s20 =	sshll.u32 s7, $0x1;
	s7 =	sadd.s32 s21, s5  }
0xa3: {  	[timem:s9], [sflag:s22] =	dma.local [hbm:s7], s20  }
0xa4: {  	_ =	swait.ge [sflag:s22], s20  }
0xa5: {  	s6 =	ssub.s32 $0x0, s20;
	[sflag:s22] =	ssyncset.done $0x0  }
0xa6: {  	[sflag:s22] =	ssyncadd.s32 s6;
	_ =	sdelay $0x1  }
0xa7: {  	s23 =	simm.s32 $0x1B8B  }
0xa8: {  	_ =	swait.ge [sflag:s23], $0x1  }
0xa9: {  	[sflag:s23] =	ssyncset.done $0x0  }
0xaa: {  	s25 =	simm.s32 $0x1B8E;
	s24 =	sld [smem:$0x3FFE];
	[sflag:s23] =	ssyncadd.s32 $0xFFFFFFFF  }
0xab: {  	s26 =	simm.s32 $execute0_lowered;
	[smem:$0x3FD2] =	sst s25  }
0xac: {  	s7 =	sshll.u32 s26, $0x1;
	_ =	strace $0x80000046;
	[dreg:$0x1] =	wrdreg $0xFFFFFFFF  }
0xad: {  	s28 =	simm.s32 $_size_execute0_lowered;
	s5 =	sadd.s32 s5, s7;
	[dreg:$0x0] =	wrdreg $0x0  }
0xae: {  	s7 =	sshll.u32 s28, $0x1;
	[dreg:$0x2] =	wrdreg s5  }
0xaf: {  	[dreg:$0x3] =	wrdreg s7  }
0xb0: {  	[dreg:$0x4] =	wrdreg $0xC0  }
0xb1: {  	_ =	task [dreg:s9], $0x5FFFF  }
0xb2: {  	[dreg:$0x1] =	wrdreg $0xFFFFFFFF  }
0xb3: {  	[dreg:$0x0] =	wrdreg $0x60  }
0xb4: {  	[dreg:$0x2] =	wrdreg s15  }
0xb5: {  	[dreg:$0x3] =	wrdreg s24  }
0xb6: {  	[dreg:$0x4] =	wrdreg s16  }
0xb7: {  	[dreg:$0x5] =	wrdreg s17  }
0xb8: {  	[dreg:$0x6] =	wrdreg $0xB5800  }
0xb9: {  	[dreg:$0x7] =	wrdreg $0x1F5800  }
0xba: {  	[dreg:$0x8] =	wrdreg $0x9  }
0xbb: {  	_ =	task.clear_ibuf [dreg:s9], $0x9FFFF;
	_ =	strace $0x90000046  }
0xbc: {  	s29 =	simm.s32 $0x9;
	_ =	strace $0x80000048  }
0xbd: {  	_ =	swait.ge [sflag:s29], $0x1  }
0xbe: {  	[sflag:s29] =	ssyncadd.s32 $0xFFFFFFFF  }
0xbf: {  	_ =	strace $0x90000048  }
0xc0: {  	_ =	sfence  }
0xc1: {  	s30 =	sld [smem:$0x0];
	_ =	sdelay $0x2  }
0xc2: {  	s31 =	sshll.u32 s1, $0xD;
	s1 =	sshrl.u32 s1, $0x2  }
0xc3: {  	s3 =	sand.u32 $0x4000, s31;
	s1 =	sadd.s32 s1, s30  }
0xc4: {  	s0 =	sor.u32 s3, s0;
	s1 =	sshll.u32 s1, $0x11  }
0xc5: {  	s0 =	sor.u32 s1, s0  }
0xc6: {  	s0 =	sadd.s32 $0x8F2B, s0  }
0xc7: {  	[sflag:s0] =	ssyncadd.remote.s32 $0x1  }
0xc8: {  	_ =	sfence.sel $0xFFFF  }
0xc9: {  	[dreg:$0x0] =	wrdreg $0xFFFFFFFF;
	(pc) =	sbr.abs _section_cstart, $3  }
0xca: {  	[dreg:$0x1] =	wrdreg $0xFFFFFFFF  }
0xcb: {  	_ =	task.clear_ibuf [dreg:s9], $0x2FFFF;
	_ =	strace $0x9FFFFFFF  }
0xcc: {  	(tm) =	ssettm $0x7FFFFFFF  }
0xcd: {  	_ =	shalt  }
tec
execute0_lowered:
.L_overlay_start_1:
0x0: {  	(tag) =	ssettag $0x1  }
0x1: {  	s0 =	rddreg [dreg:$0x0]  }
0x2: {  	s1 =	rddreg [dreg:$0x1]  }
0x3: {  	s4 =	rddreg [dreg:$0x2]  }
0x4: {  	s2 =	srdreg.scid;
	s6 =	rddreg [dreg:$0x3]  }
0x5: {  	s16 =	stileid.u32;
	s28 =	simm.s32 $0x2780;
	s29 =	simm.s32 $0x4F00  }
0x6: {  	s30 =	simm.s32 $0x4;
	s31 =	simm.s32 $0x9F00;
	s10 =	smul.u32 $0x280, s16  }
0x7: {  	s5 =	sand.u32 $0x1, s2;
	s2 =	rddreg [dreg:$0x4];
	s13 =	smul.u32 $0x14000, s16  }
0x8: {  	s19 =	smul.u32 $0x500, s16;
	s3 =	sshll.u32 s5, $0x4;
	s8 =	ssub.s32 $0x2, s5  }
0x9: {  	s7 =	sor.u32 s16, s3;
	s3 =	simm.s32 $0x0;
	s9 =	sshrl.u32 s8, $0x1  }
0xa: {  	s24 =	sshll.u32 s10, $0x7;
	s7 =	smul.u32 $0x4E2, s7;
	[smem:$0x7FF] =	sst s3  }
0xb: {  	s8 =	ssub.s32 s8, s9;
	s9 =	sor.u32 $0x2800, s24;
	s12 =	sadd.s32 $0x5000, s24  }
0xc: {  	s20 =	sadd.s32 $0x7800, s24;
	s21 =	sadd.s32 $0xA000, s24;
	s22 =	sadd.s32 $0xC800, s24  }
0xd: {  	s23 =	sadd.s32 $0xF000, s24;
	s11 =	sadd.s32 s7, s1;
	s1 =	sadd.s32 $0xC200, s1  }
0xe: {  	s4 =	sadd.s32 s4, s7;
	s7 =	smul.u32 $0x140000, s5;
	s5 =	sshll.u32 s5, $0x7  }
0xf: {  	[dreg:$0x7] =	wrdreg s4;
	s4 =	sadd.s32 $0x11800, s24;
	s5 =	sor.u32 s5, s19  }
0x10: {  	s13 =	sadd.s32 s13, s7;
	s14 =	sadd.s32 s7, s9;
	s15 =	sadd.s32 s7, s12  }
0x11: {  	s17 =	sadd.s32 s7, s20;
	s18 =	sadd.s32 s7, s21;
	s20 =	sadd.s32 s20, s2  }
0x12: {  	s21 =	sadd.s32 s21, s2;
	s13 =	sshrl.u32 s13, $0x3;
	s25 =	sshrl.u32 s14, $0x3  }
0x13: {  	s26 =	sshrl.u32 s15, $0x3;
	s24 =	sshrl.u32 s18, $0x3;
	s14 =	rddreg [dreg:$0x5]  }
0x14: {  	s13 =	sadd.s32 s1, s13;
	s15 =	sadd.s32 s1, s26;
	s26 =	sadd.s32 s7, s23  }
0x15: {  	s23 =	sadd.s32 s23, s2;
	[dreg:$0x8] =	wrdreg s13;
	s13 =	sadd.s32 s1, s25  }
0x16: {  	[dreg:$0xa] =	wrdreg s15;
	s25 =	sadd.s32 s7, s22;
	s18 =	sshrl.u32 s26, $0x3  }
0x17: {  	s7 =	sadd.s32 s7, s4;
	s22 =	sadd.s32 s22, s2;
	[dreg:$0x9] =	wrdreg s13  }
0x18: {  	s13 =	sshrl.u32 s17, $0x3;
	s17 =	sshrl.u32 s25, $0x3;
	s19 =	sadd.s32 s1, s18  }
0x19: {  	s7 =	sshrl.u32 s7, $0x3;
	s25 =	sshrl.u32 s5, $0x3;
	s18 =	sadd.s32 s9, s2  }
0x1a: {  	s5 =	simm.s32 $0x1388;
	s9 =	simm.s32 $0x0;
	s13 =	sadd.s32 s1, s13  }
0x1b: {  	[dreg:$0xe] =	wrdreg s19;
	s15 =	sadd.s32 s6, s25;
	s19 =	sadd.s32 s12, s2  }
0x1c: {  	s25 =	sadd.s32 s10, s14;
	s12 =	simm.s32 $0x1;
	s6 =	simm.s32 $0xA180  }
0x1d: {  	[dreg:$0xb] =	wrdreg s13;
	s13 =	sadd.s32 s1, s24;
	s24 =	smul.u32 $0x50000, s16  }
0x1e: {  	s16 =	sadd.s32 $0x2400, s11;
	[dreg:$0xc] =	wrdreg s13;
	s13 =	sadd.s32 s1, s17  }
0x1f: {  	s1 =	sadd.s32 s1, s7;
	s7 =	simm.s32 $0x7700;
	[dreg:$0xd] =	wrdreg s13  }
0x20: {  	[dreg:$0xf] =	wrdreg s1;
	s26 =	sshrl.u32 s24, $0x2;
	s24 =	sadd.s32 s4, s2  }
0x21: {  	s1 =	simm.s32 $0x2;
	s4 =	simm.s32 $0x50;
	_ =	strace $0x80000047  }
0x22: {  	v0 =	vimm.f32 $0.0e+00;
	v1 =	vimm.f32 $1.000000000e+00;
	s17 =	sadd.s32 s26, s2;
	s26 =	smax.u32 s8, $0x1;
	s8 =	simm.s32 $0x3  }
.LBB2_1:
0x23: {  	[tilespmem:s3], [sflag:$0x1] =	stream.linear.gather [hbm4b:s16+s3], $0x2710, $0x38;
	[tilespmem:$0x1F800] =	vst v63  }
0x24: {  	s14 =	sand.u32 $0xFE00, s3  }
0x25: {  	s10 =	rddreg [dreg:$0x7];
	s11 =	sand.u32 $0x70, s3;
	s13 =	sshrl.u32 s14, $0x2  }
0x26: {  	[tilespmem:s28], [sflag:$0x2] =	stream.linear.gather [hbm4b:s10+s3], $0x2710, $0x38;
	[tilespmem:$0x1F800] =	vst v63  }
0x27: {  	s10 =	simm.s32 $0x40;
	s13 =	sor.u32 s11, s13;
	s11 =	simm.s32 $0x0  }
.LBB2_2:
0x28: {  	p0 =	sne.s32 s10, $0x9FC0  }
0x29: {  	[tilespmem:s13+$0x4F00] =	vst v0;
	s11 =	sadd.s32 $0x10, s11;
	s13 =	smov.u32 s10;
	s10 =	sadd.s32 $0x40, s10  }
.Ltmp0:
0x2a: {  	(pc) =	sbr.rel @p0 .LBB2_2-.Ltmp0, $4  }
0x2b: {  	_ = 	snop  }
0x2c: {  	s13 =	sand.u32 $0xFE00, s13  }
0x2d: {  	s14 =	sand.u32 $0x70, s11;
	s13 =	sshrl.u32 s13, $0x2  }
0x2e: {  	s13 =	sor.u32 s14, s13  }
0x2f: {  	[tilespmem:s13+$0x4F00] =	vst v0  }
0x30: {  	[tilespmem:$0x9F00] =	vst v0  }
0x31: {  	[tilespmem:$0x9F10] =	vst v0  }
0x32: {  	[tilespmem:$0x9F20] =	vst v0  }
0x33: {  	[tilespmem:$0x9F30] =	vst v0  }
0x34: {  	[tilespmem:$0x9F40] =	vst v0  }
0x35: {  	[tilespmem:$0x9F50] =	vst v0  }
0x36: {  	[tilespmem:$0x9F60] =	vst v0  }
0x37: {  	[tilespmem:$0x9F70] =	vst v0  }
0x38: {  	[tilespmem:$0x9F80] =	vst v0  }
0x39: {  	[tilespmem:$0x9F90] =	vst v0  }
0x3a: {  	[tilespmem:$0x9FA0] =	vst v0  }
0x3b: {  	[tilespmem:$0x9FB0] =	vst v0  }
0x3c: {  	[tilespmem:$0x9FC0] =	vst v0  }
0x3d: {  	[tilespmem:$0x9FD0] =	vst v0  }
0x3e: {  	[tilespmem:$0x9FE0] =	vst v0  }
0x3f: {  	[tilespmem:$0x9FF0] =	vst v0  }
0x40: {  	[tilespmem:$0xA000] =	vst v0  }
0x41: {  	[tilespmem:$0xA010] =	vst v0  }
0x42: {  	[tilespmem:$0xA020] =	vst v0  }
0x43: {  	[tilespmem:$0xA030] =	vst v0  }
0x44: {  	[tilespmem:$0xA040] =	vst v0  }
0x45: {  	[tilespmem:$0xA050] =	vst v0  }
0x46: {  	[tilespmem:$0xA060] =	vst v0  }
0x47: {  	[tilespmem:$0xA070] =	vst v0  }
0x48: {  	[tilespmem:$0xA080] =	vst v0  }
0x49: {  	[tilespmem:$0xA090] =	vst v0  }
0x4a: {  	[tilespmem:$0xA0A0] =	vst v0  }
0x4b: {  	[tilespmem:$0xA0B0] =	vst v0  }
0x4c: {  	[tilespmem:$0xA0C0] =	vst v0  }
0x4d: {  	[tilespmem:$0xA0D0] =	vst v0  }
0x4e: {  	[tilespmem:$0xA0E0] =	vst v0  }
0x4f: {  	[tilespmem:$0xA0F0] =	vst v0  }
0x50: {  	[tilespmem:$0xA100] =	vst v0  }
0x51: {  	[tilespmem:$0xA110] =	vst v0  }
0x52: {  	[tilespmem:$0xA120] =	vst v0  }
0x53: {  	[tilespmem:$0xA130] =	vst v0  }
0x54: {  	[tilespmem:$0xA140] =	vst v0  }
0x55: {  	[tilespmem:$0xA150] =	vst v0  }
0x56: {  	[tilespmem:$0xA160] =	vst v0  }
0x57: {  	s10 =	simm.s32 $0x40;
	s11 =	simm.s32 $0x0;
	[tilespmem:$0xA170] =	vst v0  }
.LBB2_4:
0x58: {  	p0 =	sne.s32 s10, $0x4DC0;
	[tilespmem:s11+$0xA180] =	vst v1;
	s11 =	smov.u32 s10;
	s10 =	sadd.s32 $0x40, s10  }
.Ltmp1:
0x59: {  	(pc) =	sbr.rel @p0 .LBB2_4-.Ltmp1, $2  }
0x5a: {  	_ =	sdelay $0x2  }
0x5b: {  	s11 =	sshra.s32 s11, $0x2  }
0x5c: {  	[tilespmem:s11+$0xA180] =	vst v1  }
0x5d: {  	[tilespmem:$0xB4F8] =	vst v1  }
0x5e: {  	[spmem:s17] =	stream.linear.scatter [tilespmem:s29], [sflag:$0x4], $0x2800, $0x38;
	[tilespmem:$0x1F800] =	vst v63  }
0x5f: {  	_ =	swait.ge [sflag:s30], $0x2800  }
0x60: {  	[sflag:s30] =	ssyncset.done $0x0  }
0x61: {  	[sflag:s30] =	ssyncadd.s32 $0xFFFFD800  }
0x62: {  	[spmem:s18] =	stream.linear.scatter [tilespmem:s29], [sflag:$0x4], $0x2800, $0x38;
	[tilespmem:$0x1F800] =	vst v63  }
0x63: {  	_ =	swait.ge [sflag:s30], $0x2800  }
0x64: {  	[sflag:s30] =	ssyncset.done $0x0  }
0x65: {  	[sflag:s30] =	ssyncadd.s32 $0xFFFFD800  }
0x66: {  	[spmem:s19] =	stream.linear.scatter [tilespmem:s29], [sflag:$0x4], $0x2800, $0x38;
	[tilespmem:$0x1F800] =	vst v63  }
0x67: {  	_ =	swait.ge [sflag:s30], $0x2800  }
0x68: {  	[sflag:s30] =	ssyncset.done $0x0  }
0x69: {  	[sflag:s30] =	ssyncadd.s32 $0xFFFFD800  }
0x6a: {  	[spmem:s20] =	stream.linear.scatter [tilespmem:s29], [sflag:$0x4], $0x2800, $0x38;
	[tilespmem:$0x1F800] =	vst v63  }
0x6b: {  	_ =	swait.ge [sflag:s30], $0x2800  }
0x6c: {  	[sflag:s30] =	ssyncset.done $0x0  }
0x6d: {  	[sflag:s30] =	ssyncadd.s32 $0xFFFFD800  }
0x6e: {  	[spmem:s21] =	stream.linear.scatter [tilespmem:s29], [sflag:$0x4], $0x2800, $0x38;
	[tilespmem:$0x1F800] =	vst v63  }
0x6f: {  	_ =	swait.ge [sflag:s30], $0x2800  }
0x70: {  	[sflag:s30] =	ssyncset.done $0x0  }
0x71: {  	[sflag:s30] =	ssyncadd.s32 $0xFFFFD800  }
0x72: {  	[spmem:s22] =	stream.linear.scatter [tilespmem:s29], [sflag:$0x4], $0x2800, $0x38;
	[tilespmem:$0x1F800] =	vst v63  }
0x73: {  	_ =	swait.ge [sflag:s30], $0x2800  }
0x74: {  	[sflag:s30] =	ssyncset.done $0x0  }
0x75: {  	[sflag:s30] =	ssyncadd.s32 $0xFFFFD800  }
0x76: {  	[spmem:s23] =	stream.linear.scatter [tilespmem:s29], [sflag:$0x4], $0x2800, $0x38;
	[tilespmem:$0x1F800] =	vst v63  }
0x77: {  	_ =	swait.ge [sflag:s30], $0x2800  }
0x78: {  	[sflag:s30] =	ssyncset.done $0x0  }
0x79: {  	[sflag:s30] =	ssyncadd.s32 $0xFFFFD800  }
0x7a: {  	[spmem:s24] =	stream.linear.scatter [tilespmem:s29], [sflag:$0x4], $0x2800, $0x38;
	[tilespmem:$0x1F800] =	vst v63  }
0x7b: {  	_ =	swait.ge [sflag:s30], $0x2800  }
0x7c: {  	[sflag:s30] =	ssyncset.done $0x0  }
0x7d: {  	[sflag:s30] =	ssyncadd.s32 $0xFFFFD800  }
0x7e: {  	[spmem:s25] =	stream.linear.scatter [tilespmem:s31], [sflag:$0x4], $0x280, $0x38;
	[tilespmem:$0x1F800] =	vst v63  }
0x7f: {  	_ =	swait.ge [sflag:s30], $0x280  }
0x80: {  	[sflag:s30] =	ssyncset.done $0x0  }
0x81: {  	[sflag:s30] =	ssyncadd.s32 $0xFFFFFD80  }
0x82: {  	_ =	swait.ge [sflag:s12], $0x2710  }
0x83: {  	[sflag:s12] =	ssyncset.done $0x0  }
0x84: {  	[sflag:s12] =	ssyncadd.s32 $0xFFFFD8F0  }
0x85: {  	_ =	swait.ge [sflag:s1], $0x2710  }
0x86: {  	[sflag:s1] =	ssyncset.done $0x0  }
0x87: {  	[sflag:s1] =	ssyncadd.s32 $0xFFFFD8F0  }
0x88: {  	s10 =	simm.s32 $0x0;
	[bflag:$0x0] =	sbarrier.arrive $0xFFFF  }
0x89: {  	[tilespmem:s29], [sflag:$0x1] =	stream.indirect.gather [hbm4b:s0+s4], $0x80, s10, s4, $0xb8;
	[tilespmem:$0x1F800] =	vst v63  }
0x8a: {  	s11 =	rddreg [dreg:$0x5]  }
0x8b: {  	[spmem:s11] =	stream.indirect.scatter.add.f32 [tilespmem:s6], [sflag:$0x3], $0x1, s28, s5, $0xb8;
	[tilespmem:$0x1F800] =	vst v63  }
0x8c: {  	s13 =	simm.s32 $0x3B08  }
0x8d: {  	[spmem:s11] =	stream.indirect.scatter.add.f32 [tilespmem:s6], [sflag:$0x3], $0x1, s13, s5, $0xb8;
	[tilespmem:$0x1F800] =	vst v63  }
0x8e: {  	_ =	swait.ge [sflag:s12], $0x2800  }
0x8f: {  	[sflag:s12] =	ssyncset.done $0x0  }
0x90: {  	s14 =	simm.s32 $0x50;
	[sflag:s12] =	ssyncadd.s32 $0xFFFFD800  }
0x91: {  	[tilespmem:s7], [sflag:$0x2] =	stream.indirect.gather [hbm4b:s0+s4], $0x80, s14, s4, $0xb8;
	[tilespmem:$0x1F800] =	vst v63  }
0x92: {  	s11 =	simm.s32 $0x2780  }
0x93: {  	[spmem:s2] =	stream.indirect.scatter.add.f32 [tilespmem:s29], [sflag:$0x4], $0x80, s11, s4, $0xb8;
	[tilespmem:$0x1F800] =	vst v63  }
0x94: {  	_ =	swait.ge [sflag:s30], $0x2800  }
0x95: {  	[sflag:s30] =	ssyncset.done $0x0  }
0x96: {  	[sflag:s30] =	ssyncadd.s32 $0xFFFFD800  }
0x97: {  	_ =	swait.ge [sflag:s1], $0x2800  }
0x98: {  	[sflag:s1] =	ssyncset.done $0x0  }
0x99: {  	s13 =	simm.s32 $0xA0;
	[sflag:s1] =	ssyncadd.s32 $0xFFFFD800  }
0x9a: {  	[tilespmem:s29], [sflag:$0x1] =	stream.indirect.gather [hbm4b:s0+s4], $0x80, s13, s4, $0xb8;
	[tilespmem:$0x1F800] =	vst v63  }
0x9b: {  	s14 =	simm.s32 $0x27D0  }
0x9c: {  	[spmem:s2] =	stream.indirect.scatter.add.f32 [tilespmem:s7], [sflag:$0x4], $0x80, s14, s4, $0xb8;
	[tilespmem:$0x1F800] =	vst v63  }
0x9d: {  	_ =	swait.ge [sflag:s30], $0x2800  }
0x9e: {  	s10 =	simm.s32 $0x280;
	[sflag:s30] =	ssyncset.done $0x0  }
.LBB2_6:
0x9f: {  	p0 =	sne.s32 s10, $0x9880  }
0xa0: {  	[sflag:s30] =	ssyncadd.s32 $0xFFFFD800;
	s11 =	smov.u32 s10;
	s10 =	sadd.s32 $0x280, s10  }
0xa1: {  	_ = 	snop  }
0xa2: {  	_ =	swait.ge [sflag:s12], $0x2800  }
0xa3: {  	s11 =	sshra.s32 s11, $0x2;
	[sflag:s12] =	ssyncset.done $0x0  }
0xa4: {  	s13 =	sadd.s32 $0x50, s11;
	[sflag:s12] =	ssyncadd.s32 $0xFFFFD800  }
0xa5: {  	[tilespmem:s7], [sflag:$0x2] =	stream.indirect.gather [hbm4b:s0+s4], $0x80, s13, s4, $0xb8;
	[tilespmem:$0x1F800] =	vst v63  }
0xa6: {  	s13 =	sadd.s32 $0x2780, s11  }
0xa7: {  	[spmem:s2] =	stream.indirect.scatter.add.f32 [tilespmem:s29], [sflag:$0x4], $0x80, s13, s4, $0xb8;
	[tilespmem:$0x1F800] =	vst v63  }
0xa8: {  	_ =	swait.ge [sflag:s30], $0x2800  }
0xa9: {  	[sflag:s30] =	ssyncset.done $0x0  }
0xaa: {  	[sflag:s30] =	ssyncadd.s32 $0xFFFFD800  }
0xab: {  	_ =	swait.ge [sflag:s1], $0x2800  }
0xac: {  	[sflag:s1] =	ssyncset.done $0x0  }
0xad: {  	s13 =	sadd.s32 $0xA0, s11;
	[sflag:s1] =	ssyncadd.s32 $0xFFFFD800  }
0xae: {  	[tilespmem:s29], [sflag:$0x1] =	stream.indirect.gather [hbm4b:s0+s4], $0x80, s13, s4, $0xb8;
	[tilespmem:$0x1F800] =	vst v63  }
.Ltmp2:
0xaf: {  	_ = 	snop;
	(pc) =	sbr.rel @p0 .LBB2_6-.Ltmp2, $4  }
0xb0: {  	s11 =	sadd.s32 $0x27D0, s11  }
0xb1: {  	[spmem:s2] =	stream.indirect.scatter.add.f32 [tilespmem:s7], [sflag:$0x4], $0x80, s11, s4, $0xb8;
	[tilespmem:$0x1F800] =	vst v63  }
0xb2: {  	_ =	swait.ge [sflag:s30], $0x2800  }
0xb3: {  	[sflag:s30] =	ssyncset.done $0x0  }
0xb4: {  	[sflag:s30] =	ssyncadd.s32 $0xFFFFD800  }
0xb5: {  	_ =	swait.ge [sflag:s12], $0x2800  }
0xb6: {  	[sflag:s12] =	ssyncset.done $0x0  }
0xb7: {  	s10 =	simm.s32 $0x4E40;
	[sflag:s12] =	ssyncadd.s32 $0xFFFFD800  }
0xb8: {  	[spmem:s2] =	stream.indirect.scatter.add.f32 [tilespmem:s29], [sflag:$0x4], $0x80, s10, s4, $0xb8;
	[tilespmem:$0x1F800] =	vst v63  }
0xb9: {  	_ =	swait.ge [sflag:s30], $0x2800  }
0xba: {  	[sflag:s30] =	ssyncset.done $0x0  }
0xbb: {  	[sflag:s30] =	ssyncadd.s32 $0xFFFFD800  }
0xbc: {  	_ =	swait.ge [sflag:s8], $0x1388  }
0xbd: {  	[sflag:s8] =	ssyncset.done $0x0  }
0xbe: {  	[sflag:s8] =	ssyncadd.s32 $0xFFFFEC78  }
0xbf: {  	_ =	swait.ge [sflag:s8], $0x1388  }
0xc0: {  	[sflag:s8] =	ssyncset.done $0x0  }
0xc1: {  	[sflag:s8] =	ssyncadd.s32 $0xFFFFEC78  }
0xc2: {  	[bflag:$0x0] =	sbarrier.arrive $0xFFFF  }
0xc3: {  	[tilespmem:s29], [sflag:$0x4] =	stream.linear.gather [spmem:s17], $0x2800, $0x38;
	[tilespmem:$0x1F800] =	vst v63  }
0xc4: {  	_ =	swait.ge [sflag:s30], $0x2800  }
0xc5: {  	[sflag:s30] =	ssyncset.done $0x0  }
0xc6: {  	s11 =	rddreg [dreg:$0x8];
	[sflag:s30] =	ssyncadd.s32 $0xFFFFD800  }
0xc7: {  	[hbm4b:s11+s3] =	stream.linear.scatter [tilespmem:s29], [sflag:$0x4], $0x2800, $0x38;
	[tilespmem:$0x1F800] =	vst v63  }
0xc8: {  	_ =	swait.ge [sflag:s30], $0x2800  }
0xc9: {  	[sflag:s30] =	ssyncset.done $0x0  }
0xca: {  	[sflag:s30] =	ssyncadd.s32 $0xFFFFD800  }
0xcb: {  	[tilespmem:s29], [sflag:$0x4] =	stream.linear.gather [spmem:s18], $0x2800, $0x38;
	[tilespmem:$0x1F800] =	vst v63  }
0xcc: {  	_ =	swait.ge [sflag:s30], $0x2800  }
0xcd: {  	[sflag:s30] =	ssyncset.done $0x0  }
0xce: {  	s13 =	rddreg [dreg:$0x9];
	[sflag:s30] =	ssyncadd.s32 $0xFFFFD800  }
0xcf: {  	[hbm4b:s13+s3] =	stream.linear.scatter [tilespmem:s29], [sflag:$0x4], $0x2800, $0x38;
	[tilespmem:$0x1F800] =	vst v63  }
0xd0: {  	_ =	swait.ge [sflag:s30], $0x2800  }
0xd1: {  	[sflag:s30] =	ssyncset.done $0x0  }
0xd2: {  	[sflag:s30] =	ssyncadd.s32 $0xFFFFD800  }
0xd3: {  	[tilespmem:s29], [sflag:$0x4] =	stream.linear.gather [spmem:s19], $0x2800, $0x38;
	[tilespmem:$0x1F800] =	vst v63  }
0xd4: {  	_ =	swait.ge [sflag:s30], $0x2800  }
0xd5: {  	[sflag:s30] =	ssyncset.done $0x0  }
0xd6: {  	s14 =	rddreg [dreg:$0xa];
	[sflag:s30] =	ssyncadd.s32 $0xFFFFD800  }
0xd7: {  	[hbm4b:s14+s3] =	stream.linear.scatter [tilespmem:s29], [sflag:$0x4], $0x2800, $0x38;
	[tilespmem:$0x1F800] =	vst v63  }
0xd8: {  	_ =	swait.ge [sflag:s30], $0x2800  }
0xd9: {  	[sflag:s30] =	ssyncset.done $0x0  }
0xda: {  	[sflag:s30] =	ssyncadd.s32 $0xFFFFD800  }
0xdb: {  	[tilespmem:s29], [sflag:$0x4] =	stream.linear.gather [spmem:s20], $0x2800, $0x38;
	[tilespmem:$0x1F800] =	vst v63  }
0xdc: {  	_ =	swait.ge [sflag:s30], $0x2800  }
0xdd: {  	[sflag:s30] =	ssyncset.done $0x0  }
0xde: {  	s11 =	rddreg [dreg:$0xb];
	[sflag:s30] =	ssyncadd.s32 $0xFFFFD800  }
0xdf: {  	[hbm4b:s11+s3] =	stream.linear.scatter [tilespmem:s29], [sflag:$0x4], $0x2800, $0x38;
	[tilespmem:$0x1F800] =	vst v63  }
0xe0: {  	_ =	swait.ge [sflag:s30], $0x2800  }
0xe1: {  	[sflag:s30] =	ssyncset.done $0x0  }
0xe2: {  	[sflag:s30] =	ssyncadd.s32 $0xFFFFD800  }
0xe3: {  	[tilespmem:s29], [sflag:$0x4] =	stream.linear.gather [spmem:s21], $0x2800, $0x38;
	[tilespmem:$0x1F800] =	vst v63  }
0xe4: {  	_ =	swait.ge [sflag:s30], $0x2800  }
0xe5: {  	[sflag:s30] =	ssyncset.done $0x0  }
0xe6: {  	s13 =	rddreg [dreg:$0xc];
	[sflag:s30] =	ssyncadd.s32 $0xFFFFD800  }
0xe7: {  	[hbm4b:s13+s3] =	stream.linear.scatter [tilespmem:s29], [sflag:$0x4], $0x2800, $0x38;
	[tilespmem:$0x1F800] =	vst v63  }
0xe8: {  	_ =	swait.ge [sflag:s30], $0x2800  }
0xe9: {  	[sflag:s30] =	ssyncset.done $0x0  }
0xea: {  	[sflag:s30] =	ssyncadd.s32 $0xFFFFD800  }
0xeb: {  	[tilespmem:s29], [sflag:$0x4] =	stream.linear.gather [spmem:s22], $0x2800, $0x38;
	[tilespmem:$0x1F800] =	vst v63  }
0xec: {  	_ =	swait.ge [sflag:s30], $0x2800  }
0xed: {  	[sflag:s30] =	ssyncset.done $0x0  }
0xee: {  	s14 =	rddreg [dreg:$0xd];
	[sflag:s30] =	ssyncadd.s32 $0xFFFFD800  }
0xef: {  	[hbm4b:s14+s3] =	stream.linear.scatter [tilespmem:s29], [sflag:$0x4], $0x2800, $0x38;
	[tilespmem:$0x1F800] =	vst v63  }
0xf0: {  	_ =	swait.ge [sflag:s30], $0x2800  }
0xf1: {  	[sflag:s30] =	ssyncset.done $0x0  }
0xf2: {  	[sflag:s30] =	ssyncadd.s32 $0xFFFFD800  }
0xf3: {  	[tilespmem:s29], [sflag:$0x4] =	stream.linear.gather [spmem:s23], $0x2800, $0x38;
	[tilespmem:$0x1F800] =	vst v63  }
0xf4: {  	_ =	swait.ge [sflag:s30], $0x2800  }
0xf5: {  	[sflag:s30] =	ssyncset.done $0x0  }
0xf6: {  	s11 =	rddreg [dreg:$0xe];
	[sflag:s30] =	ssyncadd.s32 $0xFFFFD800  }
0xf7: {  	[hbm4b:s11+s3] =	stream.linear.scatter [tilespmem:s29], [sflag:$0x4], $0x2800, $0x38;
	[tilespmem:$0x1F800] =	vst v63  }
0xf8: {  	_ =	swait.ge [sflag:s30], $0x2800  }
0xf9: {  	[sflag:s30] =	ssyncset.done $0x0  }
0xfa: {  	[sflag:s30] =	ssyncadd.s32 $0xFFFFD800  }
0xfb: {  	[tilespmem:s29], [sflag:$0x4] =	stream.linear.gather [spmem:s24], $0x2800, $0x38;
	[tilespmem:$0x1F800] =	vst v63  }
0xfc: {  	_ =	swait.ge [sflag:s30], $0x2800  }
0xfd: {  	[sflag:s30] =	ssyncset.done $0x0  }
0xfe: {  	s13 =	rddreg [dreg:$0xf];
	[sflag:s30] =	ssyncadd.s32 $0xFFFFD800  }
0xff: {  	[hbm4b:s13+s3] =	stream.linear.scatter [tilespmem:s29], [sflag:$0x4], $0x2800, $0x38;
	[tilespmem:$0x1F800] =	vst v63  }
0x100: {  	_ =	swait.ge [sflag:s30], $0x2800  }
0x101: {  	[sflag:s30] =	ssyncset.done $0x0  }
0x102: {  	[sflag:s30] =	ssyncadd.s32 $0xFFFFD800  }
0x103: {  	[tilespmem:s31], [sflag:$0x4] =	stream.linear.gather [spmem:s25], $0x280, $0x38;
	[tilespmem:$0x1F800] =	vst v63  }
0x104: {  	s9 =	sadd.s32 $0x1, s9;
	_ =	swait.ge [sflag:s30], $0x280  }
0x105: {  	p0 =	sne.s32 s9, s26;
	s14 =	simm.s32 $0x80;
	[sflag:s30] =	ssyncset.done $0x0  }
.Ltmp3:
0x106: {  	s11 =	simm.s32 $0x100;
	[sflag:s30] =	ssyncadd.s32 $0xFFFFFD80;
	(pc) =	sbr.rel @p0 .LBB2_1-.Ltmp3, $4  }
0x107: {  	[hbm4b:s15+s14] =	stream.strided.scatter [tilespmem:s31], [sflag:$0x4], $0x280, s11, s14, $0x38;
	[tilespmem:$0x1F800] =	vst v63  }
0x108: {  	_ =	swait.ge [sflag:s30], $0x280  }
0x109: {  	[sflag:s30] =	ssyncset.done $0x0  }
0x10a: {  	[sflag:s30] =	ssyncadd.s32 $0xFFFFFD80  }
0x10b: {  	_ =	sfence.sel $0x180000  }
0x10c: {  	[bflag:$0x0] =	sbarrier.arrive $0xFFFF  }
0x10d: {  	_ =	strace $0x90000047  }
0x10e: {  	s0 =	stileid.u32;
	[bflag:$0x2] =	sbarrier.arrive $0xFFFF  }
0x10f: {  	p0 =	sne.s32 s0, $0x0;
	s0 =	rddreg [dreg:$0x6]  }
0x110: {  	s0 =	sadd.s32 @!p0 $0x100000, s0  }
0x111: {  	[sflag:s0] =	ssyncadd.tile.s32 @!p0 $0x1;
	_ =	shalt  }
.Lfunc_end2:
_tile_overlayer_lowered:
.L_overlay_start_2:
0x112: {  	(tag) =	ssettag $0x2  }
0x113: {  	s0 =	rddreg [dreg:$0x0];
	s2 =	stileid.u32  }
0x114: {  	s1 =	rddreg [dreg:$0x1];
	p0 =	sne.s32 s2, $0x0  }
0x115: {  	s3 =	rddreg [dreg:$0x2];
	[bflag:$0x3] =	sbarrier.arrive $0xFFFF;
	s2 =	simm.s32 @!p0 $0x1C04  }
0x116: {  	[timem:s3], [sflag:s2] =	dma.local @!p0 [hbm:s0], s1  }
0x117: {  	s0 =	simm.s32 @!p0 $0x4  }
0x118: {  	_ =	swait.ge @!p0 [sflag:s0], s1  }
0x119: {  	s1 =	ssub.s32 @!p0 $0x0, s1;
	[sflag:s0] =	ssyncset.done @!p0 $0x0  }
0x11a: {  	[sflag:s0] =	ssyncadd.s32 @!p0 s1  }
0x11b: {  	[bflag:$0x3] =	sbarrier.arrive $0xFFFF  }
0x11c: {  	_ =	shalt  }

</sc_bundles>
